<compile_context>
chip_gen: v7x
topology: tpu7x:2x2x1
jax: 0.10.2.dev20260603
libtpu: 0.0.44.dev20260713+nightly
codegen_flags: <defaults>
</compile_context>

<pallas_src>
import functools

import jax
import jax.numpy as jnp
from jax import lax
from jax.experimental import pallas as pl
from jax.experimental.pallas import tpu as pltpu
from jax.experimental.pallas import tpu_sc as plsc

_VOC = 100000
_SEQ = 200
_D = 64
_BATCH = 4096
_TOT = _BATCH * _SEQ

_NC = 2
_NS = 16
_NW = _NC * _NS
_ROWS_PER_W = _TOT // _NW
_C = 128
_NCHUNK = _ROWS_PER_W // _C
_NBUF = 4
_LOOKAHEAD = 2


def _make_sc_call():
    mesh = plsc.VectorSubcoreMesh(
        core_axis_name="c", subcore_axis_name="s",
        num_cores=_NC, num_subcores=_NS)

    @functools.partial(
        pl.kernel,
        out_type=jax.ShapeDtypeStruct((_TOT, _D), jnp.float32),
        mesh=mesh,
        compiler_params=pltpu.CompilerParams(use_tc_tiling_on_sc=False),
        scratch_types=[
            pltpu.VMEM((_NCHUNK, _C), jnp.int32),
            pltpu.VMEM((_SEQ + _C, _D), jnp.float32),
            [pltpu.VMEM((_C, _D), jnp.float32) for _ in range(_NBUF)],
            [pltpu.SemaphoreType.DMA for _ in range(_NBUF)],
            [pltpu.SemaphoreType.DMA for _ in range(_NBUF)],
        ],
    )
    def emb_kernel(idx_hbm, table_hbm, pos_hbm, out_hbm,
                   idx_v, pos_v, bufs, gsems, osems):
        wid = lax.axis_index("s") * _NC + lax.axis_index("c")
        base = wid * _ROWS_PER_W

        pltpu.sync_copy(idx_hbm.at[wid], idx_v)
        pltpu.sync_copy(pos_hbm, pos_v)

        def start_gather(j, b):
            pltpu.async_copy(table_hbm.at[idx_v.at[j]], bufs[b], gsems[b])

        def wait_gather(b):
            pltpu.make_async_copy(
                table_hbm.at[idx_v.at[0]], bufs[b], gsems[b]).wait()

        def start_out(j, b):
            pltpu.async_copy(
                bufs[b], out_hbm.at[pl.ds(base + j * _C, _C)], osems[b])

        def wait_out(b):
            pltpu.make_async_copy(
                bufs[b], out_hbm.at[pl.ds(base, _C)], osems[b]).wait()

        def add_pos(j, b):
            p = lax.rem(j * _C, _SEQ)
            buf = bufs[b]

            def body(r, carry):
                pr = p + r
                for c in range(_D // 16):
                    sl = pl.ds(c * 16, 16)
                    buf[r, sl] = buf[r, sl] + pos_v[pr, sl]
                return carry

            lax.fori_loop(0, _C, body, 0, unroll=2)

        start_gather(0, 0)
        start_gather(1, 1)

        for j in range(4):
            jn = j + _LOOKAHEAD
            bn = jn % _NBUF
            if jn >= _NBUF:
                wait_out(bn)
            start_gather(jn, bn)
            wait_gather(j % _NBUF)
            add_pos(j, j % _NBUF)
            start_out(j, j % _NBUF)

        def outer(t, carry):
            j0 = t * _NBUF
            for k in range(_NBUF):
                j = j0 + k
                jn = j + _LOOKAHEAD
                bn = (k + _LOOKAHEAD) % _NBUF
                wait_out(bn)
                start_gather(jn, bn)
                wait_gather(k)
                add_pos(j, k)
                start_out(j, k)
            return carry

        lax.fori_loop(1, _NCHUNK // _NBUF - 1, outer, 0)

        for j in range(_NCHUNK - 4, _NCHUNK):
            jn = j + _LOOKAHEAD
            b = j % _NBUF
            if jn < _NCHUNK:
                bn = jn % _NBUF
                wait_out(bn)
                start_gather(jn, bn)
            wait_gather(b)
            add_pos(j, b)
            start_out(j, b)

        for b in range(_NBUF):
            wait_out(b)

    return emb_kernel


_emb_call = _make_sc_call()


def kernel(x, embedding_weight, pos_embedding_weight):
    idx = x.astype(jnp.int32).reshape(_NW, _NCHUNK, _C)
    pos_ext = jnp.concatenate(
        [pos_embedding_weight, pos_embedding_weight[:_C]], axis=0)
    out = _emb_call(idx, embedding_weight, pos_ext)
    return out.reshape(_BATCH, _SEQ, _D)

# --- scband reference (transcript-rebuilt; emitter-appended) ---
"""Pipeline reference for scband-positional-embedding-21612275434259 (READ-ONLY COPY).

The authoritative reference and input builder live on the scoring server;
editing this copy changes nothing except your own understanding.
"""

import jax, jax.numpy as jnp
import numpy as np

VOC_SIZE = 100000
SEQ_SIZE = 200
EMBED_DIM = 64
BATCH = 4096


def setup_inputs(seed: int = 0) -> dict:
    key = jax.random.key(seed)
    k1, k2, k3 = jax.random.split(key, 3)
    x = jax.random.randint(k1, (BATCH, SEQ_SIZE), 0, VOC_SIZE, dtype=jnp.int64 if jax.config.jax_enable_x64 else jnp.int32)
    embedding_weight = jax.random.normal(k2, (VOC_SIZE, EMBED_DIM), dtype=jnp.float32)
    pos_embedding_weight = jax.random.normal(k3, (SEQ_SIZE, EMBED_DIM), dtype=jnp.float32)
    return {"x": x, "embedding_weight": embedding_weight, "pos_embedding_weight": pos_embedding_weight}


def reference(x, embedding_weight, pos_embedding_weight):
    # token embedding lookup: [B, S] -> [B, S, D]
    tok = jnp.take(embedding_weight, x, axis=0)
    # positional embedding lookup over registered positions arange(seq_size)
    positions = jnp.arange(SEQ_SIZE)
    p = jnp.take(pos_embedding_weight, positions, axis=0)  # [S, D]
    return tok + p[None, :, :]

if __name__ == "__main__":
    import jax
    _d = setup_inputs()
    print(jax.jit(kernel)(*tuple(_d.values())))

</pallas_src>

<mosaic_0001>
#map = affine_map<(d0, d1) -> (0, 0, 0)>
#map1 = affine_map<(d0, d1) -> (0, 0)>
module attributes {stable_mosaic.version = 14 : i64} {
  func.func @emb_kernel(%arg0: i32, %arg1: i32, %arg2: memref<32x200x128xi32, #tpu.memory_space<hbm>>, %arg3: memref<100000x64xf32, #tpu.memory_space<hbm>>, %arg4: memref<328x64xf32, #tpu.memory_space<hbm>>, %arg5: memref<819200x64xf32, #tpu.memory_space<hbm>>, %arg6: memref<200x128xi32, #tpu.memory_space<vmem>>, %arg7: memref<328x64xf32, #tpu.memory_space<vmem>>, %arg8: memref<128x64xf32, #tpu.memory_space<vmem>>, %arg9: memref<128x64xf32, #tpu.memory_space<vmem>>, %arg10: memref<128x64xf32, #tpu.memory_space<vmem>>, %arg11: memref<128x64xf32, #tpu.memory_space<vmem>>, %arg12: memref<!tpu.dma_semaphore, #tpu.memory_space<semaphore_mem>>, %arg13: memref<!tpu.dma_semaphore, #tpu.memory_space<semaphore_mem>>, %arg14: memref<!tpu.dma_semaphore, #tpu.memory_space<semaphore_mem>>, %arg15: memref<!tpu.dma_semaphore, #tpu.memory_space<semaphore_mem>>, %arg16: memref<!tpu.dma_semaphore, #tpu.memory_space<semaphore_mem>>, %arg17: memref<!tpu.dma_semaphore, #tpu.memory_space<semaphore_mem>>, %arg18: memref<!tpu.dma_semaphore, #tpu.memory_space<semaphore_mem>>, %arg19: memref<!tpu.dma_semaphore, #tpu.memory_space<semaphore_mem>>) attributes {dimension_semantics = [#tpu.dimension_semantics<core_parallel>, #tpu.dimension_semantics<subcore_parallel>], iteration_bounds = array<i64: 2, 16>, scalar_prefetch = 0 : i64, scratch_operands = 14 : i64, tpu.core_type = #tpu.core_type<sc_vector_subcore>, window_params = [{transform_indices = #map}, {transform_indices = #map1}, {transform_indices = #map1}, {transform_indices = #map1}]} {
    %mul3A = arith.constant 2 : i32
    %mul3A_0 = arith.muli %arg1, %mul3A : i32
    %add3A = arith.addi %mul3A_0, %arg0 : i32
    %mul3A_1 = arith.constant 25600 : i32
    %mul3A_2 = arith.muli %add3A, %mul3A_1 : i32
    "tpu.region"() ({
      %run_scoped3A = tpu.sem_alloc : memref<!tpu.dma_semaphore, #tpu.memory_space<semaphore_mem>>
      %dma_start3A_269 = arith.constant 0 : i32
      %dma_start3A_270 = arith.constant 0 : i32
      %dma_start3A_271 = tpu.memref_slice %arg2[%add3A, %dma_start3A_269, %dma_start3A_270] : memref<32x200x128xi32, #tpu.memory_space<hbm>> -> memref<1x200x128xi32, #tpu.memory_space<hbm>>
      %dma_start3A_272 = tpu.memref_squeeze %dma_start3A_271 : memref<1x200x128xi32, #tpu.memory_space<hbm>> -> memref<200x128xi32, #tpu.memory_space<hbm>>
      %dma_start3A_273 = arith.constant 0 : i32
      %dma_start3A_274 = arith.constant 0 : i32
      %dma_start3A_275 = tpu.memref_slice %arg2[%add3A, %dma_start3A_273, %dma_start3A_274] : memref<32x200x128xi32, #tpu.memory_space<hbm>> -> memref<1x200x128xi32, #tpu.memory_space<hbm>>
      %dma_start3A_276 = tpu.memref_squeeze %dma_start3A_275 : memref<1x200x128xi32, #tpu.memory_space<hbm>> -> memref<200x128xi32, #tpu.memory_space<hbm>>
      tpu.enqueue_dma source(%dma_start3A_276 : memref<200x128xi32, #tpu.memory_space<hbm>>) target(%arg6 : memref<200x128xi32, #tpu.memory_space<vmem>>) target_semaphore(%run_scoped3A : memref<!tpu.dma_semaphore, #tpu.memory_space<semaphore_mem>>)
      %dma_wait3A_277 = arith.constant 0 : i32
      %dma_wait3A_278 = arith.constant 0 : i32
      %dma_wait3A_279 = tpu.memref_slice %arg2[%add3A, %dma_wait3A_277, %dma_wait3A_278] : memref<32x200x128xi32, #tpu.memory_space<hbm>> -> memref<1x200x128xi32, #tpu.memory_space<hbm>>
      %dma_wait3A_280 = tpu.memref_squeeze %dma_wait3A_279 : memref<1x200x128xi32, #tpu.memory_space<hbm>> -> memref<200x128xi32, #tpu.memory_space<hbm>>
      %dma_wait3A_281 = arith.constant 0 : i32
      %dma_wait3A_282 = arith.constant 0 : i32
      %dma_wait3A_283 = tpu.memref_slice %arg2[%add3A, %dma_wait3A_281, %dma_wait3A_282] : memref<32x200x128xi32, #tpu.memory_space<hbm>> -> memref<1x200x128xi32, #tpu.memory_space<hbm>>
      %dma_wait3A_284 = tpu.memref_squeeze %dma_wait3A_283 : memref<1x200x128xi32, #tpu.memory_space<hbm>> -> memref<200x128xi32, #tpu.memory_space<hbm>>
      tpu.wait_dma2 semaphore(%run_scoped3A : memref<!tpu.dma_semaphore, #tpu.memory_space<semaphore_mem>>) src(%dma_wait3A_284 : memref<200x128xi32, #tpu.memory_space<hbm>>) dst(%arg6 : memref<200x128xi32, #tpu.memory_space<vmem>>)
      tpu.yield
    }) : () -> ()
    "tpu.region"() ({
      %run_scoped3A = tpu.sem_alloc : memref<!tpu.dma_semaphore, #tpu.memory_space<semaphore_mem>>
      tpu.enqueue_dma source(%arg4 : memref<328x64xf32, #tpu.memory_space<hbm>>) target(%arg7 : memref<328x64xf32, #tpu.memory_space<vmem>>) target_semaphore(%run_scoped3A : memref<!tpu.dma_semaphore, #tpu.memory_space<semaphore_mem>>)
      tpu.wait_dma2 semaphore(%run_scoped3A : memref<!tpu.dma_semaphore, #tpu.memory_space<semaphore_mem>>) src(%arg4 : memref<328x64xf32, #tpu.memory_space<hbm>>) dst(%arg7 : memref<328x64xf32, #tpu.memory_space<vmem>>)
      tpu.yield
    }) : () -> ()
    %dma_start3A = arith.constant 0 : i32
    %dma_start3A_3 = arith.constant 0 : i32
    %dma_start3A_4 = tpu.memref_slice %arg6[%dma_start3A, %dma_start3A_3] : memref<200x128xi32, #tpu.memory_space<vmem>> -> memref<1x128xi32, #tpu.memory_space<vmem>>
    %dma_start3A_5 = tpu.memref_squeeze %dma_start3A_4 : memref<1x128xi32, #tpu.memory_space<vmem>> -> memref<128xi32, #tpu.memory_space<vmem>>
    %dma_start3A_6 = arith.constant 0 : i32
    %dma_start3A_7 = arith.constant 0 : i32
    %dma_start3A_8 = tpu.memref_slice %arg3[%dma_start3A_6, %dma_start3A_7] : memref<100000x64xf32, #tpu.memory_space<hbm>> -> memref<100000x64xf32, #tpu.memory_space<hbm>>
    tpu.enqueue_indirect_dma source(%dma_start3A_8 : memref<100000x64xf32, #tpu.memory_space<hbm>>) target(%arg8 : memref<128x64xf32, #tpu.memory_space<vmem>>) offsets(%dma_start3A_5 : memref<128xi32, #tpu.memory_space<vmem>>) semaphore(%arg12 : memref<!tpu.dma_semaphore, #tpu.memory_space<semaphore_mem>>)
    %dma_start3A_9 = arith.constant 1 : i32
    %dma_start3A_10 = arith.constant 0 : i32
    %dma_start3A_11 = tpu.memref_slice %arg6[%dma_start3A_9, %dma_start3A_10] : memref<200x128xi32, #tpu.memory_space<vmem>> -> memref<1x128xi32, #tpu.memory_space<vmem>>
    %dma_start3A_12 = tpu.memref_squeeze %dma_start3A_11 : memref<1x128xi32, #tpu.memory_space<vmem>> -> memref<128xi32, #tpu.memory_space<vmem>>
    %dma_start3A_13 = arith.constant 0 : i32
    %dma_start3A_14 = arith.constant 0 : i32
    %dma_start3A_15 = tpu.memref_slice %arg3[%dma_start3A_13, %dma_start3A_14] : memref<100000x64xf32, #tpu.memory_space<hbm>> -> memref<100000x64xf32, #tpu.memory_space<hbm>>
    tpu.enqueue_indirect_dma source(%dma_start3A_15 : memref<100000x64xf32, #tpu.memory_space<hbm>>) target(%arg9 : memref<128x64xf32, #tpu.memory_space<vmem>>) offsets(%dma_start3A_12 : memref<128xi32, #tpu.memory_space<vmem>>) semaphore(%arg13 : memref<!tpu.dma_semaphore, #tpu.memory_space<semaphore_mem>>)
    %dma_start3A_16 = arith.constant 2 : i32
    %dma_start3A_17 = arith.constant 0 : i32
    %dma_start3A_18 = tpu.memref_slice %arg6[%dma_start3A_16, %dma_start3A_17] : memref<200x128xi32, #tpu.memory_space<vmem>> -> memref<1x128xi32, #tpu.memory_space<vmem>>
    %dma_start3A_19 = tpu.memref_squeeze %dma_start3A_18 : memref<1x128xi32, #tpu.memory_space<vmem>> -> memref<128xi32, #tpu.memory_space<vmem>>
    %dma_start3A_20 = arith.constant 0 : i32
    %dma_start3A_21 = arith.constant 0 : i32
    %dma_start3A_22 = tpu.memref_slice %arg3[%dma_start3A_20, %dma_start3A_21] : memref<100000x64xf32, #tpu.memory_space<hbm>> -> memref<100000x64xf32, #tpu.memory_space<hbm>>
    tpu.enqueue_indirect_dma source(%dma_start3A_22 : memref<100000x64xf32, #tpu.memory_space<hbm>>) target(%arg10 : memref<128x64xf32, #tpu.memory_space<vmem>>) offsets(%dma_start3A_19 : memref<128xi32, #tpu.memory_space<vmem>>) semaphore(%arg14 : memref<!tpu.dma_semaphore, #tpu.memory_space<semaphore_mem>>)
    %dma_wait3A = arith.constant 0 : i32
    %dma_wait3A_23 = arith.constant 0 : i32
    %dma_wait3A_24 = tpu.memref_slice %arg6[%dma_wait3A, %dma_wait3A_23] : memref<200x128xi32, #tpu.memory_space<vmem>> -> memref<1x128xi32, #tpu.memory_space<vmem>>
    %dma_wait3A_25 = tpu.memref_squeeze %dma_wait3A_24 : memref<1x128xi32, #tpu.memory_space<vmem>> -> memref<128xi32, #tpu.memory_space<vmem>>
    %dma_wait3A_26 = arith.constant 0 : i32
    %dma_wait3A_27 = arith.constant 0 : i32
    %dma_wait3A_28 = tpu.memref_slice %arg3[%dma_wait3A_26, %dma_wait3A_27] : memref<100000x64xf32, #tpu.memory_space<hbm>> -> memref<100000x64xf32, #tpu.memory_space<hbm>>
    tpu.wait_indirect_dma semaphore(%arg12 : memref<!tpu.dma_semaphore, #tpu.memory_space<semaphore_mem>>) src(%dma_wait3A_28 : memref<100000x64xf32, #tpu.memory_space<hbm>>) dst(%arg8 : memref<128x64xf32, #tpu.memory_space<vmem>>)
    %rem3A = arith.constant 0 : i32
    %rem3A_29 = arith.constant 200 : i32
    %rem3A_30 = arith.remsi %rem3A, %rem3A_29 : i32
    %scan3A = arith.constant 0 : i32
    %scan3A_31 = arith.constant 0 : i32
    %scan3A_32 = arith.constant 128 : i32
    %scan3A_33 = arith.addi %scan3A_31, %scan3A_32 : i32
    %scan3A_34 = arith.constant 2 : i32
    scf.for %scan3A_269 = %scan3A_31 to %scan3A_33 step %scan3A_34  : i32 {
      %add3A_270 = arith.addi %rem3A_30, %scan3A_269 : i32
      %get3A = arith.index_cast %scan3A_269 : i32 to index
      %get3A_271 = arith.constant 0 : index
      %get3A_272 = tpu.vector_load %arg8[%get3A, %get3A_271] {strides = array<i32>} : memref<128x64xf32, #tpu.memory_space<vmem>>, vector<1x16xf32>,
      %get3A_273 = vector.shape_cast %get3A_272 : vector<1x16xf32> to vector<16xf32>
      %get3A_274 = arith.index_cast %add3A_270 : i32 to index
      %get3A_275 = arith.constant 0 : index
      %get3A_276 = tpu.vector_load %arg7[%get3A_274, %get3A_275] {strides = array<i32>} : memref<328x64xf32, #tpu.memory_space<vmem>>, vector<1x16xf32>,
      %get3A_277 = vector.shape_cast %get3A_276 : vector<1x16xf32> to vector<16xf32>
      %add3A_278 = arith.addf %get3A_273, %get3A_277 : vector<16xf32>
      %swap3A = arith.index_cast %scan3A_269 : i32 to index
      %swap3A_279 = arith.constant 0 : index
      %swap3A_280 = tpu.vector_load %arg8[%swap3A, %swap3A_279] {strides = array<i32>} : memref<128x64xf32, #tpu.memory_space<vmem>>, vector<1x16xf32>,
      %swap3A_281 = vector.shape_cast %swap3A_280 : vector<1x16xf32> to vector<16xf32>
      %swap3A_282 = vector.shape_cast %add3A_278 : vector<16xf32> to vector<1x16xf32>
      tpu.vector_store %arg8[%swap3A, %swap3A_279], %swap3A_282 {strides = array<i32>} : memref<128x64xf32, #tpu.memory_space<vmem>>, vector<1x16xf32>,
      %get3A_283 = arith.index_cast %scan3A_269 : i32 to index
      %get3A_284 = arith.constant 16 : index
      %get3A_285 = tpu.vector_load %arg8[%get3A_283, %get3A_284] {strides = array<i32>} : memref<128x64xf32, #tpu.memory_space<vmem>>, vector<1x16xf32>,
      %get3A_286 = vector.shape_cast %get3A_285 : vector<1x16xf32> to vector<16xf32>
      %get3A_287 = arith.index_cast %add3A_270 : i32 to index
      %get3A_288 = arith.constant 16 : index
      %get3A_289 = tpu.vector_load %arg7[%get3A_287, %get3A_288] {strides = array<i32>} : memref<328x64xf32, #tpu.memory_space<vmem>>, vector<1x16xf32>,
      %get3A_290 = vector.shape_cast %get3A_289 : vector<1x16xf32> to vector<16xf32>
      %add3A_291 = arith.addf %get3A_286, %get3A_290 : vector<16xf32>
      %swap3A_292 = arith.index_cast %scan3A_269 : i32 to index
      %swap3A_293 = arith.constant 16 : index
      %swap3A_294 = tpu.vector_load %arg8[%swap3A_292, %swap3A_293] {strides = array<i32>} : memref<128x64xf32, #tpu.memory_space<vmem>>, vector<1x16xf32>,
      %swap3A_295 = vector.shape_cast %swap3A_294 : vector<1x16xf32> to vector<16xf32>
      %swap3A_296 = vector.shape_cast %add3A_291 : vector<16xf32> to vector<1x16xf32>
      tpu.vector_store %arg8[%swap3A_292, %swap3A_293], %swap3A_296 {strides = array<i32>} : memref<128x64xf32, #tpu.memory_space<vmem>>, vector<1x16xf32>,
      %get3A_297 = arith.index_cast %scan3A_269 : i32 to index
      %get3A_298 = arith.constant 32 : index
      %get3A_299 = tpu.vector_load %arg8[%get3A_297, %get3A_298] {strides = array<i32>} : memref<128x64xf32, #tpu.memory_space<vmem>>, vector<1x16xf32>,
      %get3A_300 = vector.shape_cast %get3A_299 : vector<1x16xf32> to vector<16xf32>
      %get3A_301 = arith.index_cast %add3A_270 : i32 to index
      %get3A_302 = arith.constant 32 : index
      %get3A_303 = tpu.vector_load %arg7[%get3A_301, %get3A_302] {strides = array<i32>} : memref<328x64xf32, #tpu.memory_space<vmem>>, vector<1x16xf32>,
      %get3A_304 = vector.shape_cast %get3A_303 : vector<1x16xf32> to vector<16xf32>
      %add3A_305 = arith.addf %get3A_300, %get3A_304 : vector<16xf32>
      %swap3A_306 = arith.index_cast %scan3A_269 : i32 to index
      %swap3A_307 = arith.constant 32 : index
      %swap3A_308 = tpu.vector_load %arg8[%swap3A_306, %swap3A_307] {strides = array<i32>} : memref<128x64xf32, #tpu.memory_space<vmem>>, vector<1x16xf32>,
      %swap3A_309 = vector.shape_cast %swap3A_308 : vector<1x16xf32> to vector<16xf32>
      %swap3A_310 = vector.shape_cast %add3A_305 : vector<16xf32> to vector<1x16xf32>
      tpu.vector_store %arg8[%swap3A_306, %swap3A_307], %swap3A_310 {strides = array<i32>} : memref<128x64xf32, #tpu.memory_space<vmem>>, vector<1x16xf32>,
      %get3A_311 = arith.index_cast %scan3A_269 : i32 to index
      %get3A_312 = arith.constant 48 : index
      %get3A_313 = tpu.vector_load %arg8[%get3A_311, %get3A_312] {strides = array<i32>} : memref<128x64xf32, #tpu.memory_space<vmem>>, vector<1x16xf32>,
      %get3A_314 = vector.shape_cast %get3A_313 : vector<1x16xf32> to vector<16xf32>
      %get3A_315 = arith.index_cast %add3A_270 : i32 to index
      %get3A_316 = arith.constant 48 : index
      %get3A_317 = tpu.vector_load %arg7[%get3A_315, %get3A_316] {strides = array<i32>} : memref<328x64xf32, #tpu.memory_space<vmem>>, vector<1x16xf32>,
      %get3A_318 = vector.shape_cast %get3A_317 : vector<1x16xf32> to vector<16xf32>
      %add3A_319 = arith.addf %get3A_314, %get3A_318 : vector<16xf32>
      %swap3A_320 = arith.index_cast %scan3A_269 : i32 to index
      %swap3A_321 = arith.constant 48 : index
      %swap3A_322 = tpu.vector_load %arg8[%swap3A_320, %swap3A_321] {strides = array<i32>} : memref<128x64xf32, #tpu.memory_space<vmem>>, vector<1x16xf32>,
      %swap3A_323 = vector.shape_cast %swap3A_322 : vector<1x16xf32> to vector<16xf32>
      %swap3A_324 = vector.shape_cast %add3A_319 : vector<16xf32> to vector<1x16xf32>
      tpu.vector_store %arg8[%swap3A_320, %swap3A_321], %swap3A_324 {strides = array<i32>} : memref<128x64xf32, #tpu.memory_space<vmem>>, vector<1x16xf32>,
      %scan3A_325 = arith.constant 1 : i32
      %scan3A_326 = arith.addi %scan3A_269, %scan3A_325 : i32
      %add3A_327 = arith.addi %rem3A_30, %scan3A_326 : i32
      %get3A_328 = arith.index_cast %scan3A_326 : i32 to index
      %get3A_329 = arith.constant 0 : index
      %get3A_330 = tpu.vector_load %arg8[%get3A_328, %get3A_329] {strides = array<i32>} : memref<128x64xf32, #tpu.memory_space<vmem>>, vector<1x16xf32>,
      %get3A_331 = vector.shape_cast %get3A_330 : vector<1x16xf32> to vector<16xf32>
      %get3A_332 = arith.index_cast %add3A_327 : i32 to index
      %get3A_333 = arith.constant 0 : index
      %get3A_334 = tpu.vector_load %arg7[%get3A_332, %get3A_333] {strides = array<i32>} : memref<328x64xf32, #tpu.memory_space<vmem>>, vector<1x16xf32>,
      %get3A_335 = vector.shape_cast %get3A_334 : vector<1x16xf32> to vector<16xf32>
      %add3A_336 = arith.addf %get3A_331, %get3A_335 : vector<16xf32>
      %swap3A_337 = arith.index_cast %scan3A_326 : i32 to index
      %swap3A_338 = arith.constant 0 : index
      %swap3A_339 = tpu.vector_load %arg8[%swap3A_337, %swap3A_338] {strides = array<i32>} : memref<128x64xf32, #tpu.memory_space<vmem>>, vector<1x16xf32>,
      %swap3A_340 = vector.shape_cast %swap3A_339 : vector<1x16xf32> to vector<16xf32>
      %swap3A_341 = vector.shape_cast %add3A_336 : vector<16xf32> to vector<1x16xf32>
      tpu.vector_store %arg8[%swap3A_337, %swap3A_338], %swap3A_341 {strides = array<i32>} : memref<128x64xf32, #tpu.memory_space<vmem>>, vector<1x16xf32>,
      %get3A_342 = arith.index_cast %scan3A_326 : i32 to index
      %get3A_343 = arith.constant 16 : index
      %get3A_344 = tpu.vector_load %arg8[%get3A_342, %get3A_343] {strides = array<i32>} : memref<128x64xf32, #tpu.memory_space<vmem>>, vector<1x16xf32>,
      %get3A_345 = vector.shape_cast %get3A_344 : vector<1x16xf32> to vector<16xf32>
      %get3A_346 = arith.index_cast %add3A_327 : i32 to index
      %get3A_347 = arith.constant 16 : index
      %get3A_348 = tpu.vector_load %arg7[%get3A_346, %get3A_347] {strides = array<i32>} : memref<328x64xf32, #tpu.memory_space<vmem>>, vector<1x16xf32>,
      %get3A_349 = vector.shape_cast %get3A_348 : vector<1x16xf32> to vector<16xf32>
      %add3A_350 = arith.addf %get3A_345, %get3A_349 : vector<16xf32>
      %swap3A_351 = arith.index_cast %scan3A_326 : i32 to index
      %swap3A_352 = arith.constant 16 : index
      %swap3A_353 = tpu.vector_load %arg8[%swap3A_351, %swap3A_352] {strides = array<i32>} : memref<128x64xf32, #tpu.memory_space<vmem>>, vector<1x16xf32>,
      %swap3A_354 = vector.shape_cast %swap3A_353 : vector<1x16xf32> to vector<16xf32>
      %swap3A_355 = vector.shape_cast %add3A_350 : vector<16xf32> to vector<1x16xf32>
      tpu.vector_store %arg8[%swap3A_351, %swap3A_352], %swap3A_355 {strides = array<i32>} : memref<128x64xf32, #tpu.memory_space<vmem>>, vector<1x16xf32>,
      %get3A_356 = arith.index_cast %scan3A_326 : i32 to index
      %get3A_357 = arith.constant 32 : index
      %get3A_358 = tpu.vector_load %arg8[%get3A_356, %get3A_357] {strides = array<i32>} : memref<128x64xf32, #tpu.memory_space<vmem>>, vector<1x16xf32>,
      %get3A_359 = vector.shape_cast %get3A_358 : vector<1x16xf32> to vector<16xf32>
      %get3A_360 = arith.index_cast %add3A_327 : i32 to index
      %get3A_361 = arith.constant 32 : index
      %get3A_362 = tpu.vector_load %arg7[%get3A_360, %get3A_361] {strides = array<i32>} : memref<328x64xf32, #tpu.memory_space<vmem>>, vector<1x16xf32>,
      %get3A_363 = vector.shape_cast %get3A_362 : vector<1x16xf32> to vector<16xf32>
      %add3A_364 = arith.addf %get3A_359, %get3A_363 : vector<16xf32>
      %swap3A_365 = arith.index_cast %scan3A_326 : i32 to index
      %swap3A_366 = arith.constant 32 : index
      %swap3A_367 = tpu.vector_load %arg8[%swap3A_365, %swap3A_366] {strides = array<i32>} : memref<128x64xf32, #tpu.memory_space<vmem>>, vector<1x16xf32>,
      %swap3A_368 = vector.shape_cast %swap3A_367 : vector<1x16xf32> to vector<16xf32>
      %swap3A_369 = vector.shape_cast %add3A_364 : vector<16xf32> to vector<1x16xf32>
      tpu.vector_store %arg8[%swap3A_365, %swap3A_366], %swap3A_369 {strides = array<i32>} : memref<128x64xf32, #tpu.memory_space<vmem>>, vector<1x16xf32>,
      %get3A_370 = arith.index_cast %scan3A_326 : i32 to index
      %get3A_371 = arith.constant 48 : index
      %get3A_372 = tpu.vector_load %arg8[%get3A_370, %get3A_371] {strides = array<i32>} : memref<128x64xf32, #tpu.memory_space<vmem>>, vector<1x16xf32>,
      %get3A_373 = vector.shape_cast %get3A_372 : vector<1x16xf32> to vector<16xf32>
      %get3A_374 = arith.index_cast %add3A_327 : i32 to index
      %get3A_375 = arith.constant 48 : index
      %get3A_376 = tpu.vector_load %arg7[%get3A_374, %get3A_375] {strides = array<i32>} : memref<328x64xf32, #tpu.memory_space<vmem>>, vector<1x16xf32>,
      %get3A_377 = vector.shape_cast %get3A_376 : vector<1x16xf32> to vector<16xf32>
      %add3A_378 = arith.addf %get3A_373, %get3A_377 : vector<16xf32>
      %swap3A_379 = arith.index_cast %scan3A_326 : i32 to index
      %swap3A_380 = arith.constant 48 : index
      %swap3A_381 = tpu.vector_load %arg8[%swap3A_379, %swap3A_380] {strides = array<i32>} : memref<128x64xf32, #tpu.memory_space<vmem>>, vector<1x16xf32>,
      %swap3A_382 = vector.shape_cast %swap3A_381 : vector<1x16xf32> to vector<16xf32>
      %swap3A_383 = vector.shape_cast %add3A_378 : vector<16xf32> to vector<1x16xf32>
      tpu.vector_store %arg8[%swap3A_379, %swap3A_380], %swap3A_383 {strides = array<i32>} : memref<128x64xf32, #tpu.memory_space<vmem>>, vector<1x16xf32>,
    }
    %scan3A_35 = arith.constant 128 : i32
    %add3A_36 = arith.constant 0 : i32
    %add3A_37 = arith.addi %mul3A_2, %add3A_36 : i32
    %dma_start3A_38 = arith.constant 0 : i32
    %dma_start3A_39 = tpu.memref_slice %arg5[%add3A_37, %dma_start3A_38] : memref<819200x64xf32, #tpu.memory_space<hbm>> -> memref<128x64xf32, #tpu.memory_space<hbm>>
    %dma_start3A_40 = arith.constant 0 : i32
    %dma_start3A_41 = tpu.memref_slice %arg5[%add3A_37, %dma_start3A_40] : memref<819200x64xf32, #tpu.memory_space<hbm>> -> memref<128x64xf32, #tpu.memory_space<hbm>>
    tpu.enqueue_dma source(%arg8 : memref<128x64xf32, #tpu.memory_space<vmem>>) target(%dma_start3A_41 : memref<128x64xf32, #tpu.memory_space<hbm>>) target_semaphore(%arg16 : memref<!tpu.dma_semaphore, #tpu.memory_space<semaphore_mem>>)
    %dma_start3A_42 = arith.constant 3 : i32
    %dma_start3A_43 = arith.constant 0 : i32
    %dma_start3A_44 = tpu.memref_slice %arg6[%dma_start3A_42, %dma_start3A_43] : memref<200x128xi32, #tpu.memory_space<vmem>> -> memref<1x128xi32, #tpu.memory_space<vmem>>
    %dma_start3A_45 = tpu.memref_squeeze %dma_start3A_44 : memref<1x128xi32, #tpu.memory_space<vmem>> -> memref<128xi32, #tpu.memory_space<vmem>>
    %dma_start3A_46 = arith.constant 0 : i32
    %dma_start3A_47 = arith.constant 0 : i32
    %dma_start3A_48 = tpu.memref_slice %arg3[%dma_start3A_46, %dma_start3A_47] : memref<100000x64xf32, #tpu.memory_space<hbm>> -> memref<100000x64xf32, #tpu.memory_space<hbm>>
    tpu.enqueue_indirect_dma source(%dma_start3A_48 : memref<100000x64xf32, #tpu.memory_space<hbm>>) target(%arg11 : memref<128x64xf32, #tpu.memory_space<vmem>>) offsets(%dma_start3A_45 : memref<128xi32, #tpu.memory_space<vmem>>) semaphore(%arg15 : memref<!tpu.dma_semaphore, #tpu.memory_space<semaphore_mem>>)
    %dma_wait3A_49 = arith.constant 0 : i32
    %dma_wait3A_50 = arith.constant 0 : i32
    %dma_wait3A_51 = tpu.memref_slice %arg6[%dma_wait3A_49, %dma_wait3A_50] : memref<200x128xi32, #tpu.memory_space<vmem>> -> memref<1x128xi32, #tpu.memory_space<vmem>>
    %dma_wait3A_52 = tpu.memref_squeeze %dma_wait3A_51 : memref<1x128xi32, #tpu.memory_space<vmem>> -> memref<128xi32, #tpu.memory_space<vmem>>
    %dma_wait3A_53 = arith.constant 0 : i32
    %dma_wait3A_54 = arith.constant 0 : i32
    %dma_wait3A_55 = tpu.memref_slice %arg3[%dma_wait3A_53, %dma_wait3A_54] : memref<100000x64xf32, #tpu.memory_space<hbm>> -> memref<100000x64xf32, #tpu.memory_space<hbm>>
    tpu.wait_indirect_dma semaphore(%arg13 : memref<!tpu.dma_semaphore, #tpu.memory_space<semaphore_mem>>) src(%dma_wait3A_55 : memref<100000x64xf32, #tpu.memory_space<hbm>>) dst(%arg9 : memref<128x64xf32, #tpu.memory_space<vmem>>)
    %rem3A_56 = arith.constant 128 : i32
    %rem3A_57 = arith.constant 200 : i32
    %rem3A_58 = arith.remsi %rem3A_56, %rem3A_57 : i32
    %scan3A_59 = arith.constant 0 : i32
    %scan3A_60 = arith.constant 0 : i32
    %scan3A_61 = arith.constant 128 : i32
    %scan3A_62 = arith.addi %scan3A_60, %scan3A_61 : i32
    %scan3A_63 = arith.constant 2 : i32
    scf.for %scan3A_269 = %scan3A_60 to %scan3A_62 step %scan3A_63  : i32 {
      %add3A_270 = arith.addi %rem3A_58, %scan3A_269 : i32
      %get3A = arith.index_cast %scan3A_269 : i32 to index
      %get3A_271 = arith.constant 0 : index
      %get3A_272 = tpu.vector_load %arg9[%get3A, %get3A_271] {strides = array<i32>} : memref<128x64xf32, #tpu.memory_space<vmem>>, vector<1x16xf32>,
      %get3A_273 = vector.shape_cast %get3A_272 : vector<1x16xf32> to vector<16xf32>
      %get3A_274 = arith.index_cast %add3A_270 : i32 to index
      %get3A_275 = arith.constant 0 : index
      %get3A_276 = tpu.vector_load %arg7[%get3A_274, %get3A_275] {strides = array<i32>} : memref<328x64xf32, #tpu.memory_space<vmem>>, vector<1x16xf32>,
      %get3A_277 = vector.shape_cast %get3A_276 : vector<1x16xf32> to vector<16xf32>
      %add3A_278 = arith.addf %get3A_273, %get3A_277 : vector<16xf32>
      %swap3A = arith.index_cast %scan3A_269 : i32 to index
      %swap3A_279 = arith.constant 0 : index
      %swap3A_280 = tpu.vector_load %arg9[%swap3A, %swap3A_279] {strides = array<i32>} : memref<128x64xf32, #tpu.memory_space<vmem>>, vector<1x16xf32>,
      %swap3A_281 = vector.shape_cast %swap3A_280 : vector<1x16xf32> to vector<16xf32>
      %swap3A_282 = vector.shape_cast %add3A_278 : vector<16xf32> to vector<1x16xf32>
      tpu.vector_store %arg9[%swap3A, %swap3A_279], %swap3A_282 {strides = array<i32>} : memref<128x64xf32, #tpu.memory_space<vmem>>, vector<1x16xf32>,
      %get3A_283 = arith.index_cast %scan3A_269 : i32 to index
      %get3A_284 = arith.constant 16 : index
      %get3A_285 = tpu.vector_load %arg9[%get3A_283, %get3A_284] {strides = array<i32>} : memref<128x64xf32, #tpu.memory_space<vmem>>, vector<1x16xf32>,
      %get3A_286 = vector.shape_cast %get3A_285 : vector<1x16xf32> to vector<16xf32>
      %get3A_287 = arith.index_cast %add3A_270 : i32 to index
      %get3A_288 = arith.constant 16 : index
      %get3A_289 = tpu.vector_load %arg7[%get3A_287, %get3A_288] {strides = array<i32>} : memref<328x64xf32, #tpu.memory_space<vmem>>, vector<1x16xf32>,
      %get3A_290 = vector.shape_cast %get3A_289 : vector<1x16xf32> to vector<16xf32>
      %add3A_291 = arith.addf %get3A_286, %get3A_290 : vector<16xf32>
      %swap3A_292 = arith.index_cast %scan3A_269 : i32 to index
      %swap3A_293 = arith.constant 16 : index
      %swap3A_294 = tpu.vector_load %arg9[%swap3A_292, %swap3A_293] {strides = array<i32>} : memref<128x64xf32, #tpu.memory_space<vmem>>, vector<1x16xf32>,
      %swap3A_295 = vector.shape_cast %swap3A_294 : vector<1x16xf32> to vector<16xf32>
      %swap3A_296 = vector.shape_cast %add3A_291 : vector<16xf32> to vector<1x16xf32>
      tpu.vector_store %arg9[%swap3A_292, %swap3A_293], %swap3A_296 {strides = array<i32>} : memref<128x64xf32, #tpu.memory_space<vmem>>, vector<1x16xf32>,
      %get3A_297 = arith.index_cast %scan3A_269 : i32 to index
      %get3A_298 = arith.constant 32 : index
      %get3A_299 = tpu.vector_load %arg9[%get3A_297, %get3A_298] {strides = array<i32>} : memref<128x64xf32, #tpu.memory_space<vmem>>, vector<1x16xf32>,
      %get3A_300 = vector.shape_cast %get3A_299 : vector<1x16xf32> to vector<16xf32>
      %get3A_301 = arith.index_cast %add3A_270 : i32 to index
      %get3A_302 = arith.constant 32 : index
      %get3A_303 = tpu.vector_load %arg7[%get3A_301, %get3A_302] {strides = array<i32>} : memref<328x64xf32, #tpu.memory_space<vmem>>, vector<1x16xf32>,
      %get3A_304 = vector.shape_cast %get3A_303 : vector<1x16xf32> to vector<16xf32>
      %add3A_305 = arith.addf %get3A_300, %get3A_304 : vector<16xf32>
      %swap3A_306 = arith.index_cast %scan3A_269 : i32 to index
      %swap3A_307 = arith.constant 32 : index
      %swap3A_308 = tpu.vector_load %arg9[%swap3A_306, %swap3A_307] {strides = array<i32>} : memref<128x64xf32, #tpu.memory_space<vmem>>, vector<1x16xf32>,
      %swap3A_309 = vector.shape_cast %swap3A_308 : vector<1x16xf32> to vector<16xf32>
      %swap3A_310 = vector.shape_cast %add3A_305 : vector<16xf32> to vector<1x16xf32>
      tpu.vector_store %arg9[%swap3A_306, %swap3A_307], %swap3A_310 {strides = array<i32>} : memref<128x64xf32, #tpu.memory_space<vmem>>, vector<1x16xf32>,
      %get3A_311 = arith.index_cast %scan3A_269 : i32 to index
      %get3A_312 = arith.constant 48 : index
      %get3A_313 = tpu.vector_load %arg9[%get3A_311, %get3A_312] {strides = array<i32>} : memref<128x64xf32, #tpu.memory_space<vmem>>, vector<1x16xf32>,
      %get3A_314 = vector.shape_cast %get3A_313 : vector<1x16xf32> to vector<16xf32>
      %get3A_315 = arith.index_cast %add3A_270 : i32 to index
      %get3A_316 = arith.constant 48 : index
      %get3A_317 = tpu.vector_load %arg7[%get3A_315, %get3A_316] {strides = array<i32>} : memref<328x64xf32, #tpu.memory_space<vmem>>, vector<1x16xf32>,
      %get3A_318 = vector.shape_cast %get3A_317 : vector<1x16xf32> to vector<16xf32>
      %add3A_319 = arith.addf %get3A_314, %get3A_318 : vector<16xf32>
      %swap3A_320 = arith.index_cast %scan3A_269 : i32 to index
      %swap3A_321 = arith.constant 48 : index
      %swap3A_322 = tpu.vector_load %arg9[%swap3A_320, %swap3A_321] {strides = array<i32>} : memref<128x64xf32, #tpu.memory_space<vmem>>, vector<1x16xf32>,
      %swap3A_323 = vector.shape_cast %swap3A_322 : vector<1x16xf32> to vector<16xf32>
      %swap3A_324 = vector.shape_cast %add3A_319 : vector<16xf32> to vector<1x16xf32>
      tpu.vector_store %arg9[%swap3A_320, %swap3A_321], %swap3A_324 {strides = array<i32>} : memref<128x64xf32, #tpu.memory_space<vmem>>, vector<1x16xf32>,
      %scan3A_325 = arith.constant 1 : i32
      %scan3A_326 = arith.addi %scan3A_269, %scan3A_325 : i32
      %add3A_327 = arith.addi %rem3A_58, %scan3A_326 : i32
      %get3A_328 = arith.index_cast %scan3A_326 : i32 to index
      %get3A_329 = arith.constant 0 : index
      %get3A_330 = tpu.vector_load %arg9[%get3A_328, %get3A_329] {strides = array<i32>} : memref<128x64xf32, #tpu.memory_space<vmem>>, vector<1x16xf32>,
      %get3A_331 = vector.shape_cast %get3A_330 : vector<1x16xf32> to vector<16xf32>
      %get3A_332 = arith.index_cast %add3A_327 : i32 to index
      %get3A_333 = arith.constant 0 : index
      %get3A_334 = tpu.vector_load %arg7[%get3A_332, %get3A_333] {strides = array<i32>} : memref<328x64xf32, #tpu.memory_space<vmem>>, vector<1x16xf32>,
      %get3A_335 = vector.shape_cast %get3A_334 : vector<1x16xf32> to vector<16xf32>
      %add3A_336 = arith.addf %get3A_331, %get3A_335 : vector<16xf32>
      %swap3A_337 = arith.index_cast %scan3A_326 : i32 to index
      %swap3A_338 = arith.constant 0 : index
      %swap3A_339 = tpu.vector_load %arg9[%swap3A_337, %swap3A_338] {strides = array<i32>} : memref<128x64xf32, #tpu.memory_space<vmem>>, vector<1x16xf32>,
      %swap3A_340 = vector.shape_cast %swap3A_339 : vector<1x16xf32> to vector<16xf32>
      %swap3A_341 = vector.shape_cast %add3A_336 : vector<16xf32> to vector<1x16xf32>
      tpu.vector_store %arg9[%swap3A_337, %swap3A_338], %swap3A_341 {strides = array<i32>} : memref<128x64xf32, #tpu.memory_space<vmem>>, vector<1x16xf32>,
      %get3A_342 = arith.index_cast %scan3A_326 : i32 to index
      %get3A_343 = arith.constant 16 : index
      %get3A_344 = tpu.vector_load %arg9[%get3A_342, %get3A_343] {strides = array<i32>} : memref<128x64xf32, #tpu.memory_space<vmem>>, vector<1x16xf32>,
      %get3A_345 = vector.shape_cast %get3A_344 : vector<1x16xf32> to vector<16xf32>
      %get3A_346 = arith.index_cast %add3A_327 : i32 to index
      %get3A_347 = arith.constant 16 : index
      %get3A_348 = tpu.vector_load %arg7[%get3A_346, %get3A_347] {strides = array<i32>} : memref<328x64xf32, #tpu.memory_space<vmem>>, vector<1x16xf32>,
      %get3A_349 = vector.shape_cast %get3A_348 : vector<1x16xf32> to vector<16xf32>
      %add3A_350 = arith.addf %get3A_345, %get3A_349 : vector<16xf32>
      %swap3A_351 = arith.index_cast %scan3A_326 : i32 to index
      %swap3A_352 = arith.constant 16 : index
      %swap3A_353 = tpu.vector_load %arg9[%swap3A_351, %swap3A_352] {strides = array<i32>} : memref<128x64xf32, #tpu.memory_space<vmem>>, vector<1x16xf32>,
      %swap3A_354 = vector.shape_cast %swap3A_353 : vector<1x16xf32> to vector<16xf32>
      %swap3A_355 = vector.shape_cast %add3A_350 : vector<16xf32> to vector<1x16xf32>
      tpu.vector_store %arg9[%swap3A_351, %swap3A_352], %swap3A_355 {strides = array<i32>} : memref<128x64xf32, #tpu.memory_space<vmem>>, vector<1x16xf32>,
      %get3A_356 = arith.index_cast %scan3A_326 : i32 to index
      %get3A_357 = arith.constant 32 : index
      %get3A_358 = tpu.vector_load %arg9[%get3A_356, %get3A_357] {strides = array<i32>} : memref<128x64xf32, #tpu.memory_space<vmem>>, vector<1x16xf32>,
      %get3A_359 = vector.shape_cast %get3A_358 : vector<1x16xf32> to vector<16xf32>
      %get3A_360 = arith.index_cast %add3A_327 : i32 to index
      %get3A_361 = arith.constant 32 : index
      %get3A_362 = tpu.vector_load %arg7[%get3A_360, %get3A_361] {strides = array<i32>} : memref<328x64xf32, #tpu.memory_space<vmem>>, vector<1x16xf32>,
      %get3A_363 = vector.shape_cast %get3A_362 : vector<1x16xf32> to vector<16xf32>
      %add3A_364 = arith.addf %get3A_359, %get3A_363 : vector<16xf32>
      %swap3A_365 = arith.index_cast %scan3A_326 : i32 to index
      %swap3A_366 = arith.constant 32 : index
      %swap3A_367 = tpu.vector_load %arg9[%swap3A_365, %swap3A_366] {strides = array<i32>} : memref<128x64xf32, #tpu.memory_space<vmem>>, vector<1x16xf32>,
      %swap3A_368 = vector.shape_cast %swap3A_367 : vector<1x16xf32> to vector<16xf32>
      %swap3A_369 = vector.shape_cast %add3A_364 : vector<16xf32> to vector<1x16xf32>
      tpu.vector_store %arg9[%swap3A_365, %swap3A_366], %swap3A_369 {strides = array<i32>} : memref<128x64xf32, #tpu.memory_space<vmem>>, vector<1x16xf32>,
      %get3A_370 = arith.index_cast %scan3A_326 : i32 to index
      %get3A_371 = arith.constant 48 : index
      %get3A_372 = tpu.vector_load %arg9[%get3A_370, %get3A_371] {strides = array<i32>} : memref<128x64xf32, #tpu.memory_space<vmem>>, vector<1x16xf32>,
      %get3A_373 = vector.shape_cast %get3A_372 : vector<1x16xf32> to vector<16xf32>
      %get3A_374 = arith.index_cast %add3A_327 : i32 to index
      %get3A_375 = arith.constant 48 : index
      %get3A_376 = tpu.vector_load %arg7[%get3A_374, %get3A_375] {strides = array<i32>} : memref<328x64xf32, #tpu.memory_space<vmem>>, vector<1x16xf32>,
      %get3A_377 = vector.shape_cast %get3A_376 : vector<1x16xf32> to vector<16xf32>
      %add3A_378 = arith.addf %get3A_373, %get3A_377 : vector<16xf32>
      %swap3A_379 = arith.index_cast %scan3A_326 : i32 to index
      %swap3A_380 = arith.constant 48 : index
      %swap3A_381 = tpu.vector_load %arg9[%swap3A_379, %swap3A_380] {strides = array<i32>} : memref<128x64xf32, #tpu.memory_space<vmem>>, vector<1x16xf32>,
      %swap3A_382 = vector.shape_cast %swap3A_381 : vector<1x16xf32> to vector<16xf32>
      %swap3A_383 = vector.shape_cast %add3A_378 : vector<16xf32> to vector<1x16xf32>
      tpu.vector_store %arg9[%swap3A_379, %swap3A_380], %swap3A_383 {strides = array<i32>} : memref<128x64xf32, #tpu.memory_space<vmem>>, vector<1x16xf32>,
    }
    %scan3A_64 = arith.constant 128 : i32
    %add3A_65 = arith.constant 128 : i32
    %add3A_66 = arith.addi %mul3A_2, %add3A_65 : i32
    %dma_start3A_67 = arith.constant 0 : i32
    %dma_start3A_68 = tpu.memref_slice %arg5[%add3A_66, %dma_start3A_67] : memref<819200x64xf32, #tpu.memory_space<hbm>> -> memref<128x64xf32, #tpu.memory_space<hbm>>
    %dma_start3A_69 = arith.constant 0 : i32
    %dma_start3A_70 = tpu.memref_slice %arg5[%add3A_66, %dma_start3A_69] : memref<819200x64xf32, #tpu.memory_space<hbm>> -> memref<128x64xf32, #tpu.memory_space<hbm>>
    tpu.enqueue_dma source(%arg9 : memref<128x64xf32, #tpu.memory_space<vmem>>) target(%dma_start3A_70 : memref<128x64xf32, #tpu.memory_space<hbm>>) target_semaphore(%arg17 : memref<!tpu.dma_semaphore, #tpu.memory_space<semaphore_mem>>)
    %dma_wait3A_71 = arith.constant 0 : i32
    %dma_wait3A_72 = tpu.memref_slice %arg5[%mul3A_2, %dma_wait3A_71] : memref<819200x64xf32, #tpu.memory_space<hbm>> -> memref<128x64xf32, #tpu.memory_space<hbm>>
    %dma_wait3A_73 = arith.constant 0 : i32
    %dma_wait3A_74 = tpu.memref_slice %arg5[%mul3A_2, %dma_wait3A_73] : memref<819200x64xf32, #tpu.memory_space<hbm>> -> memref<128x64xf32, #tpu.memory_space<hbm>>
    tpu.wait_dma2 semaphore(%arg16 : memref<!tpu.dma_semaphore, #tpu.memory_space<semaphore_mem>>) src(%arg8 : memref<128x64xf32, #tpu.memory_space<vmem>>) dst(%dma_wait3A_74 : memref<128x64xf32, #tpu.memory_space<hbm>>)
    %dma_start3A_75 = arith.constant 4 : i32
    %dma_start3A_76 = arith.constant 0 : i32
    %dma_start3A_77 = tpu.memref_slice %arg6[%dma_start3A_75, %dma_start3A_76] : memref<200x128xi32, #tpu.memory_space<vmem>> -> memref<1x128xi32, #tpu.memory_space<vmem>>
    %dma_start3A_78 = tpu.memref_squeeze %dma_start3A_77 : memref<1x128xi32, #tpu.memory_space<vmem>> -> memref<128xi32, #tpu.memory_space<vmem>>
    %dma_start3A_79 = arith.constant 0 : i32
    %dma_start3A_80 = arith.constant 0 : i32
    %dma_start3A_81 = tpu.memref_slice %arg3[%dma_start3A_79, %dma_start3A_80] : memref<100000x64xf32, #tpu.memory_space<hbm>> -> memref<100000x64xf32, #tpu.memory_space<hbm>>
    tpu.enqueue_indirect_dma source(%dma_start3A_81 : memref<100000x64xf32, #tpu.memory_space<hbm>>) target(%arg8 : memref<128x64xf32, #tpu.memory_space<vmem>>) offsets(%dma_start3A_78 : memref<128xi32, #tpu.memory_space<vmem>>) semaphore(%arg12 : memref<!tpu.dma_semaphore, #tpu.memory_space<semaphore_mem>>)
    %dma_wait3A_82 = arith.constant 0 : i32
    %dma_wait3A_83 = arith.constant 0 : i32
    %dma_wait3A_84 = tpu.memref_slice %arg6[%dma_wait3A_82, %dma_wait3A_83] : memref<200x128xi32, #tpu.memory_space<vmem>> -> memref<1x128xi32, #tpu.memory_space<vmem>>
    %dma_wait3A_85 = tpu.memref_squeeze %dma_wait3A_84 : memref<1x128xi32, #tpu.memory_space<vmem>> -> memref<128xi32, #tpu.memory_space<vmem>>
    %dma_wait3A_86 = arith.constant 0 : i32
    %dma_wait3A_87 = arith.constant 0 : i32
    %dma_wait3A_88 = tpu.memref_slice %arg3[%dma_wait3A_86, %dma_wait3A_87] : memref<100000x64xf32, #tpu.memory_space<hbm>> -> memref<100000x64xf32, #tpu.memory_space<hbm>>
    tpu.wait_indirect_dma semaphore(%arg14 : memref<!tpu.dma_semaphore, #tpu.memory_space<semaphore_mem>>) src(%dma_wait3A_88 : memref<100000x64xf32, #tpu.memory_space<hbm>>) dst(%arg10 : memref<128x64xf32, #tpu.memory_space<vmem>>)
    %rem3A_89 = arith.constant 256 : i32
    %rem3A_90 = arith.constant 200 : i32
    %rem3A_91 = arith.remsi %rem3A_89, %rem3A_90 : i32
    %scan3A_92 = arith.constant 0 : i32
    %scan3A_93 = arith.constant 0 : i32
    %scan3A_94 = arith.constant 128 : i32
    %scan3A_95 = arith.addi %scan3A_93, %scan3A_94 : i32
    %scan3A_96 = arith.constant 2 : i32
    scf.for %scan3A_269 = %scan3A_93 to %scan3A_95 step %scan3A_96  : i32 {
      %add3A_270 = arith.addi %rem3A_91, %scan3A_269 : i32
      %get3A = arith.index_cast %scan3A_269 : i32 to index
      %get3A_271 = arith.constant 0 : index
      %get3A_272 = tpu.vector_load %arg10[%get3A, %get3A_271] {strides = array<i32>} : memref<128x64xf32, #tpu.memory_space<vmem>>, vector<1x16xf32>,
      %get3A_273 = vector.shape_cast %get3A_272 : vector<1x16xf32> to vector<16xf32>
      %get3A_274 = arith.index_cast %add3A_270 : i32 to index
      %get3A_275 = arith.constant 0 : index
      %get3A_276 = tpu.vector_load %arg7[%get3A_274, %get3A_275] {strides = array<i32>} : memref<328x64xf32, #tpu.memory_space<vmem>>, vector<1x16xf32>,
      %get3A_277 = vector.shape_cast %get3A_276 : vector<1x16xf32> to vector<16xf32>
      %add3A_278 = arith.addf %get3A_273, %get3A_277 : vector<16xf32>
      %swap3A = arith.index_cast %scan3A_269 : i32 to index
      %swap3A_279 = arith.constant 0 : index
      %swap3A_280 = tpu.vector_load %arg10[%swap3A, %swap3A_279] {strides = array<i32>} : memref<128x64xf32, #tpu.memory_space<vmem>>, vector<1x16xf32>,
      %swap3A_281 = vector.shape_cast %swap3A_280 : vector<1x16xf32> to vector<16xf32>
      %swap3A_282 = vector.shape_cast %add3A_278 : vector<16xf32> to vector<1x16xf32>
      tpu.vector_store %arg10[%swap3A, %swap3A_279], %swap3A_282 {strides = array<i32>} : memref<128x64xf32, #tpu.memory_space<vmem>>, vector<1x16xf32>,
      %get3A_283 = arith.index_cast %scan3A_269 : i32 to index
      %get3A_284 = arith.constant 16 : index
      %get3A_285 = tpu.vector_load %arg10[%get3A_283, %get3A_284] {strides = array<i32>} : memref<128x64xf32, #tpu.memory_space<vmem>>, vector<1x16xf32>,
      %get3A_286 = vector.shape_cast %get3A_285 : vector<1x16xf32> to vector<16xf32>
      %get3A_287 = arith.index_cast %add3A_270 : i32 to index
      %get3A_288 = arith.constant 16 : index
      %get3A_289 = tpu.vector_load %arg7[%get3A_287, %get3A_288] {strides = array<i32>} : memref<328x64xf32, #tpu.memory_space<vmem>>, vector<1x16xf32>,
      %get3A_290 = vector.shape_cast %get3A_289 : vector<1x16xf32> to vector<16xf32>
      %add3A_291 = arith.addf %get3A_286, %get3A_290 : vector<16xf32>
      %swap3A_292 = arith.index_cast %scan3A_269 : i32 to index
      %swap3A_293 = arith.constant 16 : index
      %swap3A_294 = tpu.vector_load %arg10[%swap3A_292, %swap3A_293] {strides = array<i32>} : memref<128x64xf32, #tpu.memory_space<vmem>>, vector<1x16xf32>,
      %swap3A_295 = vector.shape_cast %swap3A_294 : vector<1x16xf32> to vector<16xf32>
      %swap3A_296 = vector.shape_cast %add3A_291 : vector<16xf32> to vector<1x16xf32>
      tpu.vector_store %arg10[%swap3A_292, %swap3A_293], %swap3A_296 {strides = array<i32>} : memref<128x64xf32, #tpu.memory_space<vmem>>, vector<1x16xf32>,
      %get3A_297 = arith.index_cast %scan3A_269 : i32 to index
      %get3A_298 = arith.constant 32 : index
      %get3A_299 = tpu.vector_load %arg10[%get3A_297, %get3A_298] {strides = array<i32>} : memref<128x64xf32, #tpu.memory_space<vmem>>, vector<1x16xf32>,
      %get3A_300 = vector.shape_cast %get3A_299 : vector<1x16xf32> to vector<16xf32>
      %get3A_301 = arith.index_cast %add3A_270 : i32 to index
      %get3A_302 = arith.constant 32 : index
      %get3A_303 = tpu.vector_load %arg7[%get3A_301, %get3A_302] {strides = array<i32>} : memref<328x64xf32, #tpu.memory_space<vmem>>, vector<1x16xf32>,
      %get3A_304 = vector.shape_cast %get3A_303 : vector<1x16xf32> to vector<16xf32>
      %add3A_305 = arith.addf %get3A_300, %get3A_304 : vector<16xf32>
      %swap3A_306 = arith.index_cast %scan3A_269 : i32 to index
      %swap3A_307 = arith.constant 32 : index
      %swap3A_308 = tpu.vector_load %arg10[%swap3A_306, %swap3A_307] {strides = array<i32>} : memref<128x64xf32, #tpu.memory_space<vmem>>, vector<1x16xf32>,
      %swap3A_309 = vector.shape_cast %swap3A_308 : vector<1x16xf32> to vector<16xf32>
      %swap3A_310 = vector.shape_cast %add3A_305 : vector<16xf32> to vector<1x16xf32>
      tpu.vector_store %arg10[%swap3A_306, %swap3A_307], %swap3A_310 {strides = array<i32>} : memref<128x64xf32, #tpu.memory_space<vmem>>, vector<1x16xf32>,
      %get3A_311 = arith.index_cast %scan3A_269 : i32 to index
      %get3A_312 = arith.constant 48 : index
      %get3A_313 = tpu.vector_load %arg10[%get3A_311, %get3A_312] {strides = array<i32>} : memref<128x64xf32, #tpu.memory_space<vmem>>, vector<1x16xf32>,
      %get3A_314 = vector.shape_cast %get3A_313 : vector<1x16xf32> to vector<16xf32>
      %get3A_315 = arith.index_cast %add3A_270 : i32 to index
      %get3A_316 = arith.constant 48 : index
      %get3A_317 = tpu.vector_load %arg7[%get3A_315, %get3A_316] {strides = array<i32>} : memref<328x64xf32, #tpu.memory_space<vmem>>, vector<1x16xf32>,
      %get3A_318 = vector.shape_cast %get3A_317 : vector<1x16xf32> to vector<16xf32>
      %add3A_319 = arith.addf %get3A_314, %get3A_318 : vector<16xf32>
      %swap3A_320 = arith.index_cast %scan3A_269 : i32 to index
      %swap3A_321 = arith.constant 48 : index
      %swap3A_322 = tpu.vector_load %arg10[%swap3A_320, %swap3A_321] {strides = array<i32>} : memref<128x64xf32, #tpu.memory_space<vmem>>, vector<1x16xf32>,
      %swap3A_323 = vector.shape_cast %swap3A_322 : vector<1x16xf32> to vector<16xf32>
      %swap3A_324 = vector.shape_cast %add3A_319 : vector<16xf32> to vector<1x16xf32>
      tpu.vector_store %arg10[%swap3A_320, %swap3A_321], %swap3A_324 {strides = array<i32>} : memref<128x64xf32, #tpu.memory_space<vmem>>, vector<1x16xf32>,
      %scan3A_325 = arith.constant 1 : i32
      %scan3A_326 = arith.addi %scan3A_269, %scan3A_325 : i32
      %add3A_327 = arith.addi %rem3A_91, %scan3A_326 : i32
      %get3A_328 = arith.index_cast %scan3A_326 : i32 to index
      %get3A_329 = arith.constant 0 : index
      %get3A_330 = tpu.vector_load %arg10[%get3A_328, %get3A_329] {strides = array<i32>} : memref<128x64xf32, #tpu.memory_space<vmem>>, vector<1x16xf32>,
      %get3A_331 = vector.shape_cast %get3A_330 : vector<1x16xf32> to vector<16xf32>
      %get3A_332 = arith.index_cast %add3A_327 : i32 to index
      %get3A_333 = arith.constant 0 : index
      %get3A_334 = tpu.vector_load %arg7[%get3A_332, %get3A_333] {strides = array<i32>} : memref<328x64xf32, #tpu.memory_space<vmem>>, vector<1x16xf32>,
      %get3A_335 = vector.shape_cast %get3A_334 : vector<1x16xf32> to vector<16xf32>
      %add3A_336 = arith.addf %get3A_331, %get3A_335 : vector<16xf32>
      %swap3A_337 = arith.index_cast %scan3A_326 : i32 to index
      %swap3A_338 = arith.constant 0 : index
      %swap3A_339 = tpu.vector_load %arg10[%swap3A_337, %swap3A_338] {strides = array<i32>} : memref<128x64xf32, #tpu.memory_space<vmem>>, vector<1x16xf32>,
      %swap3A_340 = vector.shape_cast %swap3A_339 : vector<1x16xf32> to vector<16xf32>
      %swap3A_341 = vector.shape_cast %add3A_336 : vector<16xf32> to vector<1x16xf32>
      tpu.vector_store %arg10[%swap3A_337, %swap3A_338], %swap3A_341 {strides = array<i32>} : memref<128x64xf32, #tpu.memory_space<vmem>>, vector<1x16xf32>,
      %get3A_342 = arith.index_cast %scan3A_326 : i32 to index
      %get3A_343 = arith.constant 16 : index
      %get3A_344 = tpu.vector_load %arg10[%get3A_342, %get3A_343] {strides = array<i32>} : memref<128x64xf32, #tpu.memory_space<vmem>>, vector<1x16xf32>,
      %get3A_345 = vector.shape_cast %get3A_344 : vector<1x16xf32> to vector<16xf32>
      %get3A_346 = arith.index_cast %add3A_327 : i32 to index
      %get3A_347 = arith.constant 16 : index
      %get3A_348 = tpu.vector_load %arg7[%get3A_346, %get3A_347] {strides = array<i32>} : memref<328x64xf32, #tpu.memory_space<vmem>>, vector<1x16xf32>,
      %get3A_349 = vector.shape_cast %get3A_348 : vector<1x16xf32> to vector<16xf32>
      %add3A_350 = arith.addf %get3A_345, %get3A_349 : vector<16xf32>
      %swap3A_351 = arith.index_cast %scan3A_326 : i32 to index
      %swap3A_352 = arith.constant 16 : index
      %swap3A_353 = tpu.vector_load %arg10[%swap3A_351, %swap3A_352] {strides = array<i32>} : memref<128x64xf32, #tpu.memory_space<vmem>>, vector<1x16xf32>,
      %swap3A_354 = vector.shape_cast %swap3A_353 : vector<1x16xf32> to vector<16xf32>
      %swap3A_355 = vector.shape_cast %add3A_350 : vector<16xf32> to vector<1x16xf32>
      tpu.vector_store %arg10[%swap3A_351, %swap3A_352], %swap3A_355 {strides = array<i32>} : memref<128x64xf32, #tpu.memory_space<vmem>>, vector<1x16xf32>,
      %get3A_356 = arith.index_cast %scan3A_326 : i32 to index
      %get3A_357 = arith.constant 32 : index
      %get3A_358 = tpu.vector_load %arg10[%get3A_356, %get3A_357] {strides = array<i32>} : memref<128x64xf32, #tpu.memory_space<vmem>>, vector<1x16xf32>,
      %get3A_359 = vector.shape_cast %get3A_358 : vector<1x16xf32> to vector<16xf32>
      %get3A_360 = arith.index_cast %add3A_327 : i32 to index
      %get3A_361 = arith.constant 32 : index
      %get3A_362 = tpu.vector_load %arg7[%get3A_360, %get3A_361] {strides = array<i32>} : memref<328x64xf32, #tpu.memory_space<vmem>>, vector<1x16xf32>,
      %get3A_363 = vector.shape_cast %get3A_362 : vector<1x16xf32> to vector<16xf32>
      %add3A_364 = arith.addf %get3A_359, %get3A_363 : vector<16xf32>
      %swap3A_365 = arith.index_cast %scan3A_326 : i32 to index
      %swap3A_366 = arith.constant 32 : index
      %swap3A_367 = tpu.vector_load %arg10[%swap3A_365, %swap3A_366] {strides = array<i32>} : memref<128x64xf32, #tpu.memory_space<vmem>>, vector<1x16xf32>,
      %swap3A_368 = vector.shape_cast %swap3A_367 : vector<1x16xf32> to vector<16xf32>
      %swap3A_369 = vector.shape_cast %add3A_364 : vector<16xf32> to vector<1x16xf32>
      tpu.vector_store %arg10[%swap3A_365, %swap3A_366], %swap3A_369 {strides = array<i32>} : memref<128x64xf32, #tpu.memory_space<vmem>>, vector<1x16xf32>,
      %get3A_370 = arith.index_cast %scan3A_326 : i32 to index
      %get3A_371 = arith.constant 48 : index
      %get3A_372 = tpu.vector_load %arg10[%get3A_370, %get3A_371] {strides = array<i32>} : memref<128x64xf32, #tpu.memory_space<vmem>>, vector<1x16xf32>,
      %get3A_373 = vector.shape_cast %get3A_372 : vector<1x16xf32> to vector<16xf32>
      %get3A_374 = arith.index_cast %add3A_327 : i32 to index
      %get3A_375 = arith.constant 48 : index
      %get3A_376 = tpu.vector_load %arg7[%get3A_374, %get3A_375] {strides = array<i32>} : memref<328x64xf32, #tpu.memory_space<vmem>>, vector<1x16xf32>,
      %get3A_377 = vector.shape_cast %get3A_376 : vector<1x16xf32> to vector<16xf32>
      %add3A_378 = arith.addf %get3A_373, %get3A_377 : vector<16xf32>
      %swap3A_379 = arith.index_cast %scan3A_326 : i32 to index
      %swap3A_380 = arith.constant 48 : index
      %swap3A_381 = tpu.vector_load %arg10[%swap3A_379, %swap3A_380] {strides = array<i32>} : memref<128x64xf32, #tpu.memory_space<vmem>>, vector<1x16xf32>,
      %swap3A_382 = vector.shape_cast %swap3A_381 : vector<1x16xf32> to vector<16xf32>
      %swap3A_383 = vector.shape_cast %add3A_378 : vector<16xf32> to vector<1x16xf32>
      tpu.vector_store %arg10[%swap3A_379, %swap3A_380], %swap3A_383 {strides = array<i32>} : memref<128x64xf32, #tpu.memory_space<vmem>>, vector<1x16xf32>,
    }
    %scan3A_97 = arith.constant 128 : i32
    %add3A_98 = arith.constant 256 : i32
    %add3A_99 = arith.addi %mul3A_2, %add3A_98 : i32
    %dma_start3A_100 = arith.constant 0 : i32
    %dma_start3A_101 = tpu.memref_slice %arg5[%add3A_99, %dma_start3A_100] : memref<819200x64xf32, #tpu.memory_space<hbm>> -> memref<128x64xf32, #tpu.memory_space<hbm>>
    %dma_start3A_102 = arith.constant 0 : i32
    %dma_start3A_103 = tpu.memref_slice %arg5[%add3A_99, %dma_start3A_102] : memref<819200x64xf32, #tpu.memory_space<hbm>> -> memref<128x64xf32, #tpu.memory_space<hbm>>
    tpu.enqueue_dma source(%arg10 : memref<128x64xf32, #tpu.memory_space<vmem>>) target(%dma_start3A_103 : memref<128x64xf32, #tpu.memory_space<hbm>>) target_semaphore(%arg18 : memref<!tpu.dma_semaphore, #tpu.memory_space<semaphore_mem>>)
    %dma_wait3A_104 = arith.constant 0 : i32
    %dma_wait3A_105 = tpu.memref_slice %arg5[%mul3A_2, %dma_wait3A_104] : memref<819200x64xf32, #tpu.memory_space<hbm>> -> memref<128x64xf32, #tpu.memory_space<hbm>>
    %dma_wait3A_106 = arith.constant 0 : i32
    %dma_wait3A_107 = tpu.memref_slice %arg5[%mul3A_2, %dma_wait3A_106] : memref<819200x64xf32, #tpu.memory_space<hbm>> -> memref<128x64xf32, #tpu.memory_space<hbm>>
    tpu.wait_dma2 semaphore(%arg17 : memref<!tpu.dma_semaphore, #tpu.memory_space<semaphore_mem>>) src(%arg9 : memref<128x64xf32, #tpu.memory_space<vmem>>) dst(%dma_wait3A_107 : memref<128x64xf32, #tpu.memory_space<hbm>>)
    %dma_start3A_108 = arith.constant 5 : i32
    %dma_start3A_109 = arith.constant 0 : i32
    %dma_start3A_110 = tpu.memref_slice %arg6[%dma_start3A_108, %dma_start3A_109] : memref<200x128xi32, #tpu.memory_space<vmem>> -> memref<1x128xi32, #tpu.memory_space<vmem>>
    %dma_start3A_111 = tpu.memref_squeeze %dma_start3A_110 : memref<1x128xi32, #tpu.memory_space<vmem>> -> memref<128xi32, #tpu.memory_space<vmem>>
    %dma_start3A_112 = arith.constant 0 : i32
    %dma_start3A_113 = arith.constant 0 : i32
    %dma_start3A_114 = tpu.memref_slice %arg3[%dma_start3A_112, %dma_start3A_113] : memref<100000x64xf32, #tpu.memory_space<hbm>> -> memref<100000x64xf32, #tpu.memory_space<hbm>>
    tpu.enqueue_indirect_dma source(%dma_start3A_114 : memref<100000x64xf32, #tpu.memory_space<hbm>>) target(%arg9 : memref<128x64xf32, #tpu.memory_space<vmem>>) offsets(%dma_start3A_111 : memref<128xi32, #tpu.memory_space<vmem>>) semaphore(%arg13 : memref<!tpu.dma_semaphore, #tpu.memory_space<semaphore_mem>>)
    %dma_wait3A_115 = arith.constant 0 : i32
    %dma_wait3A_116 = arith.constant 0 : i32
    %dma_wait3A_117 = tpu.memref_slice %arg6[%dma_wait3A_115, %dma_wait3A_116] : memref<200x128xi32, #tpu.memory_space<vmem>> -> memref<1x128xi32, #tpu.memory_space<vmem>>
    %dma_wait3A_118 = tpu.memref_squeeze %dma_wait3A_117 : memref<1x128xi32, #tpu.memory_space<vmem>> -> memref<128xi32, #tpu.memory_space<vmem>>
    %dma_wait3A_119 = arith.constant 0 : i32
    %dma_wait3A_120 = arith.constant 0 : i32
    %dma_wait3A_121 = tpu.memref_slice %arg3[%dma_wait3A_119, %dma_wait3A_120] : memref<100000x64xf32, #tpu.memory_space<hbm>> -> memref<100000x64xf32, #tpu.memory_space<hbm>>
    tpu.wait_indirect_dma semaphore(%arg15 : memref<!tpu.dma_semaphore, #tpu.memory_space<semaphore_mem>>) src(%dma_wait3A_121 : memref<100000x64xf32, #tpu.memory_space<hbm>>) dst(%arg11 : memref<128x64xf32, #tpu.memory_space<vmem>>)
    %rem3A_122 = arith.constant 384 : i32
    %rem3A_123 = arith.constant 200 : i32
    %rem3A_124 = arith.remsi %rem3A_122, %rem3A_123 : i32
    %scan3A_125 = arith.constant 0 : i32
    %scan3A_126 = arith.constant 0 : i32
    %scan3A_127 = arith.constant 128 : i32
    %scan3A_128 = arith.addi %scan3A_126, %scan3A_127 : i32
    %scan3A_129 = arith.constant 2 : i32
    scf.for %scan3A_269 = %scan3A_126 to %scan3A_128 step %scan3A_129  : i32 {
      %add3A_270 = arith.addi %rem3A_124, %scan3A_269 : i32
      %get3A = arith.index_cast %scan3A_269 : i32 to index
      %get3A_271 = arith.constant 0 : index
      %get3A_272 = tpu.vector_load %arg11[%get3A, %get3A_271] {strides = array<i32>} : memref<128x64xf32, #tpu.memory_space<vmem>>, vector<1x16xf32>,
      %get3A_273 = vector.shape_cast %get3A_272 : vector<1x16xf32> to vector<16xf32>
      %get3A_274 = arith.index_cast %add3A_270 : i32 to index
      %get3A_275 = arith.constant 0 : index
      %get3A_276 = tpu.vector_load %arg7[%get3A_274, %get3A_275] {strides = array<i32>} : memref<328x64xf32, #tpu.memory_space<vmem>>, vector<1x16xf32>,
      %get3A_277 = vector.shape_cast %get3A_276 : vector<1x16xf32> to vector<16xf32>
      %add3A_278 = arith.addf %get3A_273, %get3A_277 : vector<16xf32>
      %swap3A = arith.index_cast %scan3A_269 : i32 to index
      %swap3A_279 = arith.constant 0 : index
      %swap3A_280 = tpu.vector_load %arg11[%swap3A, %swap3A_279] {strides = array<i32>} : memref<128x64xf32, #tpu.memory_space<vmem>>, vector<1x16xf32>,
      %swap3A_281 = vector.shape_cast %swap3A_280 : vector<1x16xf32> to vector<16xf32>
      %swap3A_282 = vector.shape_cast %add3A_278 : vector<16xf32> to vector<1x16xf32>
      tpu.vector_store %arg11[%swap3A, %swap3A_279], %swap3A_282 {strides = array<i32>} : memref<128x64xf32, #tpu.memory_space<vmem>>, vector<1x16xf32>,
      %get3A_283 = arith.index_cast %scan3A_269 : i32 to index
      %get3A_284 = arith.constant 16 : index
      %get3A_285 = tpu.vector_load %arg11[%get3A_283, %get3A_284] {strides = array<i32>} : memref<128x64xf32, #tpu.memory_space<vmem>>, vector<1x16xf32>,
      %get3A_286 = vector.shape_cast %get3A_285 : vector<1x16xf32> to vector<16xf32>
      %get3A_287 = arith.index_cast %add3A_270 : i32 to index
      %get3A_288 = arith.constant 16 : index
      %get3A_289 = tpu.vector_load %arg7[%get3A_287, %get3A_288] {strides = array<i32>} : memref<328x64xf32, #tpu.memory_space<vmem>>, vector<1x16xf32>,
      %get3A_290 = vector.shape_cast %get3A_289 : vector<1x16xf32> to vector<16xf32>
      %add3A_291 = arith.addf %get3A_286, %get3A_290 : vector<16xf32>
      %swap3A_292 = arith.index_cast %scan3A_269 : i32 to index
      %swap3A_293 = arith.constant 16 : index
      %swap3A_294 = tpu.vector_load %arg11[%swap3A_292, %swap3A_293] {strides = array<i32>} : memref<128x64xf32, #tpu.memory_space<vmem>>, vector<1x16xf32>,
      %swap3A_295 = vector.shape_cast %swap3A_294 : vector<1x16xf32> to vector<16xf32>
      %swap3A_296 = vector.shape_cast %add3A_291 : vector<16xf32> to vector<1x16xf32>
      tpu.vector_store %arg11[%swap3A_292, %swap3A_293], %swap3A_296 {strides = array<i32>} : memref<128x64xf32, #tpu.memory_space<vmem>>, vector<1x16xf32>,
      %get3A_297 = arith.index_cast %scan3A_269 : i32 to index
      %get3A_298 = arith.constant 32 : index
      %get3A_299 = tpu.vector_load %arg11[%get3A_297, %get3A_298] {strides = array<i32>} : memref<128x64xf32, #tpu.memory_space<vmem>>, vector<1x16xf32>,
      %get3A_300 = vector.shape_cast %get3A_299 : vector<1x16xf32> to vector<16xf32>
      %get3A_301 = arith.index_cast %add3A_270 : i32 to index
      %get3A_302 = arith.constant 32 : index
      %get3A_303 = tpu.vector_load %arg7[%get3A_301, %get3A_302] {strides = array<i32>} : memref<328x64xf32, #tpu.memory_space<vmem>>, vector<1x16xf32>,
      %get3A_304 = vector.shape_cast %get3A_303 : vector<1x16xf32> to vector<16xf32>
      %add3A_305 = arith.addf %get3A_300, %get3A_304 : vector<16xf32>
      %swap3A_306 = arith.index_cast %scan3A_269 : i32 to index
      %swap3A_307 = arith.constant 32 : index
      %swap3A_308 = tpu.vector_load %arg11[%swap3A_306, %swap3A_307] {strides = array<i32>} : memref<128x64xf32, #tpu.memory_space<vmem>>, vector<1x16xf32>,
      %swap3A_309 = vector.shape_cast %swap3A_308 : vector<1x16xf32> to vector<16xf32>
      %swap3A_310 = vector.shape_cast %add3A_305 : vector<16xf32> to vector<1x16xf32>
      tpu.vector_store %arg11[%swap3A_306, %swap3A_307], %swap3A_310 {strides = array<i32>} : memref<128x64xf32, #tpu.memory_space<vmem>>, vector<1x16xf32>,
      %get3A_311 = arith.index_cast %scan3A_269 : i32 to index
      %get3A_312 = arith.constant 48 : index
      %get3A_313 = tpu.vector_load %arg11[%get3A_311, %get3A_312] {strides = array<i32>} : memref<128x64xf32, #tpu.memory_space<vmem>>, vector<1x16xf32>,
      %get3A_314 = vector.shape_cast %get3A_313 : vector<1x16xf32> to vector<16xf32>
      %get3A_315 = arith.index_cast %add3A_270 : i32 to index
      %get3A_316 = arith.constant 48 : index
      %get3A_317 = tpu.vector_load %arg7[%get3A_315, %get3A_316] {strides = array<i32>} : memref<328x64xf32, #tpu.memory_space<vmem>>, vector<1x16xf32>,
      %get3A_318 = vector.shape_cast %get3A_317 : vector<1x16xf32> to vector<16xf32>
      %add3A_319 = arith.addf %get3A_314, %get3A_318 : vector<16xf32>
      %swap3A_320 = arith.index_cast %scan3A_269 : i32 to index
      %swap3A_321 = arith.constant 48 : index
      %swap3A_322 = tpu.vector_load %arg11[%swap3A_320, %swap3A_321] {strides = array<i32>} : memref<128x64xf32, #tpu.memory_space<vmem>>, vector<1x16xf32>,
      %swap3A_323 = vector.shape_cast %swap3A_322 : vector<1x16xf32> to vector<16xf32>
      %swap3A_324 = vector.shape_cast %add3A_319 : vector<16xf32> to vector<1x16xf32>
      tpu.vector_store %arg11[%swap3A_320, %swap3A_321], %swap3A_324 {strides = array<i32>} : memref<128x64xf32, #tpu.memory_space<vmem>>, vector<1x16xf32>,
      %scan3A_325 = arith.constant 1 : i32
      %scan3A_326 = arith.addi %scan3A_269, %scan3A_325 : i32
      %add3A_327 = arith.addi %rem3A_124, %scan3A_326 : i32
      %get3A_328 = arith.index_cast %scan3A_326 : i32 to index
      %get3A_329 = arith.constant 0 : index
      %get3A_330 = tpu.vector_load %arg11[%get3A_328, %get3A_329] {strides = array<i32>} : memref<128x64xf32, #tpu.memory_space<vmem>>, vector<1x16xf32>,
      %get3A_331 = vector.shape_cast %get3A_330 : vector<1x16xf32> to vector<16xf32>
      %get3A_332 = arith.index_cast %add3A_327 : i32 to index
      %get3A_333 = arith.constant 0 : index
      %get3A_334 = tpu.vector_load %arg7[%get3A_332, %get3A_333] {strides = array<i32>} : memref<328x64xf32, #tpu.memory_space<vmem>>, vector<1x16xf32>,
      %get3A_335 = vector.shape_cast %get3A_334 : vector<1x16xf32> to vector<16xf32>
      %add3A_336 = arith.addf %get3A_331, %get3A_335 : vector<16xf32>
      %swap3A_337 = arith.index_cast %scan3A_326 : i32 to index
      %swap3A_338 = arith.constant 0 : index
      %swap3A_339 = tpu.vector_load %arg11[%swap3A_337, %swap3A_338] {strides = array<i32>} : memref<128x64xf32, #tpu.memory_space<vmem>>, vector<1x16xf32>,
      %swap3A_340 = vector.shape_cast %swap3A_339 : vector<1x16xf32> to vector<16xf32>
      %swap3A_341 = vector.shape_cast %add3A_336 : vector<16xf32> to vector<1x16xf32>
      tpu.vector_store %arg11[%swap3A_337, %swap3A_338], %swap3A_341 {strides = array<i32>} : memref<128x64xf32, #tpu.memory_space<vmem>>, vector<1x16xf32>,
      %get3A_342 = arith.index_cast %scan3A_326 : i32 to index
      %get3A_343 = arith.constant 16 : index
      %get3A_344 = tpu.vector_load %arg11[%get3A_342, %get3A_343] {strides = array<i32>} : memref<128x64xf32, #tpu.memory_space<vmem>>, vector<1x16xf32>,
      %get3A_345 = vector.shape_cast %get3A_344 : vector<1x16xf32> to vector<16xf32>
      %get3A_346 = arith.index_cast %add3A_327 : i32 to index
      %get3A_347 = arith.constant 16 : index
      %get3A_348 = tpu.vector_load %arg7[%get3A_346, %get3A_347] {strides = array<i32>} : memref<328x64xf32, #tpu.memory_space<vmem>>, vector<1x16xf32>,
      %get3A_349 = vector.shape_cast %get3A_348 : vector<1x16xf32> to vector<16xf32>
      %add3A_350 = arith.addf %get3A_345, %get3A_349 : vector<16xf32>
      %swap3A_351 = arith.index_cast %scan3A_326 : i32 to index
      %swap3A_352 = arith.constant 16 : index
      %swap3A_353 = tpu.vector_load %arg11[%swap3A_351, %swap3A_352] {strides = array<i32>} : memref<128x64xf32, #tpu.memory_space<vmem>>, vector<1x16xf32>,
      %swap3A_354 = vector.shape_cast %swap3A_353 : vector<1x16xf32> to vector<16xf32>
      %swap3A_355 = vector.shape_cast %add3A_350 : vector<16xf32> to vector<1x16xf32>
      tpu.vector_store %arg11[%swap3A_351, %swap3A_352], %swap3A_355 {strides = array<i32>} : memref<128x64xf32, #tpu.memory_space<vmem>>, vector<1x16xf32>,
      %get3A_356 = arith.index_cast %scan3A_326 : i32 to index
      %get3A_357 = arith.constant 32 : index
      %get3A_358 = tpu.vector_load %arg11[%get3A_356, %get3A_357] {strides = array<i32>} : memref<128x64xf32, #tpu.memory_space<vmem>>, vector<1x16xf32>,
      %get3A_359 = vector.shape_cast %get3A_358 : vector<1x16xf32> to vector<16xf32>
      %get3A_360 = arith.index_cast %add3A_327 : i32 to index
      %get3A_361 = arith.constant 32 : index
      %get3A_362 = tpu.vector_load %arg7[%get3A_360, %get3A_361] {strides = array<i32>} : memref<328x64xf32, #tpu.memory_space<vmem>>, vector<1x16xf32>,
      %get3A_363 = vector.shape_cast %get3A_362 : vector<1x16xf32> to vector<16xf32>
      %add3A_364 = arith.addf %get3A_359, %get3A_363 : vector<16xf32>
      %swap3A_365 = arith.index_cast %scan3A_326 : i32 to index
      %swap3A_366 = arith.constant 32 : index
      %swap3A_367 = tpu.vector_load %arg11[%swap3A_365, %swap3A_366] {strides = array<i32>} : memref<128x64xf32, #tpu.memory_space<vmem>>, vector<1x16xf32>,
      %swap3A_368 = vector.shape_cast %swap3A_367 : vector<1x16xf32> to vector<16xf32>
      %swap3A_369 = vector.shape_cast %add3A_364 : vector<16xf32> to vector<1x16xf32>
      tpu.vector_store %arg11[%swap3A_365, %swap3A_366], %swap3A_369 {strides = array<i32>} : memref<128x64xf32, #tpu.memory_space<vmem>>, vector<1x16xf32>,
      %get3A_370 = arith.index_cast %scan3A_326 : i32 to index
      %get3A_371 = arith.constant 48 : index
      %get3A_372 = tpu.vector_load %arg11[%get3A_370, %get3A_371] {strides = array<i32>} : memref<128x64xf32, #tpu.memory_space<vmem>>, vector<1x16xf32>,
      %get3A_373 = vector.shape_cast %get3A_372 : vector<1x16xf32> to vector<16xf32>
      %get3A_374 = arith.index_cast %add3A_327 : i32 to index
      %get3A_375 = arith.constant 48 : index
      %get3A_376 = tpu.vector_load %arg7[%get3A_374, %get3A_375] {strides = array<i32>} : memref<328x64xf32, #tpu.memory_space<vmem>>, vector<1x16xf32>,
      %get3A_377 = vector.shape_cast %get3A_376 : vector<1x16xf32> to vector<16xf32>
      %add3A_378 = arith.addf %get3A_373, %get3A_377 : vector<16xf32>
      %swap3A_379 = arith.index_cast %scan3A_326 : i32 to index
      %swap3A_380 = arith.constant 48 : index
      %swap3A_381 = tpu.vector_load %arg11[%swap3A_379, %swap3A_380] {strides = array<i32>} : memref<128x64xf32, #tpu.memory_space<vmem>>, vector<1x16xf32>,
      %swap3A_382 = vector.shape_cast %swap3A_381 : vector<1x16xf32> to vector<16xf32>
      %swap3A_383 = vector.shape_cast %add3A_378 : vector<16xf32> to vector<1x16xf32>
      tpu.vector_store %arg11[%swap3A_379, %swap3A_380], %swap3A_383 {strides = array<i32>} : memref<128x64xf32, #tpu.memory_space<vmem>>, vector<1x16xf32>,
    }
    %scan3A_130 = arith.constant 128 : i32
    %add3A_131 = arith.constant 384 : i32
    %add3A_132 = arith.addi %mul3A_2, %add3A_131 : i32
    %dma_start3A_133 = arith.constant 0 : i32
    %dma_start3A_134 = tpu.memref_slice %arg5[%add3A_132, %dma_start3A_133] : memref<819200x64xf32, #tpu.memory_space<hbm>> -> memref<128x64xf32, #tpu.memory_space<hbm>>
    %dma_start3A_135 = arith.constant 0 : i32
    %dma_start3A_136 = tpu.memref_slice %arg5[%add3A_132, %dma_start3A_135] : memref<819200x64xf32, #tpu.memory_space<hbm>> -> memref<128x64xf32, #tpu.memory_space<hbm>>
    tpu.enqueue_dma source(%arg11 : memref<128x64xf32, #tpu.memory_space<vmem>>) target(%dma_start3A_136 : memref<128x64xf32, #tpu.memory_space<hbm>>) target_semaphore(%arg19 : memref<!tpu.dma_semaphore, #tpu.memory_space<semaphore_mem>>)
    %scan3A_137 = arith.constant 0 : i32
    %scan3A_138 = arith.constant 1 : i32
    %scan3A_139 = arith.constant 48 : i32
    %scan3A_140 = arith.addi %scan3A_138, %scan3A_139 : i32
    %scan3A_141 = arith.constant 1 : i32
    scf.for %scan3A_269 = %scan3A_138 to %scan3A_140 step %scan3A_141  : i32 {
      %mul3A_270 = arith.constant 4 : i32
      %mul3A_271 = arith.muli %scan3A_269, %mul3A_270 : i32
      %add3A_272 = arith.constant 0 : i32
      %add3A_273 = arith.addi %mul3A_271, %add3A_272 : i32
      %add3A_274 = arith.constant 2 : i32
      %add3A_275 = arith.addi %add3A_273, %add3A_274 : i32
      %dma_wait3A_276 = arith.constant 0 : i32
      %dma_wait3A_277 = tpu.memref_slice %arg5[%mul3A_2, %dma_wait3A_276] : memref<819200x64xf32, #tpu.memory_space<hbm>> -> memref<128x64xf32, #tpu.memory_space<hbm>>
      %dma_wait3A_278 = arith.constant 0 : i32
      %dma_wait3A_279 = tpu.memref_slice %arg5[%mul3A_2, %dma_wait3A_278] : memref<819200x64xf32, #tpu.memory_space<hbm>> -> memref<128x64xf32, #tpu.memory_space<hbm>>
      tpu.wait_dma2 semaphore(%arg18 : memref<!tpu.dma_semaphore, #tpu.memory_space<semaphore_mem>>) src(%arg10 : memref<128x64xf32, #tpu.memory_space<vmem>>) dst(%dma_wait3A_279 : memref<128x64xf32, #tpu.memory_space<hbm>>)
      %dma_start3A_280 = arith.constant 0 : i32
      %dma_start3A_281 = tpu.memref_slice %arg6[%add3A_275, %dma_start3A_280] : memref<200x128xi32, #tpu.memory_space<vmem>> -> memref<1x128xi32, #tpu.memory_space<vmem>>
      %dma_start3A_282 = tpu.memref_squeeze %dma_start3A_281 : memref<1x128xi32, #tpu.memory_space<vmem>> -> memref<128xi32, #tpu.memory_space<vmem>>
      %dma_start3A_283 = arith.constant 0 : i32
      %dma_start3A_284 = arith.constant 0 : i32
      %dma_start3A_285 = tpu.memref_slice %arg3[%dma_start3A_283, %dma_start3A_284] : memref<100000x64xf32, #tpu.memory_space<hbm>> -> memref<100000x64xf32, #tpu.memory_space<hbm>>
      tpu.enqueue_indirect_dma source(%dma_start3A_285 : memref<100000x64xf32, #tpu.memory_space<hbm>>) target(%arg10 : memref<128x64xf32, #tpu.memory_space<vmem>>) offsets(%dma_start3A_282 : memref<128xi32, #tpu.memory_space<vmem>>) semaphore(%arg14 : memref<!tpu.dma_semaphore, #tpu.memory_space<semaphore_mem>>)
      %dma_wait3A_286 = arith.constant 0 : i32
      %dma_wait3A_287 = arith.constant 0 : i32
      %dma_wait3A_288 = tpu.memref_slice %arg6[%dma_wait3A_286, %dma_wait3A_287] : memref<200x128xi32, #tpu.memory_space<vmem>> -> memref<1x128xi32, #tpu.memory_space<vmem>>
      %dma_wait3A_289 = tpu.memref_squeeze %dma_wait3A_288 : memref<1x128xi32, #tpu.memory_space<vmem>> -> memref<128xi32, #tpu.memory_space<vmem>>
      %dma_wait3A_290 = arith.constant 0 : i32
      %dma_wait3A_291 = arith.constant 0 : i32
      %dma_wait3A_292 = tpu.memref_slice %arg3[%dma_wait3A_290, %dma_wait3A_291] : memref<100000x64xf32, #tpu.memory_space<hbm>> -> memref<100000x64xf32, #tpu.memory_space<hbm>>
      tpu.wait_indirect_dma semaphore(%arg12 : memref<!tpu.dma_semaphore, #tpu.memory_space<semaphore_mem>>) src(%dma_wait3A_292 : memref<100000x64xf32, #tpu.memory_space<hbm>>) dst(%arg8 : memref<128x64xf32, #tpu.memory_space<vmem>>)
      %mul3A_293 = arith.constant 128 : i32
      %mul3A_294 = arith.muli %add3A_273, %mul3A_293 : i32
      %rem3A_295 = arith.constant 200 : i32
      %rem3A_296 = arith.remsi %mul3A_294, %rem3A_295 : i32
      %scan3A_297 = arith.constant 0 : i32
      %scan3A_298 = arith.constant 0 : i32
      %scan3A_299 = arith.constant 128 : i32
      %scan3A_300 = arith.addi %scan3A_298, %scan3A_299 : i32
      %scan3A_301 = arith.constant 2 : i32
      scf.for %scan3A_424 = %scan3A_298 to %scan3A_300 step %scan3A_301  : i32 {
        %add3A_425 = arith.addi %rem3A_296, %scan3A_424 : i32
        %get3A = arith.index_cast %scan3A_424 : i32 to index
        %get3A_426 = arith.constant 0 : index
        %get3A_427 = tpu.vector_load %arg8[%get3A, %get3A_426] {strides = array<i32>} : memref<128x64xf32, #tpu.memory_space<vmem>>, vector<1x16xf32>,
        %get3A_428 = vector.shape_cast %get3A_427 : vector<1x16xf32> to vector<16xf32>
        %get3A_429 = arith.index_cast %add3A_425 : i32 to index
        %get3A_430 = arith.constant 0 : index
        %get3A_431 = tpu.vector_load %arg7[%get3A_429, %get3A_430] {strides = array<i32>} : memref<328x64xf32, #tpu.memory_space<vmem>>, vector<1x16xf32>,
        %get3A_432 = vector.shape_cast %get3A_431 : vector<1x16xf32> to vector<16xf32>
        %add3A_433 = arith.addf %get3A_428, %get3A_432 : vector<16xf32>
        %swap3A = arith.index_cast %scan3A_424 : i32 to index
        %swap3A_434 = arith.constant 0 : index
        %swap3A_435 = tpu.vector_load %arg8[%swap3A, %swap3A_434] {strides = array<i32>} : memref<128x64xf32, #tpu.memory_space<vmem>>, vector<1x16xf32>,
        %swap3A_436 = vector.shape_cast %swap3A_435 : vector<1x16xf32> to vector<16xf32>
        %swap3A_437 = vector.shape_cast %add3A_433 : vector<16xf32> to vector<1x16xf32>
        tpu.vector_store %arg8[%swap3A, %swap3A_434], %swap3A_437 {strides = array<i32>} : memref<128x64xf32, #tpu.memory_space<vmem>>, vector<1x16xf32>,
        %get3A_438 = arith.index_cast %scan3A_424 : i32 to index
        %get3A_439 = arith.constant 16 : index
        %get3A_440 = tpu.vector_load %arg8[%get3A_438, %get3A_439] {strides = array<i32>} : memref<128x64xf32, #tpu.memory_space<vmem>>, vector<1x16xf32>,
        %get3A_441 = vector.shape_cast %get3A_440 : vector<1x16xf32> to vector<16xf32>
        %get3A_442 = arith.index_cast %add3A_425 : i32 to index
        %get3A_443 = arith.constant 16 : index
        %get3A_444 = tpu.vector_load %arg7[%get3A_442, %get3A_443] {strides = array<i32>} : memref<328x64xf32, #tpu.memory_space<vmem>>, vector<1x16xf32>,
        %get3A_445 = vector.shape_cast %get3A_444 : vector<1x16xf32> to vector<16xf32>
        %add3A_446 = arith.addf %get3A_441, %get3A_445 : vector<16xf32>
        %swap3A_447 = arith.index_cast %scan3A_424 : i32 to index
        %swap3A_448 = arith.constant 16 : index
        %swap3A_449 = tpu.vector_load %arg8[%swap3A_447, %swap3A_448] {strides = array<i32>} : memref<128x64xf32, #tpu.memory_space<vmem>>, vector<1x16xf32>,
        %swap3A_450 = vector.shape_cast %swap3A_449 : vector<1x16xf32> to vector<16xf32>
        %swap3A_451 = vector.shape_cast %add3A_446 : vector<16xf32> to vector<1x16xf32>
        tpu.vector_store %arg8[%swap3A_447, %swap3A_448], %swap3A_451 {strides = array<i32>} : memref<128x64xf32, #tpu.memory_space<vmem>>, vector<1x16xf32>,
        %get3A_452 = arith.index_cast %scan3A_424 : i32 to index
        %get3A_453 = arith.constant 32 : index
        %get3A_454 = tpu.vector_load %arg8[%get3A_452, %get3A_453] {strides = array<i32>} : memref<128x64xf32, #tpu.memory_space<vmem>>, vector<1x16xf32>,
        %get3A_455 = vector.shape_cast %get3A_454 : vector<1x16xf32> to vector<16xf32>
        %get3A_456 = arith.index_cast %add3A_425 : i32 to index
        %get3A_457 = arith.constant 32 : index
        %get3A_458 = tpu.vector_load %arg7[%get3A_456, %get3A_457] {strides = array<i32>} : memref<328x64xf32, #tpu.memory_space<vmem>>, vector<1x16xf32>,
        %get3A_459 = vector.shape_cast %get3A_458 : vector<1x16xf32> to vector<16xf32>
        %add3A_460 = arith.addf %get3A_455, %get3A_459 : vector<16xf32>
        %swap3A_461 = arith.index_cast %scan3A_424 : i32 to index
        %swap3A_462 = arith.constant 32 : index
        %swap3A_463 = tpu.vector_load %arg8[%swap3A_461, %swap3A_462] {strides = array<i32>} : memref<128x64xf32, #tpu.memory_space<vmem>>, vector<1x16xf32>,
        %swap3A_464 = vector.shape_cast %swap3A_463 : vector<1x16xf32> to vector<16xf32>
        %swap3A_465 = vector.shape_cast %add3A_460 : vector<16xf32> to vector<1x16xf32>
        tpu.vector_store %arg8[%swap3A_461, %swap3A_462], %swap3A_465 {strides = array<i32>} : memref<128x64xf32, #tpu.memory_space<vmem>>, vector<1x16xf32>,
        %get3A_466 = arith.index_cast %scan3A_424 : i32 to index
        %get3A_467 = arith.constant 48 : index
        %get3A_468 = tpu.vector_load %arg8[%get3A_466, %get3A_467] {strides = array<i32>} : memref<128x64xf32, #tpu.memory_space<vmem>>, vector<1x16xf32>,
        %get3A_469 = vector.shape_cast %get3A_468 : vector<1x16xf32> to vector<16xf32>
        %get3A_470 = arith.index_cast %add3A_425 : i32 to index
        %get3A_471 = arith.constant 48 : index
        %get3A_472 = tpu.vector_load %arg7[%get3A_470, %get3A_471] {strides = array<i32>} : memref<328x64xf32, #tpu.memory_space<vmem>>, vector<1x16xf32>,
        %get3A_473 = vector.shape_cast %get3A_472 : vector<1x16xf32> to vector<16xf32>
        %add3A_474 = arith.addf %get3A_469, %get3A_473 : vector<16xf32>
        %swap3A_475 = arith.index_cast %scan3A_424 : i32 to index
        %swap3A_476 = arith.constant 48 : index
        %swap3A_477 = tpu.vector_load %arg8[%swap3A_475, %swap3A_476] {strides = array<i32>} : memref<128x64xf32, #tpu.memory_space<vmem>>, vector<1x16xf32>,
        %swap3A_478 = vector.shape_cast %swap3A_477 : vector<1x16xf32> to vector<16xf32>
        %swap3A_479 = vector.shape_cast %add3A_474 : vector<16xf32> to vector<1x16xf32>
        tpu.vector_store %arg8[%swap3A_475, %swap3A_476], %swap3A_479 {strides = array<i32>} : memref<128x64xf32, #tpu.memory_space<vmem>>, vector<1x16xf32>,
        %scan3A_480 = arith.constant 1 : i32
        %scan3A_481 = arith.addi %scan3A_424, %scan3A_480 : i32
        %add3A_482 = arith.addi %rem3A_296, %scan3A_481 : i32
        %get3A_483 = arith.index_cast %scan3A_481 : i32 to index
        %get3A_484 = arith.constant 0 : index
        %get3A_485 = tpu.vector_load %arg8[%get3A_483, %get3A_484] {strides = array<i32>} : memref<128x64xf32, #tpu.memory_space<vmem>>, vector<1x16xf32>,
        %get3A_486 = vector.shape_cast %get3A_485 : vector<1x16xf32> to vector<16xf32>
        %get3A_487 = arith.index_cast %add3A_482 : i32 to index
        %get3A_488 = arith.constant 0 : index
        %get3A_489 = tpu.vector_load %arg7[%get3A_487, %get3A_488] {strides = array<i32>} : memref<328x64xf32, #tpu.memory_space<vmem>>, vector<1x16xf32>,
        %get3A_490 = vector.shape_cast %get3A_489 : vector<1x16xf32> to vector<16xf32>
        %add3A_491 = arith.addf %get3A_486, %get3A_490 : vector<16xf32>
        %swap3A_492 = arith.index_cast %scan3A_481 : i32 to index
        %swap3A_493 = arith.constant 0 : index
        %swap3A_494 = tpu.vector_load %arg8[%swap3A_492, %swap3A_493] {strides = array<i32>} : memref<128x64xf32, #tpu.memory_space<vmem>>, vector<1x16xf32>,
        %swap3A_495 = vector.shape_cast %swap3A_494 : vector<1x16xf32> to vector<16xf32>
        %swap3A_496 = vector.shape_cast %add3A_491 : vector<16xf32> to vector<1x16xf32>
        tpu.vector_store %arg8[%swap3A_492, %swap3A_493], %swap3A_496 {strides = array<i32>} : memref<128x64xf32, #tpu.memory_space<vmem>>, vector<1x16xf32>,
        %get3A_497 = arith.index_cast %scan3A_481 : i32 to index
        %get3A_498 = arith.constant 16 : index
        %get3A_499 = tpu.vector_load %arg8[%get3A_497, %get3A_498] {strides = array<i32>} : memref<128x64xf32, #tpu.memory_space<vmem>>, vector<1x16xf32>,
        %get3A_500 = vector.shape_cast %get3A_499 : vector<1x16xf32> to vector<16xf32>
        %get3A_501 = arith.index_cast %add3A_482 : i32 to index
        %get3A_502 = arith.constant 16 : index
        %get3A_503 = tpu.vector_load %arg7[%get3A_501, %get3A_502] {strides = array<i32>} : memref<328x64xf32, #tpu.memory_space<vmem>>, vector<1x16xf32>,
        %get3A_504 = vector.shape_cast %get3A_503 : vector<1x16xf32> to vector<16xf32>
        %add3A_505 = arith.addf %get3A_500, %get3A_504 : vector<16xf32>
        %swap3A_506 = arith.index_cast %scan3A_481 : i32 to index
        %swap3A_507 = arith.constant 16 : index
        %swap3A_508 = tpu.vector_load %arg8[%swap3A_506, %swap3A_507] {strides = array<i32>} : memref<128x64xf32, #tpu.memory_space<vmem>>, vector<1x16xf32>,
        %swap3A_509 = vector.shape_cast %swap3A_508 : vector<1x16xf32> to vector<16xf32>
        %swap3A_510 = vector.shape_cast %add3A_505 : vector<16xf32> to vector<1x16xf32>
        tpu.vector_store %arg8[%swap3A_506, %swap3A_507], %swap3A_510 {strides = array<i32>} : memref<128x64xf32, #tpu.memory_space<vmem>>, vector<1x16xf32>,
        %get3A_511 = arith.index_cast %scan3A_481 : i32 to index
        %get3A_512 = arith.constant 32 : index
        %get3A_513 = tpu.vector_load %arg8[%get3A_511, %get3A_512] {strides = array<i32>} : memref<128x64xf32, #tpu.memory_space<vmem>>, vector<1x16xf32>,
        %get3A_514 = vector.shape_cast %get3A_513 : vector<1x16xf32> to vector<16xf32>
        %get3A_515 = arith.index_cast %add3A_482 : i32 to index
        %get3A_516 = arith.constant 32 : index
        %get3A_517 = tpu.vector_load %arg7[%get3A_515, %get3A_516] {strides = array<i32>} : memref<328x64xf32, #tpu.memory_space<vmem>>, vector<1x16xf32>,
        %get3A_518 = vector.shape_cast %get3A_517 : vector<1x16xf32> to vector<16xf32>
        %add3A_519 = arith.addf %get3A_514, %get3A_518 : vector<16xf32>
        %swap3A_520 = arith.index_cast %scan3A_481 : i32 to index
        %swap3A_521 = arith.constant 32 : index
        %swap3A_522 = tpu.vector_load %arg8[%swap3A_520, %swap3A_521] {strides = array<i32>} : memref<128x64xf32, #tpu.memory_space<vmem>>, vector<1x16xf32>,
        %swap3A_523 = vector.shape_cast %swap3A_522 : vector<1x16xf32> to vector<16xf32>
        %swap3A_524 = vector.shape_cast %add3A_519 : vector<16xf32> to vector<1x16xf32>
        tpu.vector_store %arg8[%swap3A_520, %swap3A_521], %swap3A_524 {strides = array<i32>} : memref<128x64xf32, #tpu.memory_space<vmem>>, vector<1x16xf32>,
        %get3A_525 = arith.index_cast %scan3A_481 : i32 to index
        %get3A_526 = arith.constant 48 : index
        %get3A_527 = tpu.vector_load %arg8[%get3A_525, %get3A_526] {strides = array<i32>} : memref<128x64xf32, #tpu.memory_space<vmem>>, vector<1x16xf32>,
        %get3A_528 = vector.shape_cast %get3A_527 : vector<1x16xf32> to vector<16xf32>
        %get3A_529 = arith.index_cast %add3A_482 : i32 to index
        %get3A_530 = arith.constant 48 : index
        %get3A_531 = tpu.vector_load %arg7[%get3A_529, %get3A_530] {strides = array<i32>} : memref<328x64xf32, #tpu.memory_space<vmem>>, vector<1x16xf32>,
        %get3A_532 = vector.shape_cast %get3A_531 : vector<1x16xf32> to vector<16xf32>
        %add3A_533 = arith.addf %get3A_528, %get3A_532 : vector<16xf32>
        %swap3A_534 = arith.index_cast %scan3A_481 : i32 to index
        %swap3A_535 = arith.constant 48 : index
        %swap3A_536 = tpu.vector_load %arg8[%swap3A_534, %swap3A_535] {strides = array<i32>} : memref<128x64xf32, #tpu.memory_space<vmem>>, vector<1x16xf32>,
        %swap3A_537 = vector.shape_cast %swap3A_536 : vector<1x16xf32> to vector<16xf32>
        %swap3A_538 = vector.shape_cast %add3A_533 : vector<16xf32> to vector<1x16xf32>
        tpu.vector_store %arg8[%swap3A_534, %swap3A_535], %swap3A_538 {strides = array<i32>} : memref<128x64xf32, #tpu.memory_space<vmem>>, vector<1x16xf32>,
      }
      %scan3A_302 = arith.constant 128 : i32
      %mul3A_303 = arith.constant 128 : i32
      %mul3A_304 = arith.muli %add3A_273, %mul3A_303 : i32
      %add3A_305 = arith.addi %mul3A_2, %mul3A_304 : i32
      %dma_start3A_306 = arith.constant 0 : i32
      %dma_start3A_307 = tpu.memref_slice %arg5[%add3A_305, %dma_start3A_306] : memref<819200x64xf32, #tpu.memory_space<hbm>> -> memref<128x64xf32, #tpu.memory_space<hbm>>
      %dma_start3A_308 = arith.constant 0 : i32
      %dma_start3A_309 = tpu.memref_slice %arg5[%add3A_305, %dma_start3A_308] : memref<819200x64xf32, #tpu.memory_space<hbm>> -> memref<128x64xf32, #tpu.memory_space<hbm>>
      tpu.enqueue_dma source(%arg8 : memref<128x64xf32, #tpu.memory_space<vmem>>) target(%dma_start3A_309 : memref<128x64xf32, #tpu.memory_space<hbm>>) target_semaphore(%arg16 : memref<!tpu.dma_semaphore, #tpu.memory_space<semaphore_mem>>)
      %add3A_310 = arith.constant 1 : i32
      %add3A_311 = arith.addi %mul3A_271, %add3A_310 : i32
      %add3A_312 = arith.constant 2 : i32
      %add3A_313 = arith.addi %add3A_311, %add3A_312 : i32
      %dma_wait3A_314 = arith.constant 0 : i32
      %dma_wait3A_315 = tpu.memref_slice %arg5[%mul3A_2, %dma_wait3A_314] : memref<819200x64xf32, #tpu.memory_space<hbm>> -> memref<128x64xf32, #tpu.memory_space<hbm>>
      %dma_wait3A_316 = arith.constant 0 : i32
      %dma_wait3A_317 = tpu.memref_slice %arg5[%mul3A_2, %dma_wait3A_316] : memref<819200x64xf32, #tpu.memory_space<hbm>> -> memref<128x64xf32, #tpu.memory_space<hbm>>
      tpu.wait_dma2 semaphore(%arg19 : memref<!tpu.dma_semaphore, #tpu.memory_space<semaphore_mem>>) src(%arg11 : memref<128x64xf32, #tpu.memory_space<vmem>>) dst(%dma_wait3A_317 : memref<128x64xf32, #tpu.memory_space<hbm>>)
      %dma_start3A_318 = arith.constant 0 : i32
      %dma_start3A_319 = tpu.memref_slice %arg6[%add3A_313, %dma_start3A_318] : memref<200x128xi32, #tpu.memory_space<vmem>> -> memref<1x128xi32, #tpu.memory_space<vmem>>
      %dma_start3A_320 = tpu.memref_squeeze %dma_start3A_319 : memref<1x128xi32, #tpu.memory_space<vmem>> -> memref<128xi32, #tpu.memory_space<vmem>>
      %dma_start3A_321 = arith.constant 0 : i32
      %dma_start3A_322 = arith.constant 0 : i32
      %dma_start3A_323 = tpu.memref_slice %arg3[%dma_start3A_321, %dma_start3A_322] : memref<100000x64xf32, #tpu.memory_space<hbm>> -> memref<100000x64xf32, #tpu.memory_space<hbm>>
      tpu.enqueue_indirect_dma source(%dma_start3A_323 : memref<100000x64xf32, #tpu.memory_space<hbm>>) target(%arg11 : memref<128x64xf32, #tpu.memory_space<vmem>>) offsets(%dma_start3A_320 : memref<128xi32, #tpu.memory_space<vmem>>) semaphore(%arg15 : memref<!tpu.dma_semaphore, #tpu.memory_space<semaphore_mem>>)
      %dma_wait3A_324 = arith.constant 0 : i32
      %dma_wait3A_325 = arith.constant 0 : i32
      %dma_wait3A_326 = tpu.memref_slice %arg6[%dma_wait3A_324, %dma_wait3A_325] : memref<200x128xi32, #tpu.memory_space<vmem>> -> memref<1x128xi32, #tpu.memory_space<vmem>>
      %dma_wait3A_327 = tpu.memref_squeeze %dma_wait3A_326 : memref<1x128xi32, #tpu.memory_space<vmem>> -> memref<128xi32, #tpu.memory_space<vmem>>
      %dma_wait3A_328 = arith.constant 0 : i32
      %dma_wait3A_329 = arith.constant 0 : i32
      %dma_wait3A_330 = tpu.memref_slice %arg3[%dma_wait3A_328, %dma_wait3A_329] : memref<100000x64xf32, #tpu.memory_space<hbm>> -> memref<100000x64xf32, #tpu.memory_space<hbm>>
      tpu.wait_indirect_dma semaphore(%arg13 : memref<!tpu.dma_semaphore, #tpu.memory_space<semaphore_mem>>) src(%dma_wait3A_330 : memref<100000x64xf32, #tpu.memory_space<hbm>>) dst(%arg9 : memref<128x64xf32, #tpu.memory_space<vmem>>)
      %mul3A_331 = arith.constant 128 : i32
      %mul3A_332 = arith.muli %add3A_311, %mul3A_331 : i32
      %rem3A_333 = arith.constant 200 : i32
      %rem3A_334 = arith.remsi %mul3A_332, %rem3A_333 : i32
      %scan3A_335 = arith.constant 0 : i32
      %scan3A_336 = arith.constant 0 : i32
      %scan3A_337 = arith.constant 128 : i32
      %scan3A_338 = arith.addi %scan3A_336, %scan3A_337 : i32
      %scan3A_339 = arith.constant 2 : i32
      scf.for %scan3A_424 = %scan3A_336 to %scan3A_338 step %scan3A_339  : i32 {
        %add3A_425 = arith.addi %rem3A_334, %scan3A_424 : i32
        %get3A = arith.index_cast %scan3A_424 : i32 to index
        %get3A_426 = arith.constant 0 : index
        %get3A_427 = tpu.vector_load %arg9[%get3A, %get3A_426] {strides = array<i32>} : memref<128x64xf32, #tpu.memory_space<vmem>>, vector<1x16xf32>,
        %get3A_428 = vector.shape_cast %get3A_427 : vector<1x16xf32> to vector<16xf32>
        %get3A_429 = arith.index_cast %add3A_425 : i32 to index
        %get3A_430 = arith.constant 0 : index
        %get3A_431 = tpu.vector_load %arg7[%get3A_429, %get3A_430] {strides = array<i32>} : memref<328x64xf32, #tpu.memory_space<vmem>>, vector<1x16xf32>,
        %get3A_432 = vector.shape_cast %get3A_431 : vector<1x16xf32> to vector<16xf32>
        %add3A_433 = arith.addf %get3A_428, %get3A_432 : vector<16xf32>
        %swap3A = arith.index_cast %scan3A_424 : i32 to index
        %swap3A_434 = arith.constant 0 : index
        %swap3A_435 = tpu.vector_load %arg9[%swap3A, %swap3A_434] {strides = array<i32>} : memref<128x64xf32, #tpu.memory_space<vmem>>, vector<1x16xf32>,
        %swap3A_436 = vector.shape_cast %swap3A_435 : vector<1x16xf32> to vector<16xf32>
        %swap3A_437 = vector.shape_cast %add3A_433 : vector<16xf32> to vector<1x16xf32>
        tpu.vector_store %arg9[%swap3A, %swap3A_434], %swap3A_437 {strides = array<i32>} : memref<128x64xf32, #tpu.memory_space<vmem>>, vector<1x16xf32>,
        %get3A_438 = arith.index_cast %scan3A_424 : i32 to index
        %get3A_439 = arith.constant 16 : index
        %get3A_440 = tpu.vector_load %arg9[%get3A_438, %get3A_439] {strides = array<i32>} : memref<128x64xf32, #tpu.memory_space<vmem>>, vector<1x16xf32>,
        %get3A_441 = vector.shape_cast %get3A_440 : vector<1x16xf32> to vector<16xf32>
        %get3A_442 = arith.index_cast %add3A_425 : i32 to index
        %get3A_443 = arith.constant 16 : index
        %get3A_444 = tpu.vector_load %arg7[%get3A_442, %get3A_443] {strides = array<i32>} : memref<328x64xf32, #tpu.memory_space<vmem>>, vector<1x16xf32>,
        %get3A_445 = vector.shape_cast %get3A_444 : vector<1x16xf32> to vector<16xf32>
        %add3A_446 = arith.addf %get3A_441, %get3A_445 : vector<16xf32>
        %swap3A_447 = arith.index_cast %scan3A_424 : i32 to index
        %swap3A_448 = arith.constant 16 : index
        %swap3A_449 = tpu.vector_load %arg9[%swap3A_447, %swap3A_448] {strides = array<i32>} : memref<128x64xf32, #tpu.memory_space<vmem>>, vector<1x16xf32>,
        %swap3A_450 = vector.shape_cast %swap3A_449 : vector<1x16xf32> to vector<16xf32>
        %swap3A_451 = vector.shape_cast %add3A_446 : vector<16xf32> to vector<1x16xf32>
        tpu.vector_store %arg9[%swap3A_447, %swap3A_448], %swap3A_451 {strides = array<i32>} : memref<128x64xf32, #tpu.memory_space<vmem>>, vector<1x16xf32>,
        %get3A_452 = arith.index_cast %scan3A_424 : i32 to index
        %get3A_453 = arith.constant 32 : index
        %get3A_454 = tpu.vector_load %arg9[%get3A_452, %get3A_453] {strides = array<i32>} : memref<128x64xf32, #tpu.memory_space<vmem>>, vector<1x16xf32>,
        %get3A_455 = vector.shape_cast %get3A_454 : vector<1x16xf32> to vector<16xf32>
        %get3A_456 = arith.index_cast %add3A_425 : i32 to index
        %get3A_457 = arith.constant 32 : index
        %get3A_458 = tpu.vector_load %arg7[%get3A_456, %get3A_457] {strides = array<i32>} : memref<328x64xf32, #tpu.memory_space<vmem>>, vector<1x16xf32>,
        %get3A_459 = vector.shape_cast %get3A_458 : vector<1x16xf32> to vector<16xf32>
        %add3A_460 = arith.addf %get3A_455, %get3A_459 : vector<16xf32>
        %swap3A_461 = arith.index_cast %scan3A_424 : i32 to index
        %swap3A_462 = arith.constant 32 : index
        %swap3A_463 = tpu.vector_load %arg9[%swap3A_461, %swap3A_462] {strides = array<i32>} : memref<128x64xf32, #tpu.memory_space<vmem>>, vector<1x16xf32>,
        %swap3A_464 = vector.shape_cast %swap3A_463 : vector<1x16xf32> to vector<16xf32>
        %swap3A_465 = vector.shape_cast %add3A_460 : vector<16xf32> to vector<1x16xf32>
        tpu.vector_store %arg9[%swap3A_461, %swap3A_462], %swap3A_465 {strides = array<i32>} : memref<128x64xf32, #tpu.memory_space<vmem>>, vector<1x16xf32>,
        %get3A_466 = arith.index_cast %scan3A_424 : i32 to index
        %get3A_467 = arith.constant 48 : index
        %get3A_468 = tpu.vector_load %arg9[%get3A_466, %get3A_467] {strides = array<i32>} : memref<128x64xf32, #tpu.memory_space<vmem>>, vector<1x16xf32>,
        %get3A_469 = vector.shape_cast %get3A_468 : vector<1x16xf32> to vector<16xf32>
        %get3A_470 = arith.index_cast %add3A_425 : i32 to index
        %get3A_471 = arith.constant 48 : index
        %get3A_472 = tpu.vector_load %arg7[%get3A_470, %get3A_471] {strides = array<i32>} : memref<328x64xf32, #tpu.memory_space<vmem>>, vector<1x16xf32>,
        %get3A_473 = vector.shape_cast %get3A_472 : vector<1x16xf32> to vector<16xf32>
        %add3A_474 = arith.addf %get3A_469, %get3A_473 : vector<16xf32>
        %swap3A_475 = arith.index_cast %scan3A_424 : i32 to index
        %swap3A_476 = arith.constant 48 : index
        %swap3A_477 = tpu.vector_load %arg9[%swap3A_475, %swap3A_476] {strides = array<i32>} : memref<128x64xf32, #tpu.memory_space<vmem>>, vector<1x16xf32>,
        %swap3A_478 = vector.shape_cast %swap3A_477 : vector<1x16xf32> to vector<16xf32>
        %swap3A_479 = vector.shape_cast %add3A_474 : vector<16xf32> to vector<1x16xf32>
        tpu.vector_store %arg9[%swap3A_475, %swap3A_476], %swap3A_479 {strides = array<i32>} : memref<128x64xf32, #tpu.memory_space<vmem>>, vector<1x16xf32>,
        %scan3A_480 = arith.constant 1 : i32
        %scan3A_481 = arith.addi %scan3A_424, %scan3A_480 : i32
        %add3A_482 = arith.addi %rem3A_334, %scan3A_481 : i32
        %get3A_483 = arith.index_cast %scan3A_481 : i32 to index
        %get3A_484 = arith.constant 0 : index
        %get3A_485 = tpu.vector_load %arg9[%get3A_483, %get3A_484] {strides = array<i32>} : memref<128x64xf32, #tpu.memory_space<vmem>>, vector<1x16xf32>,
        %get3A_486 = vector.shape_cast %get3A_485 : vector<1x16xf32> to vector<16xf32>
        %get3A_487 = arith.index_cast %add3A_482 : i32 to index
        %get3A_488 = arith.constant 0 : index
        %get3A_489 = tpu.vector_load %arg7[%get3A_487, %get3A_488] {strides = array<i32>} : memref<328x64xf32, #tpu.memory_space<vmem>>, vector<1x16xf32>,
        %get3A_490 = vector.shape_cast %get3A_489 : vector<1x16xf32> to vector<16xf32>
        %add3A_491 = arith.addf %get3A_486, %get3A_490 : vector<16xf32>
        %swap3A_492 = arith.index_cast %scan3A_481 : i32 to index
        %swap3A_493 = arith.constant 0 : index
        %swap3A_494 = tpu.vector_load %arg9[%swap3A_492, %swap3A_493] {strides = array<i32>} : memref<128x64xf32, #tpu.memory_space<vmem>>, vector<1x16xf32>,
        %swap3A_495 = vector.shape_cast %swap3A_494 : vector<1x16xf32> to vector<16xf32>
        %swap3A_496 = vector.shape_cast %add3A_491 : vector<16xf32> to vector<1x16xf32>
        tpu.vector_store %arg9[%swap3A_492, %swap3A_493], %swap3A_496 {strides = array<i32>} : memref<128x64xf32, #tpu.memory_space<vmem>>, vector<1x16xf32>,
        %get3A_497 = arith.index_cast %scan3A_481 : i32 to index
        %get3A_498 = arith.constant 16 : index
        %get3A_499 = tpu.vector_load %arg9[%get3A_497, %get3A_498] {strides = array<i32>} : memref<128x64xf32, #tpu.memory_space<vmem>>, vector<1x16xf32>,
        %get3A_500 = vector.shape_cast %get3A_499 : vector<1x16xf32> to vector<16xf32>
        %get3A_501 = arith.index_cast %add3A_482 : i32 to index
        %get3A_502 = arith.constant 16 : index
        %get3A_503 = tpu.vector_load %arg7[%get3A_501, %get3A_502] {strides = array<i32>} : memref<328x64xf32, #tpu.memory_space<vmem>>, vector<1x16xf32>,
        %get3A_504 = vector.shape_cast %get3A_503 : vector<1x16xf32> to vector<16xf32>
        %add3A_505 = arith.addf %get3A_500, %get3A_504 : vector<16xf32>
        %swap3A_506 = arith.index_cast %scan3A_481 : i32 to index
        %swap3A_507 = arith.constant 16 : index
        %swap3A_508 = tpu.vector_load %arg9[%swap3A_506, %swap3A_507] {strides = array<i32>} : memref<128x64xf32, #tpu.memory_space<vmem>>, vector<1x16xf32>,
        %swap3A_509 = vector.shape_cast %swap3A_508 : vector<1x16xf32> to vector<16xf32>
        %swap3A_510 = vector.shape_cast %add3A_505 : vector<16xf32> to vector<1x16xf32>
        tpu.vector_store %arg9[%swap3A_506, %swap3A_507], %swap3A_510 {strides = array<i32>} : memref<128x64xf32, #tpu.memory_space<vmem>>, vector<1x16xf32>,
        %get3A_511 = arith.index_cast %scan3A_481 : i32 to index
        %get3A_512 = arith.constant 32 : index
        %get3A_513 = tpu.vector_load %arg9[%get3A_511, %get3A_512] {strides = array<i32>} : memref<128x64xf32, #tpu.memory_space<vmem>>, vector<1x16xf32>,
        %get3A_514 = vector.shape_cast %get3A_513 : vector<1x16xf32> to vector<16xf32>
        %get3A_515 = arith.index_cast %add3A_482 : i32 to index
        %get3A_516 = arith.constant 32 : index
        %get3A_517 = tpu.vector_load %arg7[%get3A_515, %get3A_516] {strides = array<i32>} : memref<328x64xf32, #tpu.memory_space<vmem>>, vector<1x16xf32>,
        %get3A_518 = vector.shape_cast %get3A_517 : vector<1x16xf32> to vector<16xf32>
        %add3A_519 = arith.addf %get3A_514, %get3A_518 : vector<16xf32>
        %swap3A_520 = arith.index_cast %scan3A_481 : i32 to index
        %swap3A_521 = arith.constant 32 : index
        %swap3A_522 = tpu.vector_load %arg9[%swap3A_520, %swap3A_521] {strides = array<i32>} : memref<128x64xf32, #tpu.memory_space<vmem>>, vector<1x16xf32>,
        %swap3A_523 = vector.shape_cast %swap3A_522 : vector<1x16xf32> to vector<16xf32>
        %swap3A_524 = vector.shape_cast %add3A_519 : vector<16xf32> to vector<1x16xf32>
        tpu.vector_store %arg9[%swap3A_520, %swap3A_521], %swap3A_524 {strides = array<i32>} : memref<128x64xf32, #tpu.memory_space<vmem>>, vector<1x16xf32>,
        %get3A_525 = arith.index_cast %scan3A_481 : i32 to index
        %get3A_526 = arith.constant 48 : index
        %get3A_527 = tpu.vector_load %arg9[%get3A_525, %get3A_526] {strides = array<i32>} : memref<128x64xf32, #tpu.memory_space<vmem>>, vector<1x16xf32>,
        %get3A_528 = vector.shape_cast %get3A_527 : vector<1x16xf32> to vector<16xf32>
        %get3A_529 = arith.index_cast %add3A_482 : i32 to index
        %get3A_530 = arith.constant 48 : index
        %get3A_531 = tpu.vector_load %arg7[%get3A_529, %get3A_530] {strides = array<i32>} : memref<328x64xf32, #tpu.memory_space<vmem>>, vector<1x16xf32>,
        %get3A_532 = vector.shape_cast %get3A_531 : vector<1x16xf32> to vector<16xf32>
        %add3A_533 = arith.addf %get3A_528, %get3A_532 : vector<16xf32>
        %swap3A_534 = arith.index_cast %scan3A_481 : i32 to index
        %swap3A_535 = arith.constant 48 : index
        %swap3A_536 = tpu.vector_load %arg9[%swap3A_534, %swap3A_535] {strides = array<i32>} : memref<128x64xf32, #tpu.memory_space<vmem>>, vector<1x16xf32>,
        %swap3A_537 = vector.shape_cast %swap3A_536 : vector<1x16xf32> to vector<16xf32>
        %swap3A_538 = vector.shape_cast %add3A_533 : vector<16xf32> to vector<1x16xf32>
        tpu.vector_store %arg9[%swap3A_534, %swap3A_535], %swap3A_538 {strides = array<i32>} : memref<128x64xf32, #tpu.memory_space<vmem>>, vector<1x16xf32>,
      }
      %scan3A_340 = arith.constant 128 : i32
      %mul3A_341 = arith.constant 128 : i32
      %mul3A_342 = arith.muli %add3A_311, %mul3A_341 : i32
      %add3A_343 = arith.addi %mul3A_2, %mul3A_342 : i32
      %dma_start3A_344 = arith.constant 0 : i32
      %dma_start3A_345 = tpu.memref_slice %arg5[%add3A_343, %dma_start3A_344] : memref<819200x64xf32, #tpu.memory_space<hbm>> -> memref<128x64xf32, #tpu.memory_space<hbm>>
      %dma_start3A_346 = arith.constant 0 : i32
      %dma_start3A_347 = tpu.memref_slice %arg5[%add3A_343, %dma_start3A_346] : memref<819200x64xf32, #tpu.memory_space<hbm>> -> memref<128x64xf32, #tpu.memory_space<hbm>>
      tpu.enqueue_dma source(%arg9 : memref<128x64xf32, #tpu.memory_space<vmem>>) target(%dma_start3A_347 : memref<128x64xf32, #tpu.memory_space<hbm>>) target_semaphore(%arg17 : memref<!tpu.dma_semaphore, #tpu.memory_space<semaphore_mem>>)
      %add3A_348 = arith.constant 2 : i32
      %add3A_349 = arith.addi %mul3A_271, %add3A_348 : i32
      %add3A_350 = arith.constant 2 : i32
      %add3A_351 = arith.addi %add3A_349, %add3A_350 : i32
      %dma_wait3A_352 = arith.constant 0 : i32
      %dma_wait3A_353 = tpu.memref_slice %arg5[%mul3A_2, %dma_wait3A_352] : memref<819200x64xf32, #tpu.memory_space<hbm>> -> memref<128x64xf32, #tpu.memory_space<hbm>>
      %dma_wait3A_354 = arith.constant 0 : i32
      %dma_wait3A_355 = tpu.memref_slice %arg5[%mul3A_2, %dma_wait3A_354] : memref<819200x64xf32, #tpu.memory_space<hbm>> -> memref<128x64xf32, #tpu.memory_space<hbm>>
      tpu.wait_dma2 semaphore(%arg16 : memref<!tpu.dma_semaphore, #tpu.memory_space<semaphore_mem>>) src(%arg8 : memref<128x64xf32, #tpu.memory_space<vmem>>) dst(%dma_wait3A_355 : memref<128x64xf32, #tpu.memory_space<hbm>>)
      %dma_start3A_356 = arith.constant 0 : i32
      %dma_start3A_357 = tpu.memref_slice %arg6[%add3A_351, %dma_start3A_356] : memref<200x128xi32, #tpu.memory_space<vmem>> -> memref<1x128xi32, #tpu.memory_space<vmem>>
      %dma_start3A_358 = tpu.memref_squeeze %dma_start3A_357 : memref<1x128xi32, #tpu.memory_space<vmem>> -> memref<128xi32, #tpu.memory_space<vmem>>
      %dma_start3A_359 = arith.constant 0 : i32
      %dma_start3A_360 = arith.constant 0 : i32
      %dma_start3A_361 = tpu.memref_slice %arg3[%dma_start3A_359, %dma_start3A_360] : memref<100000x64xf32, #tpu.memory_space<hbm>> -> memref<100000x64xf32, #tpu.memory_space<hbm>>
      tpu.enqueue_indirect_dma source(%dma_start3A_361 : memref<100000x64xf32, #tpu.memory_space<hbm>>) target(%arg8 : memref<128x64xf32, #tpu.memory_space<vmem>>) offsets(%dma_start3A_358 : memref<128xi32, #tpu.memory_space<vmem>>) semaphore(%arg12 : memref<!tpu.dma_semaphore, #tpu.memory_space<semaphore_mem>>)
      %dma_wait3A_362 = arith.constant 0 : i32
      %dma_wait3A_363 = arith.constant 0 : i32
      %dma_wait3A_364 = tpu.memref_slice %arg6[%dma_wait3A_362, %dma_wait3A_363] : memref<200x128xi32, #tpu.memory_space<vmem>> -> memref<1x128xi32, #tpu.memory_space<vmem>>
      %dma_wait3A_365 = tpu.memref_squeeze %dma_wait3A_364 : memref<1x128xi32, #tpu.memory_space<vmem>> -> memref<128xi32, #tpu.memory_space<vmem>>
      %dma_wait3A_366 = arith.constant 0 : i32
      %dma_wait3A_367 = arith.constant 0 : i32
      %dma_wait3A_368 = tpu.memref_slice %arg3[%dma_wait3A_366, %dma_wait3A_367] : memref<100000x64xf32, #tpu.memory_space<hbm>> -> memref<100000x64xf32, #tpu.memory_space<hbm>>
      tpu.wait_indirect_dma semaphore(%arg14 : memref<!tpu.dma_semaphore, #tpu.memory_space<semaphore_mem>>) src(%dma_wait3A_368 : memref<100000x64xf32, #tpu.memory_space<hbm>>) dst(%arg10 : memref<128x64xf32, #tpu.memory_space<vmem>>)
      %mul3A_369 = arith.constant 128 : i32
      %mul3A_370 = arith.muli %add3A_349, %mul3A_369 : i32
      %rem3A_371 = arith.constant 200 : i32
      %rem3A_372 = arith.remsi %mul3A_370, %rem3A_371 : i32
      %scan3A_373 = arith.constant 0 : i32
      %scan3A_374 = arith.constant 0 : i32
      %scan3A_375 = arith.constant 128 : i32
      %scan3A_376 = arith.addi %scan3A_374, %scan3A_375 : i32
      %scan3A_377 = arith.constant 2 : i32
      scf.for %scan3A_424 = %scan3A_374 to %scan3A_376 step %scan3A_377  : i32 {
        %add3A_425 = arith.addi %rem3A_372, %scan3A_424 : i32
        %get3A = arith.index_cast %scan3A_424 : i32 to index
        %get3A_426 = arith.constant 0 : index
        %get3A_427 = tpu.vector_load %arg10[%get3A, %get3A_426] {strides = array<i32>} : memref<128x64xf32, #tpu.memory_space<vmem>>, vector<1x16xf32>,
        %get3A_428 = vector.shape_cast %get3A_427 : vector<1x16xf32> to vector<16xf32>
        %get3A_429 = arith.index_cast %add3A_425 : i32 to index
        %get3A_430 = arith.constant 0 : index
        %get3A_431 = tpu.vector_load %arg7[%get3A_429, %get3A_430] {strides = array<i32>} : memref<328x64xf32, #tpu.memory_space<vmem>>, vector<1x16xf32>,
        %get3A_432 = vector.shape_cast %get3A_431 : vector<1x16xf32> to vector<16xf32>
        %add3A_433 = arith.addf %get3A_428, %get3A_432 : vector<16xf32>
        %swap3A = arith.index_cast %scan3A_424 : i32 to index
        %swap3A_434 = arith.constant 0 : index
        %swap3A_435 = tpu.vector_load %arg10[%swap3A, %swap3A_434] {strides = array<i32>} : memref<128x64xf32, #tpu.memory_space<vmem>>, vector<1x16xf32>,
        %swap3A_436 = vector.shape_cast %swap3A_435 : vector<1x16xf32> to vector<16xf32>
        %swap3A_437 = vector.shape_cast %add3A_433 : vector<16xf32> to vector<1x16xf32>
        tpu.vector_store %arg10[%swap3A, %swap3A_434], %swap3A_437 {strides = array<i32>} : memref<128x64xf32, #tpu.memory_space<vmem>>, vector<1x16xf32>,
        %get3A_438 = arith.index_cast %scan3A_424 : i32 to index
        %get3A_439 = arith.constant 16 : index
        %get3A_440 = tpu.vector_load %arg10[%get3A_438, %get3A_439] {strides = array<i32>} : memref<128x64xf32, #tpu.memory_space<vmem>>, vector<1x16xf32>,
        %get3A_441 = vector.shape_cast %get3A_440 : vector<1x16xf32> to vector<16xf32>
        %get3A_442 = arith.index_cast %add3A_425 : i32 to index
        %get3A_443 = arith.constant 16 : index
        %get3A_444 = tpu.vector_load %arg7[%get3A_442, %get3A_443] {strides = array<i32>} : memref<328x64xf32, #tpu.memory_space<vmem>>, vector<1x16xf32>,
        %get3A_445 = vector.shape_cast %get3A_444 : vector<1x16xf32> to vector<16xf32>
        %add3A_446 = arith.addf %get3A_441, %get3A_445 : vector<16xf32>
        %swap3A_447 = arith.index_cast %scan3A_424 : i32 to index
        %swap3A_448 = arith.constant 16 : index
        %swap3A_449 = tpu.vector_load %arg10[%swap3A_447, %swap3A_448] {strides = array<i32>} : memref<128x64xf32, #tpu.memory_space<vmem>>, vector<1x16xf32>,
        %swap3A_450 = vector.shape_cast %swap3A_449 : vector<1x16xf32> to vector<16xf32>
        %swap3A_451 = vector.shape_cast %add3A_446 : vector<16xf32> to vector<1x16xf32>
        tpu.vector_store %arg10[%swap3A_447, %swap3A_448], %swap3A_451 {strides = array<i32>} : memref<128x64xf32, #tpu.memory_space<vmem>>, vector<1x16xf32>,
        %get3A_452 = arith.index_cast %scan3A_424 : i32 to index
        %get3A_453 = arith.constant 32 : index
        %get3A_454 = tpu.vector_load %arg10[%get3A_452, %get3A_453] {strides = array<i32>} : memref<128x64xf32, #tpu.memory_space<vmem>>, vector<1x16xf32>,
        %get3A_455 = vector.shape_cast %get3A_454 : vector<1x16xf32> to vector<16xf32>
        %get3A_456 = arith.index_cast %add3A_425 : i32 to index
        %get3A_457 = arith.constant 32 : index
        %get3A_458 = tpu.vector_load %arg7[%get3A_456, %get3A_457] {strides = array<i32>} : memref<328x64xf32, #tpu.memory_space<vmem>>, vector<1x16xf32>,
        %get3A_459 = vector.shape_cast %get3A_458 : vector<1x16xf32> to vector<16xf32>
        %add3A_460 = arith.addf %get3A_455, %get3A_459 : vector<16xf32>
        %swap3A_461 = arith.index_cast %scan3A_424 : i32 to index
        %swap3A_462 = arith.constant 32 : index
        %swap3A_463 = tpu.vector_load %arg10[%swap3A_461, %swap3A_462] {strides = array<i32>} : memref<128x64xf32, #tpu.memory_space<vmem>>, vector<1x16xf32>,
        %swap3A_464 = vector.shape_cast %swap3A_463 : vector<1x16xf32> to vector<16xf32>
        %swap3A_465 = vector.shape_cast %add3A_460 : vector<16xf32> to vector<1x16xf32>
        tpu.vector_store %arg10[%swap3A_461, %swap3A_462], %swap3A_465 {strides = array<i32>} : memref<128x64xf32, #tpu.memory_space<vmem>>, vector<1x16xf32>,
        %get3A_466 = arith.index_cast %scan3A_424 : i32 to index
        %get3A_467 = arith.constant 48 : index
        %get3A_468 = tpu.vector_load %arg10[%get3A_466, %get3A_467] {strides = array<i32>} : memref<128x64xf32, #tpu.memory_space<vmem>>, vector<1x16xf32>,
        %get3A_469 = vector.shape_cast %get3A_468 : vector<1x16xf32> to vector<16xf32>
        %get3A_470 = arith.index_cast %add3A_425 : i32 to index
        %get3A_471 = arith.constant 48 : index
        %get3A_472 = tpu.vector_load %arg7[%get3A_470, %get3A_471] {strides = array<i32>} : memref<328x64xf32, #tpu.memory_space<vmem>>, vector<1x16xf32>,
        %get3A_473 = vector.shape_cast %get3A_472 : vector<1x16xf32> to vector<16xf32>
        %add3A_474 = arith.addf %get3A_469, %get3A_473 : vector<16xf32>
        %swap3A_475 = arith.index_cast %scan3A_424 : i32 to index
        %swap3A_476 = arith.constant 48 : index
        %swap3A_477 = tpu.vector_load %arg10[%swap3A_475, %swap3A_476] {strides = array<i32>} : memref<128x64xf32, #tpu.memory_space<vmem>>, vector<1x16xf32>,
        %swap3A_478 = vector.shape_cast %swap3A_477 : vector<1x16xf32> to vector<16xf32>
        %swap3A_479 = vector.shape_cast %add3A_474 : vector<16xf32> to vector<1x16xf32>
        tpu.vector_store %arg10[%swap3A_475, %swap3A_476], %swap3A_479 {strides = array<i32>} : memref<128x64xf32, #tpu.memory_space<vmem>>, vector<1x16xf32>,
        %scan3A_480 = arith.constant 1 : i32
        %scan3A_481 = arith.addi %scan3A_424, %scan3A_480 : i32
        %add3A_482 = arith.addi %rem3A_372, %scan3A_481 : i32
        %get3A_483 = arith.index_cast %scan3A_481 : i32 to index
        %get3A_484 = arith.constant 0 : index
        %get3A_485 = tpu.vector_load %arg10[%get3A_483, %get3A_484] {strides = array<i32>} : memref<128x64xf32, #tpu.memory_space<vmem>>, vector<1x16xf32>,
        %get3A_486 = vector.shape_cast %get3A_485 : vector<1x16xf32> to vector<16xf32>
        %get3A_487 = arith.index_cast %add3A_482 : i32 to index
        %get3A_488 = arith.constant 0 : index
        %get3A_489 = tpu.vector_load %arg7[%get3A_487, %get3A_488] {strides = array<i32>} : memref<328x64xf32, #tpu.memory_space<vmem>>, vector<1x16xf32>,
        %get3A_490 = vector.shape_cast %get3A_489 : vector<1x16xf32> to vector<16xf32>
        %add3A_491 = arith.addf %get3A_486, %get3A_490 : vector<16xf32>
        %swap3A_492 = arith.index_cast %scan3A_481 : i32 to index
        %swap3A_493 = arith.constant 0 : index
        %swap3A_494 = tpu.vector_load %arg10[%swap3A_492, %swap3A_493] {strides = array<i32>} : memref<128x64xf32, #tpu.memory_space<vmem>>, vector<1x16xf32>,
        %swap3A_495 = vector.shape_cast %swap3A_494 : vector<1x16xf32> to vector<16xf32>
        %swap3A_496 = vector.shape_cast %add3A_491 : vector<16xf32> to vector<1x16xf32>
        tpu.vector_store %arg10[%swap3A_492, %swap3A_493], %swap3A_496 {strides = array<i32>} : memref<128x64xf32, #tpu.memory_space<vmem>>, vector<1x16xf32>,
        %get3A_497 = arith.index_cast %scan3A_481 : i32 to index
        %get3A_498 = arith.constant 16 : index
        %get3A_499 = tpu.vector_load %arg10[%get3A_497, %get3A_498] {strides = array<i32>} : memref<128x64xf32, #tpu.memory_space<vmem>>, vector<1x16xf32>,
        %get3A_500 = vector.shape_cast %get3A_499 : vector<1x16xf32> to vector<16xf32>
        %get3A_501 = arith.index_cast %add3A_482 : i32 to index
        %get3A_502 = arith.constant 16 : index
        %get3A_503 = tpu.vector_load %arg7[%get3A_501, %get3A_502] {strides = array<i32>} : memref<328x64xf32, #tpu.memory_space<vmem>>, vector<1x16xf32>,
        %get3A_504 = vector.shape_cast %get3A_503 : vector<1x16xf32> to vector<16xf32>
        %add3A_505 = arith.addf %get3A_500, %get3A_504 : vector<16xf32>
        %swap3A_506 = arith.index_cast %scan3A_481 : i32 to index
        %swap3A_507 = arith.constant 16 : index
        %swap3A_508 = tpu.vector_load %arg10[%swap3A_506, %swap3A_507] {strides = array<i32>} : memref<128x64xf32, #tpu.memory_space<vmem>>, vector<1x16xf32>,
        %swap3A_509 = vector.shape_cast %swap3A_508 : vector<1x16xf32> to vector<16xf32>
        %swap3A_510 = vector.shape_cast %add3A_505 : vector<16xf32> to vector<1x16xf32>
        tpu.vector_store %arg10[%swap3A_506, %swap3A_507], %swap3A_510 {strides = array<i32>} : memref<128x64xf32, #tpu.memory_space<vmem>>, vector<1x16xf32>,
        %get3A_511 = arith.index_cast %scan3A_481 : i32 to index
        %get3A_512 = arith.constant 32 : index
        %get3A_513 = tpu.vector_load %arg10[%get3A_511, %get3A_512] {strides = array<i32>} : memref<128x64xf32, #tpu.memory_space<vmem>>, vector<1x16xf32>,
        %get3A_514 = vector.shape_cast %get3A_513 : vector<1x16xf32> to vector<16xf32>
        %get3A_515 = arith.index_cast %add3A_482 : i32 to index
        %get3A_516 = arith.constant 32 : index
        %get3A_517 = tpu.vector_load %arg7[%get3A_515, %get3A_516] {strides = array<i32>} : memref<328x64xf32, #tpu.memory_space<vmem>>, vector<1x16xf32>,
        %get3A_518 = vector.shape_cast %get3A_517 : vector<1x16xf32> to vector<16xf32>
        %add3A_519 = arith.addf %get3A_514, %get3A_518 : vector<16xf32>
        %swap3A_520 = arith.index_cast %scan3A_481 : i32 to index
        %swap3A_521 = arith.constant 32 : index
        %swap3A_522 = tpu.vector_load %arg10[%swap3A_520, %swap3A_521] {strides = array<i32>} : memref<128x64xf32, #tpu.memory_space<vmem>>, vector<1x16xf32>,
        %swap3A_523 = vector.shape_cast %swap3A_522 : vector<1x16xf32> to vector<16xf32>
        %swap3A_524 = vector.shape_cast %add3A_519 : vector<16xf32> to vector<1x16xf32>
        tpu.vector_store %arg10[%swap3A_520, %swap3A_521], %swap3A_524 {strides = array<i32>} : memref<128x64xf32, #tpu.memory_space<vmem>>, vector<1x16xf32>,
        %get3A_525 = arith.index_cast %scan3A_481 : i32 to index
        %get3A_526 = arith.constant 48 : index
        %get3A_527 = tpu.vector_load %arg10[%get3A_525, %get3A_526] {strides = array<i32>} : memref<128x64xf32, #tpu.memory_space<vmem>>, vector<1x16xf32>,
        %get3A_528 = vector.shape_cast %get3A_527 : vector<1x16xf32> to vector<16xf32>
        %get3A_529 = arith.index_cast %add3A_482 : i32 to index
        %get3A_530 = arith.constant 48 : index
        %get3A_531 = tpu.vector_load %arg7[%get3A_529, %get3A_530] {strides = array<i32>} : memref<328x64xf32, #tpu.memory_space<vmem>>, vector<1x16xf32>,
        %get3A_532 = vector.shape_cast %get3A_531 : vector<1x16xf32> to vector<16xf32>
        %add3A_533 = arith.addf %get3A_528, %get3A_532 : vector<16xf32>
        %swap3A_534 = arith.index_cast %scan3A_481 : i32 to index
        %swap3A_535 = arith.constant 48 : index
        %swap3A_536 = tpu.vector_load %arg10[%swap3A_534, %swap3A_535] {strides = array<i32>} : memref<128x64xf32, #tpu.memory_space<vmem>>, vector<1x16xf32>,
        %swap3A_537 = vector.shape_cast %swap3A_536 : vector<1x16xf32> to vector<16xf32>
        %swap3A_538 = vector.shape_cast %add3A_533 : vector<16xf32> to vector<1x16xf32>
        tpu.vector_store %arg10[%swap3A_534, %swap3A_535], %swap3A_538 {strides = array<i32>} : memref<128x64xf32, #tpu.memory_space<vmem>>, vector<1x16xf32>,
      }
      %scan3A_378 = arith.constant 128 : i32
      %mul3A_379 = arith.constant 128 : i32
      %mul3A_380 = arith.muli %add3A_349, %mul3A_379 : i32
      %add3A_381 = arith.addi %mul3A_2, %mul3A_380 : i32
      %dma_start3A_382 = arith.constant 0 : i32
      %dma_start3A_383 = tpu.memref_slice %arg5[%add3A_381, %dma_start3A_382] : memref<819200x64xf32, #tpu.memory_space<hbm>> -> memref<128x64xf32, #tpu.memory_space<hbm>>
      %dma_start3A_384 = arith.constant 0 : i32
      %dma_start3A_385 = tpu.memref_slice %arg5[%add3A_381, %dma_start3A_384] : memref<819200x64xf32, #tpu.memory_space<hbm>> -> memref<128x64xf32, #tpu.memory_space<hbm>>
      tpu.enqueue_dma source(%arg10 : memref<128x64xf32, #tpu.memory_space<vmem>>) target(%dma_start3A_385 : memref<128x64xf32, #tpu.memory_space<hbm>>) target_semaphore(%arg18 : memref<!tpu.dma_semaphore, #tpu.memory_space<semaphore_mem>>)
      %add3A_386 = arith.constant 3 : i32
      %add3A_387 = arith.addi %mul3A_271, %add3A_386 : i32
      %add3A_388 = arith.constant 2 : i32
      %add3A_389 = arith.addi %add3A_387, %add3A_388 : i32
      %dma_wait3A_390 = arith.constant 0 : i32
      %dma_wait3A_391 = tpu.memref_slice %arg5[%mul3A_2, %dma_wait3A_390] : memref<819200x64xf32, #tpu.memory_space<hbm>> -> memref<128x64xf32, #tpu.memory_space<hbm>>
      %dma_wait3A_392 = arith.constant 0 : i32
      %dma_wait3A_393 = tpu.memref_slice %arg5[%mul3A_2, %dma_wait3A_392] : memref<819200x64xf32, #tpu.memory_space<hbm>> -> memref<128x64xf32, #tpu.memory_space<hbm>>
      tpu.wait_dma2 semaphore(%arg17 : memref<!tpu.dma_semaphore, #tpu.memory_space<semaphore_mem>>) src(%arg9 : memref<128x64xf32, #tpu.memory_space<vmem>>) dst(%dma_wait3A_393 : memref<128x64xf32, #tpu.memory_space<hbm>>)
      %dma_start3A_394 = arith.constant 0 : i32
      %dma_start3A_395 = tpu.memref_slice %arg6[%add3A_389, %dma_start3A_394] : memref<200x128xi32, #tpu.memory_space<vmem>> -> memref<1x128xi32, #tpu.memory_space<vmem>>
      %dma_start3A_396 = tpu.memref_squeeze %dma_start3A_395 : memref<1x128xi32, #tpu.memory_space<vmem>> -> memref<128xi32, #tpu.memory_space<vmem>>
      %dma_start3A_397 = arith.constant 0 : i32
      %dma_start3A_398 = arith.constant 0 : i32
      %dma_start3A_399 = tpu.memref_slice %arg3[%dma_start3A_397, %dma_start3A_398] : memref<100000x64xf32, #tpu.memory_space<hbm>> -> memref<100000x64xf32, #tpu.memory_space<hbm>>
      tpu.enqueue_indirect_dma source(%dma_start3A_399 : memref<100000x64xf32, #tpu.memory_space<hbm>>) target(%arg9 : memref<128x64xf32, #tpu.memory_space<vmem>>) offsets(%dma_start3A_396 : memref<128xi32, #tpu.memory_space<vmem>>) semaphore(%arg13 : memref<!tpu.dma_semaphore, #tpu.memory_space<semaphore_mem>>)
      %dma_wait3A_400 = arith.constant 0 : i32
      %dma_wait3A_401 = arith.constant 0 : i32
      %dma_wait3A_402 = tpu.memref_slice %arg6[%dma_wait3A_400, %dma_wait3A_401] : memref<200x128xi32, #tpu.memory_space<vmem>> -> memref<1x128xi32, #tpu.memory_space<vmem>>
      %dma_wait3A_403 = tpu.memref_squeeze %dma_wait3A_402 : memref<1x128xi32, #tpu.memory_space<vmem>> -> memref<128xi32, #tpu.memory_space<vmem>>
      %dma_wait3A_404 = arith.constant 0 : i32
      %dma_wait3A_405 = arith.constant 0 : i32
      %dma_wait3A_406 = tpu.memref_slice %arg3[%dma_wait3A_404, %dma_wait3A_405] : memref<100000x64xf32, #tpu.memory_space<hbm>> -> memref<100000x64xf32, #tpu.memory_space<hbm>>
      tpu.wait_indirect_dma semaphore(%arg15 : memref<!tpu.dma_semaphore, #tpu.memory_space<semaphore_mem>>) src(%dma_wait3A_406 : memref<100000x64xf32, #tpu.memory_space<hbm>>) dst(%arg11 : memref<128x64xf32, #tpu.memory_space<vmem>>)
      %mul3A_407 = arith.constant 128 : i32
      %mul3A_408 = arith.muli %add3A_387, %mul3A_407 : i32
      %rem3A_409 = arith.constant 200 : i32
      %rem3A_410 = arith.remsi %mul3A_408, %rem3A_409 : i32
      %scan3A_411 = arith.constant 0 : i32
      %scan3A_412 = arith.constant 0 : i32
      %scan3A_413 = arith.constant 128 : i32
      %scan3A_414 = arith.addi %scan3A_412, %scan3A_413 : i32
      %scan3A_415 = arith.constant 2 : i32
      scf.for %scan3A_424 = %scan3A_412 to %scan3A_414 step %scan3A_415  : i32 {
        %add3A_425 = arith.addi %rem3A_410, %scan3A_424 : i32
        %get3A = arith.index_cast %scan3A_424 : i32 to index
        %get3A_426 = arith.constant 0 : index
        %get3A_427 = tpu.vector_load %arg11[%get3A, %get3A_426] {strides = array<i32>} : memref<128x64xf32, #tpu.memory_space<vmem>>, vector<1x16xf32>,
        %get3A_428 = vector.shape_cast %get3A_427 : vector<1x16xf32> to vector<16xf32>
        %get3A_429 = arith.index_cast %add3A_425 : i32 to index
        %get3A_430 = arith.constant 0 : index
        %get3A_431 = tpu.vector_load %arg7[%get3A_429, %get3A_430] {strides = array<i32>} : memref<328x64xf32, #tpu.memory_space<vmem>>, vector<1x16xf32>,
        %get3A_432 = vector.shape_cast %get3A_431 : vector<1x16xf32> to vector<16xf32>
        %add3A_433 = arith.addf %get3A_428, %get3A_432 : vector<16xf32>
        %swap3A = arith.index_cast %scan3A_424 : i32 to index
        %swap3A_434 = arith.constant 0 : index
        %swap3A_435 = tpu.vector_load %arg11[%swap3A, %swap3A_434] {strides = array<i32>} : memref<128x64xf32, #tpu.memory_space<vmem>>, vector<1x16xf32>,
        %swap3A_436 = vector.shape_cast %swap3A_435 : vector<1x16xf32> to vector<16xf32>
        %swap3A_437 = vector.shape_cast %add3A_433 : vector<16xf32> to vector<1x16xf32>
        tpu.vector_store %arg11[%swap3A, %swap3A_434], %swap3A_437 {strides = array<i32>} : memref<128x64xf32, #tpu.memory_space<vmem>>, vector<1x16xf32>,
        %get3A_438 = arith.index_cast %scan3A_424 : i32 to index
        %get3A_439 = arith.constant 16 : index
        %get3A_440 = tpu.vector_load %arg11[%get3A_438, %get3A_439] {strides = array<i32>} : memref<128x64xf32, #tpu.memory_space<vmem>>, vector<1x16xf32>,
        %get3A_441 = vector.shape_cast %get3A_440 : vector<1x16xf32> to vector<16xf32>
        %get3A_442 = arith.index_cast %add3A_425 : i32 to index
        %get3A_443 = arith.constant 16 : index
        %get3A_444 = tpu.vector_load %arg7[%get3A_442, %get3A_443] {strides = array<i32>} : memref<328x64xf32, #tpu.memory_space<vmem>>, vector<1x16xf32>,
        %get3A_445 = vector.shape_cast %get3A_444 : vector<1x16xf32> to vector<16xf32>
        %add3A_446 = arith.addf %get3A_441, %get3A_445 : vector<16xf32>
        %swap3A_447 = arith.index_cast %scan3A_424 : i32 to index
        %swap3A_448 = arith.constant 16 : index
        %swap3A_449 = tpu.vector_load %arg11[%swap3A_447, %swap3A_448] {strides = array<i32>} : memref<128x64xf32, #tpu.memory_space<vmem>>, vector<1x16xf32>,
        %swap3A_450 = vector.shape_cast %swap3A_449 : vector<1x16xf32> to vector<16xf32>
        %swap3A_451 = vector.shape_cast %add3A_446 : vector<16xf32> to vector<1x16xf32>
        tpu.vector_store %arg11[%swap3A_447, %swap3A_448], %swap3A_451 {strides = array<i32>} : memref<128x64xf32, #tpu.memory_space<vmem>>, vector<1x16xf32>,
        %get3A_452 = arith.index_cast %scan3A_424 : i32 to index
        %get3A_453 = arith.constant 32 : index
        %get3A_454 = tpu.vector_load %arg11[%get3A_452, %get3A_453] {strides = array<i32>} : memref<128x64xf32, #tpu.memory_space<vmem>>, vector<1x16xf32>,
        %get3A_455 = vector.shape_cast %get3A_454 : vector<1x16xf32> to vector<16xf32>
        %get3A_456 = arith.index_cast %add3A_425 : i32 to index
        %get3A_457 = arith.constant 32 : index
        %get3A_458 = tpu.vector_load %arg7[%get3A_456, %get3A_457] {strides = array<i32>} : memref<328x64xf32, #tpu.memory_space<vmem>>, vector<1x16xf32>,
        %get3A_459 = vector.shape_cast %get3A_458 : vector<1x16xf32> to vector<16xf32>
        %add3A_460 = arith.addf %get3A_455, %get3A_459 : vector<16xf32>
        %swap3A_461 = arith.index_cast %scan3A_424 : i32 to index
        %swap3A_462 = arith.constant 32 : index
        %swap3A_463 = tpu.vector_load %arg11[%swap3A_461, %swap3A_462] {strides = array<i32>} : memref<128x64xf32, #tpu.memory_space<vmem>>, vector<1x16xf32>,
        %swap3A_464 = vector.shape_cast %swap3A_463 : vector<1x16xf32> to vector<16xf32>
        %swap3A_465 = vector.shape_cast %add3A_460 : vector<16xf32> to vector<1x16xf32>
        tpu.vector_store %arg11[%swap3A_461, %swap3A_462], %swap3A_465 {strides = array<i32>} : memref<128x64xf32, #tpu.memory_space<vmem>>, vector<1x16xf32>,
        %get3A_466 = arith.index_cast %scan3A_424 : i32 to index
        %get3A_467 = arith.constant 48 : index
        %get3A_468 = tpu.vector_load %arg11[%get3A_466, %get3A_467] {strides = array<i32>} : memref<128x64xf32, #tpu.memory_space<vmem>>, vector<1x16xf32>,
        %get3A_469 = vector.shape_cast %get3A_468 : vector<1x16xf32> to vector<16xf32>
        %get3A_470 = arith.index_cast %add3A_425 : i32 to index
        %get3A_471 = arith.constant 48 : index
        %get3A_472 = tpu.vector_load %arg7[%get3A_470, %get3A_471] {strides = array<i32>} : memref<328x64xf32, #tpu.memory_space<vmem>>, vector<1x16xf32>,
        %get3A_473 = vector.shape_cast %get3A_472 : vector<1x16xf32> to vector<16xf32>
        %add3A_474 = arith.addf %get3A_469, %get3A_473 : vector<16xf32>
        %swap3A_475 = arith.index_cast %scan3A_424 : i32 to index
        %swap3A_476 = arith.constant 48 : index
        %swap3A_477 = tpu.vector_load %arg11[%swap3A_475, %swap3A_476] {strides = array<i32>} : memref<128x64xf32, #tpu.memory_space<vmem>>, vector<1x16xf32>,
        %swap3A_478 = vector.shape_cast %swap3A_477 : vector<1x16xf32> to vector<16xf32>
        %swap3A_479 = vector.shape_cast %add3A_474 : vector<16xf32> to vector<1x16xf32>
        tpu.vector_store %arg11[%swap3A_475, %swap3A_476], %swap3A_479 {strides = array<i32>} : memref<128x64xf32, #tpu.memory_space<vmem>>, vector<1x16xf32>,
        %scan3A_480 = arith.constant 1 : i32
        %scan3A_481 = arith.addi %scan3A_424, %scan3A_480 : i32
        %add3A_482 = arith.addi %rem3A_410, %scan3A_481 : i32
        %get3A_483 = arith.index_cast %scan3A_481 : i32 to index
        %get3A_484 = arith.constant 0 : index
        %get3A_485 = tpu.vector_load %arg11[%get3A_483, %get3A_484] {strides = array<i32>} : memref<128x64xf32, #tpu.memory_space<vmem>>, vector<1x16xf32>,
        %get3A_486 = vector.shape_cast %get3A_485 : vector<1x16xf32> to vector<16xf32>
        %get3A_487 = arith.index_cast %add3A_482 : i32 to index
        %get3A_488 = arith.constant 0 : index
        %get3A_489 = tpu.vector_load %arg7[%get3A_487, %get3A_488] {strides = array<i32>} : memref<328x64xf32, #tpu.memory_space<vmem>>, vector<1x16xf32>,
        %get3A_490 = vector.shape_cast %get3A_489 : vector<1x16xf32> to vector<16xf32>
        %add3A_491 = arith.addf %get3A_486, %get3A_490 : vector<16xf32>
        %swap3A_492 = arith.index_cast %scan3A_481 : i32 to index
        %swap3A_493 = arith.constant 0 : index
        %swap3A_494 = tpu.vector_load %arg11[%swap3A_492, %swap3A_493] {strides = array<i32>} : memref<128x64xf32, #tpu.memory_space<vmem>>, vector<1x16xf32>,
        %swap3A_495 = vector.shape_cast %swap3A_494 : vector<1x16xf32> to vector<16xf32>
        %swap3A_496 = vector.shape_cast %add3A_491 : vector<16xf32> to vector<1x16xf32>
        tpu.vector_store %arg11[%swap3A_492, %swap3A_493], %swap3A_496 {strides = array<i32>} : memref<128x64xf32, #tpu.memory_space<vmem>>, vector<1x16xf32>,
        %get3A_497 = arith.index_cast %scan3A_481 : i32 to index
        %get3A_498 = arith.constant 16 : index
        %get3A_499 = tpu.vector_load %arg11[%get3A_497, %get3A_498] {strides = array<i32>} : memref<128x64xf32, #tpu.memory_space<vmem>>, vector<1x16xf32>,
        %get3A_500 = vector.shape_cast %get3A_499 : vector<1x16xf32> to vector<16xf32>
        %get3A_501 = arith.index_cast %add3A_482 : i32 to index
        %get3A_502 = arith.constant 16 : index
        %get3A_503 = tpu.vector_load %arg7[%get3A_501, %get3A_502] {strides = array<i32>} : memref<328x64xf32, #tpu.memory_space<vmem>>, vector<1x16xf32>,
        %get3A_504 = vector.shape_cast %get3A_503 : vector<1x16xf32> to vector<16xf32>
        %add3A_505 = arith.addf %get3A_500, %get3A_504 : vector<16xf32>
        %swap3A_506 = arith.index_cast %scan3A_481 : i32 to index
        %swap3A_507 = arith.constant 16 : index
        %swap3A_508 = tpu.vector_load %arg11[%swap3A_506, %swap3A_507] {strides = array<i32>} : memref<128x64xf32, #tpu.memory_space<vmem>>, vector<1x16xf32>,
        %swap3A_509 = vector.shape_cast %swap3A_508 : vector<1x16xf32> to vector<16xf32>
        %swap3A_510 = vector.shape_cast %add3A_505 : vector<16xf32> to vector<1x16xf32>
        tpu.vector_store %arg11[%swap3A_506, %swap3A_507], %swap3A_510 {strides = array<i32>} : memref<128x64xf32, #tpu.memory_space<vmem>>, vector<1x16xf32>,
        %get3A_511 = arith.index_cast %scan3A_481 : i32 to index
        %get3A_512 = arith.constant 32 : index
        %get3A_513 = tpu.vector_load %arg11[%get3A_511, %get3A_512] {strides = array<i32>} : memref<128x64xf32, #tpu.memory_space<vmem>>, vector<1x16xf32>,
        %get3A_514 = vector.shape_cast %get3A_513 : vector<1x16xf32> to vector<16xf32>
        %get3A_515 = arith.index_cast %add3A_482 : i32 to index
        %get3A_516 = arith.constant 32 : index
        %get3A_517 = tpu.vector_load %arg7[%get3A_515, %get3A_516] {strides = array<i32>} : memref<328x64xf32, #tpu.memory_space<vmem>>, vector<1x16xf32>,
        %get3A_518 = vector.shape_cast %get3A_517 : vector<1x16xf32> to vector<16xf32>
        %add3A_519 = arith.addf %get3A_514, %get3A_518 : vector<16xf32>
        %swap3A_520 = arith.index_cast %scan3A_481 : i32 to index
        %swap3A_521 = arith.constant 32 : index
        %swap3A_522 = tpu.vector_load %arg11[%swap3A_520, %swap3A_521] {strides = array<i32>} : memref<128x64xf32, #tpu.memory_space<vmem>>, vector<1x16xf32>,
        %swap3A_523 = vector.shape_cast %swap3A_522 : vector<1x16xf32> to vector<16xf32>
        %swap3A_524 = vector.shape_cast %add3A_519 : vector<16xf32> to vector<1x16xf32>
        tpu.vector_store %arg11[%swap3A_520, %swap3A_521], %swap3A_524 {strides = array<i32>} : memref<128x64xf32, #tpu.memory_space<vmem>>, vector<1x16xf32>,
        %get3A_525 = arith.index_cast %scan3A_481 : i32 to index
        %get3A_526 = arith.constant 48 : index
        %get3A_527 = tpu.vector_load %arg11[%get3A_525, %get3A_526] {strides = array<i32>} : memref<128x64xf32, #tpu.memory_space<vmem>>, vector<1x16xf32>,
        %get3A_528 = vector.shape_cast %get3A_527 : vector<1x16xf32> to vector<16xf32>
        %get3A_529 = arith.index_cast %add3A_482 : i32 to index
        %get3A_530 = arith.constant 48 : index
        %get3A_531 = tpu.vector_load %arg7[%get3A_529, %get3A_530] {strides = array<i32>} : memref<328x64xf32, #tpu.memory_space<vmem>>, vector<1x16xf32>,
        %get3A_532 = vector.shape_cast %get3A_531 : vector<1x16xf32> to vector<16xf32>
        %add3A_533 = arith.addf %get3A_528, %get3A_532 : vector<16xf32>
        %swap3A_534 = arith.index_cast %scan3A_481 : i32 to index
        %swap3A_535 = arith.constant 48 : index
        %swap3A_536 = tpu.vector_load %arg11[%swap3A_534, %swap3A_535] {strides = array<i32>} : memref<128x64xf32, #tpu.memory_space<vmem>>, vector<1x16xf32>,
        %swap3A_537 = vector.shape_cast %swap3A_536 : vector<1x16xf32> to vector<16xf32>
        %swap3A_538 = vector.shape_cast %add3A_533 : vector<16xf32> to vector<1x16xf32>
        tpu.vector_store %arg11[%swap3A_534, %swap3A_535], %swap3A_538 {strides = array<i32>} : memref<128x64xf32, #tpu.memory_space<vmem>>, vector<1x16xf32>,
      }
      %scan3A_416 = arith.constant 128 : i32
      %mul3A_417 = arith.constant 128 : i32
      %mul3A_418 = arith.muli %add3A_387, %mul3A_417 : i32
      %add3A_419 = arith.addi %mul3A_2, %mul3A_418 : i32
      %dma_start3A_420 = arith.constant 0 : i32
      %dma_start3A_421 = tpu.memref_slice %arg5[%add3A_419, %dma_start3A_420] : memref<819200x64xf32, #tpu.memory_space<hbm>> -> memref<128x64xf32, #tpu.memory_space<hbm>>
      %dma_start3A_422 = arith.constant 0 : i32
      %dma_start3A_423 = tpu.memref_slice %arg5[%add3A_419, %dma_start3A_422] : memref<819200x64xf32, #tpu.memory_space<hbm>> -> memref<128x64xf32, #tpu.memory_space<hbm>>
      tpu.enqueue_dma source(%arg11 : memref<128x64xf32, #tpu.memory_space<vmem>>) target(%dma_start3A_423 : memref<128x64xf32, #tpu.memory_space<hbm>>) target_semaphore(%arg19 : memref<!tpu.dma_semaphore, #tpu.memory_space<semaphore_mem>>)
    }
    %scan3A_142 = arith.constant 48 : i32
    %dma_wait3A_143 = arith.constant 0 : i32
    %dma_wait3A_144 = tpu.memref_slice %arg5[%mul3A_2, %dma_wait3A_143] : memref<819200x64xf32, #tpu.memory_space<hbm>> -> memref<128x64xf32, #tpu.memory_space<hbm>>
    %dma_wait3A_145 = arith.constant 0 : i32
    %dma_wait3A_146 = tpu.memref_slice %arg5[%mul3A_2, %dma_wait3A_145] : memref<819200x64xf32, #tpu.memory_space<hbm>> -> memref<128x64xf32, #tpu.memory_space<hbm>>
    tpu.wait_dma2 semaphore(%arg18 : memref<!tpu.dma_semaphore, #tpu.memory_space<semaphore_mem>>) src(%arg10 : memref<128x64xf32, #tpu.memory_space<vmem>>) dst(%dma_wait3A_146 : memref<128x64xf32, #tpu.memory_space<hbm>>)
    %dma_start3A_147 = arith.constant 198 : i32
    %dma_start3A_148 = arith.constant 0 : i32
    %dma_start3A_149 = tpu.memref_slice %arg6[%dma_start3A_147, %dma_start3A_148] : memref<200x128xi32, #tpu.memory_space<vmem>> -> memref<1x128xi32, #tpu.memory_space<vmem>>
    %dma_start3A_150 = tpu.memref_squeeze %dma_start3A_149 : memref<1x128xi32, #tpu.memory_space<vmem>> -> memref<128xi32, #tpu.memory_space<vmem>>
    %dma_start3A_151 = arith.constant 0 : i32
    %dma_start3A_152 = arith.constant 0 : i32
    %dma_start3A_153 = tpu.memref_slice %arg3[%dma_start3A_151, %dma_start3A_152] : memref<100000x64xf32, #tpu.memory_space<hbm>> -> memref<100000x64xf32, #tpu.memory_space<hbm>>
    tpu.enqueue_indirect_dma source(%dma_start3A_153 : memref<100000x64xf32, #tpu.memory_space<hbm>>) target(%arg10 : memref<128x64xf32, #tpu.memory_space<vmem>>) offsets(%dma_start3A_150 : memref<128xi32, #tpu.memory_space<vmem>>) semaphore(%arg14 : memref<!tpu.dma_semaphore, #tpu.memory_space<semaphore_mem>>)
    %dma_wait3A_154 = arith.constant 0 : i32
    %dma_wait3A_155 = arith.constant 0 : i32
    %dma_wait3A_156 = tpu.memref_slice %arg6[%dma_wait3A_154, %dma_wait3A_155] : memref<200x128xi32, #tpu.memory_space<vmem>> -> memref<1x128xi32, #tpu.memory_space<vmem>>
    %dma_wait3A_157 = tpu.memref_squeeze %dma_wait3A_156 : memref<1x128xi32, #tpu.memory_space<vmem>> -> memref<128xi32, #tpu.memory_space<vmem>>
    %dma_wait3A_158 = arith.constant 0 : i32
    %dma_wait3A_159 = arith.constant 0 : i32
    %dma_wait3A_160 = tpu.memref_slice %arg3[%dma_wait3A_158, %dma_wait3A_159] : memref<100000x64xf32, #tpu.memory_space<hbm>> -> memref<100000x64xf32, #tpu.memory_space<hbm>>
    tpu.wait_indirect_dma semaphore(%arg12 : memref<!tpu.dma_semaphore, #tpu.memory_space<semaphore_mem>>) src(%dma_wait3A_160 : memref<100000x64xf32, #tpu.memory_space<hbm>>) dst(%arg8 : memref<128x64xf32, #tpu.memory_space<vmem>>)
    %rem3A_161 = arith.constant 25088 : i32
    %rem3A_162 = arith.constant 200 : i32
    %rem3A_163 = arith.remsi %rem3A_161, %rem3A_162 : i32
    %scan3A_164 = arith.constant 0 : i32
    %scan3A_165 = arith.constant 0 : i32
    %scan3A_166 = arith.constant 128 : i32
    %scan3A_167 = arith.addi %scan3A_165, %scan3A_166 : i32
    %scan3A_168 = arith.constant 2 : i32
    scf.for %scan3A_269 = %scan3A_165 to %scan3A_167 step %scan3A_168  : i32 {
      %add3A_270 = arith.addi %rem3A_163, %scan3A_269 : i32
      %get3A = arith.index_cast %scan3A_269 : i32 to index
      %get3A_271 = arith.constant 0 : index
      %get3A_272 = tpu.vector_load %arg8[%get3A, %get3A_271] {strides = array<i32>} : memref<128x64xf32, #tpu.memory_space<vmem>>, vector<1x16xf32>,
      %get3A_273 = vector.shape_cast %get3A_272 : vector<1x16xf32> to vector<16xf32>
      %get3A_274 = arith.index_cast %add3A_270 : i32 to index
      %get3A_275 = arith.constant 0 : index
      %get3A_276 = tpu.vector_load %arg7[%get3A_274, %get3A_275] {strides = array<i32>} : memref<328x64xf32, #tpu.memory_space<vmem>>, vector<1x16xf32>,
      %get3A_277 = vector.shape_cast %get3A_276 : vector<1x16xf32> to vector<16xf32>
      %add3A_278 = arith.addf %get3A_273, %get3A_277 : vector<16xf32>
      %swap3A = arith.index_cast %scan3A_269 : i32 to index
      %swap3A_279 = arith.constant 0 : index
      %swap3A_280 = tpu.vector_load %arg8[%swap3A, %swap3A_279] {strides = array<i32>} : memref<128x64xf32, #tpu.memory_space<vmem>>, vector<1x16xf32>,
      %swap3A_281 = vector.shape_cast %swap3A_280 : vector<1x16xf32> to vector<16xf32>
      %swap3A_282 = vector.shape_cast %add3A_278 : vector<16xf32> to vector<1x16xf32>
      tpu.vector_store %arg8[%swap3A, %swap3A_279], %swap3A_282 {strides = array<i32>} : memref<128x64xf32, #tpu.memory_space<vmem>>, vector<1x16xf32>,
      %get3A_283 = arith.index_cast %scan3A_269 : i32 to index
      %get3A_284 = arith.constant 16 : index
      %get3A_285 = tpu.vector_load %arg8[%get3A_283, %get3A_284] {strides = array<i32>} : memref<128x64xf32, #tpu.memory_space<vmem>>, vector<1x16xf32>,
      %get3A_286 = vector.shape_cast %get3A_285 : vector<1x16xf32> to vector<16xf32>
      %get3A_287 = arith.index_cast %add3A_270 : i32 to index
      %get3A_288 = arith.constant 16 : index
      %get3A_289 = tpu.vector_load %arg7[%get3A_287, %get3A_288] {strides = array<i32>} : memref<328x64xf32, #tpu.memory_space<vmem>>, vector<1x16xf32>,
      %get3A_290 = vector.shape_cast %get3A_289 : vector<1x16xf32> to vector<16xf32>
      %add3A_291 = arith.addf %get3A_286, %get3A_290 : vector<16xf32>
      %swap3A_292 = arith.index_cast %scan3A_269 : i32 to index
      %swap3A_293 = arith.constant 16 : index
      %swap3A_294 = tpu.vector_load %arg8[%swap3A_292, %swap3A_293] {strides = array<i32>} : memref<128x64xf32, #tpu.memory_space<vmem>>, vector<1x16xf32>,
      %swap3A_295 = vector.shape_cast %swap3A_294 : vector<1x16xf32> to vector<16xf32>
      %swap3A_296 = vector.shape_cast %add3A_291 : vector<16xf32> to vector<1x16xf32>
      tpu.vector_store %arg8[%swap3A_292, %swap3A_293], %swap3A_296 {strides = array<i32>} : memref<128x64xf32, #tpu.memory_space<vmem>>, vector<1x16xf32>,
      %get3A_297 = arith.index_cast %scan3A_269 : i32 to index
      %get3A_298 = arith.constant 32 : index
      %get3A_299 = tpu.vector_load %arg8[%get3A_297, %get3A_298] {strides = array<i32>} : memref<128x64xf32, #tpu.memory_space<vmem>>, vector<1x16xf32>,
      %get3A_300 = vector.shape_cast %get3A_299 : vector<1x16xf32> to vector<16xf32>
      %get3A_301 = arith.index_cast %add3A_270 : i32 to index
      %get3A_302 = arith.constant 32 : index
      %get3A_303 = tpu.vector_load %arg7[%get3A_301, %get3A_302] {strides = array<i32>} : memref<328x64xf32, #tpu.memory_space<vmem>>, vector<1x16xf32>,
      %get3A_304 = vector.shape_cast %get3A_303 : vector<1x16xf32> to vector<16xf32>
      %add3A_305 = arith.addf %get3A_300, %get3A_304 : vector<16xf32>
      %swap3A_306 = arith.index_cast %scan3A_269 : i32 to index
      %swap3A_307 = arith.constant 32 : index
      %swap3A_308 = tpu.vector_load %arg8[%swap3A_306, %swap3A_307] {strides = array<i32>} : memref<128x64xf32, #tpu.memory_space<vmem>>, vector<1x16xf32>,
      %swap3A_309 = vector.shape_cast %swap3A_308 : vector<1x16xf32> to vector<16xf32>
      %swap3A_310 = vector.shape_cast %add3A_305 : vector<16xf32> to vector<1x16xf32>
      tpu.vector_store %arg8[%swap3A_306, %swap3A_307], %swap3A_310 {strides = array<i32>} : memref<128x64xf32, #tpu.memory_space<vmem>>, vector<1x16xf32>,
      %get3A_311 = arith.index_cast %scan3A_269 : i32 to index
      %get3A_312 = arith.constant 48 : index
      %get3A_313 = tpu.vector_load %arg8[%get3A_311, %get3A_312] {strides = array<i32>} : memref<128x64xf32, #tpu.memory_space<vmem>>, vector<1x16xf32>,
      %get3A_314 = vector.shape_cast %get3A_313 : vector<1x16xf32> to vector<16xf32>
      %get3A_315 = arith.index_cast %add3A_270 : i32 to index
      %get3A_316 = arith.constant 48 : index
      %get3A_317 = tpu.vector_load %arg7[%get3A_315, %get3A_316] {strides = array<i32>} : memref<328x64xf32, #tpu.memory_space<vmem>>, vector<1x16xf32>,
      %get3A_318 = vector.shape_cast %get3A_317 : vector<1x16xf32> to vector<16xf32>
      %add3A_319 = arith.addf %get3A_314, %get3A_318 : vector<16xf32>
      %swap3A_320 = arith.index_cast %scan3A_269 : i32 to index
      %swap3A_321 = arith.constant 48 : index
      %swap3A_322 = tpu.vector_load %arg8[%swap3A_320, %swap3A_321] {strides = array<i32>} : memref<128x64xf32, #tpu.memory_space<vmem>>, vector<1x16xf32>,
      %swap3A_323 = vector.shape_cast %swap3A_322 : vector<1x16xf32> to vector<16xf32>
      %swap3A_324 = vector.shape_cast %add3A_319 : vector<16xf32> to vector<1x16xf32>
      tpu.vector_store %arg8[%swap3A_320, %swap3A_321], %swap3A_324 {strides = array<i32>} : memref<128x64xf32, #tpu.memory_space<vmem>>, vector<1x16xf32>,
      %scan3A_325 = arith.constant 1 : i32
      %scan3A_326 = arith.addi %scan3A_269, %scan3A_325 : i32
      %add3A_327 = arith.addi %rem3A_163, %scan3A_326 : i32
      %get3A_328 = arith.index_cast %scan3A_326 : i32 to index
      %get3A_329 = arith.constant 0 : index
      %get3A_330 = tpu.vector_load %arg8[%get3A_328, %get3A_329] {strides = array<i32>} : memref<128x64xf32, #tpu.memory_space<vmem>>, vector<1x16xf32>,
      %get3A_331 = vector.shape_cast %get3A_330 : vector<1x16xf32> to vector<16xf32>
      %get3A_332 = arith.index_cast %add3A_327 : i32 to index
      %get3A_333 = arith.constant 0 : index
      %get3A_334 = tpu.vector_load %arg7[%get3A_332, %get3A_333] {strides = array<i32>} : memref<328x64xf32, #tpu.memory_space<vmem>>, vector<1x16xf32>,
      %get3A_335 = vector.shape_cast %get3A_334 : vector<1x16xf32> to vector<16xf32>
      %add3A_336 = arith.addf %get3A_331, %get3A_335 : vector<16xf32>
      %swap3A_337 = arith.index_cast %scan3A_326 : i32 to index
      %swap3A_338 = arith.constant 0 : index
      %swap3A_339 = tpu.vector_load %arg8[%swap3A_337, %swap3A_338] {strides = array<i32>} : memref<128x64xf32, #tpu.memory_space<vmem>>, vector<1x16xf32>,
      %swap3A_340 = vector.shape_cast %swap3A_339 : vector<1x16xf32> to vector<16xf32>
      %swap3A_341 = vector.shape_cast %add3A_336 : vector<16xf32> to vector<1x16xf32>
      tpu.vector_store %arg8[%swap3A_337, %swap3A_338], %swap3A_341 {strides = array<i32>} : memref<128x64xf32, #tpu.memory_space<vmem>>, vector<1x16xf32>,
      %get3A_342 = arith.index_cast %scan3A_326 : i32 to index
      %get3A_343 = arith.constant 16 : index
      %get3A_344 = tpu.vector_load %arg8[%get3A_342, %get3A_343] {strides = array<i32>} : memref<128x64xf32, #tpu.memory_space<vmem>>, vector<1x16xf32>,
      %get3A_345 = vector.shape_cast %get3A_344 : vector<1x16xf32> to vector<16xf32>
      %get3A_346 = arith.index_cast %add3A_327 : i32 to index
      %get3A_347 = arith.constant 16 : index
      %get3A_348 = tpu.vector_load %arg7[%get3A_346, %get3A_347] {strides = array<i32>} : memref<328x64xf32, #tpu.memory_space<vmem>>, vector<1x16xf32>,
      %get3A_349 = vector.shape_cast %get3A_348 : vector<1x16xf32> to vector<16xf32>
      %add3A_350 = arith.addf %get3A_345, %get3A_349 : vector<16xf32>
      %swap3A_351 = arith.index_cast %scan3A_326 : i32 to index
      %swap3A_352 = arith.constant 16 : index
      %swap3A_353 = tpu.vector_load %arg8[%swap3A_351, %swap3A_352] {strides = array<i32>} : memref<128x64xf32, #tpu.memory_space<vmem>>, vector<1x16xf32>,
      %swap3A_354 = vector.shape_cast %swap3A_353 : vector<1x16xf32> to vector<16xf32>
      %swap3A_355 = vector.shape_cast %add3A_350 : vector<16xf32> to vector<1x16xf32>
      tpu.vector_store %arg8[%swap3A_351, %swap3A_352], %swap3A_355 {strides = array<i32>} : memref<128x64xf32, #tpu.memory_space<vmem>>, vector<1x16xf32>,
      %get3A_356 = arith.index_cast %scan3A_326 : i32 to index
      %get3A_357 = arith.constant 32 : index
      %get3A_358 = tpu.vector_load %arg8[%get3A_356, %get3A_357] {strides = array<i32>} : memref<128x64xf32, #tpu.memory_space<vmem>>, vector<1x16xf32>,
      %get3A_359 = vector.shape_cast %get3A_358 : vector<1x16xf32> to vector<16xf32>
      %get3A_360 = arith.index_cast %add3A_327 : i32 to index
      %get3A_361 = arith.constant 32 : index
      %get3A_362 = tpu.vector_load %arg7[%get3A_360, %get3A_361] {strides = array<i32>} : memref<328x64xf32, #tpu.memory_space<vmem>>, vector<1x16xf32>,
      %get3A_363 = vector.shape_cast %get3A_362 : vector<1x16xf32> to vector<16xf32>
      %add3A_364 = arith.addf %get3A_359, %get3A_363 : vector<16xf32>
      %swap3A_365 = arith.index_cast %scan3A_326 : i32 to index
      %swap3A_366 = arith.constant 32 : index
      %swap3A_367 = tpu.vector_load %arg8[%swap3A_365, %swap3A_366] {strides = array<i32>} : memref<128x64xf32, #tpu.memory_space<vmem>>, vector<1x16xf32>,
      %swap3A_368 = vector.shape_cast %swap3A_367 : vector<1x16xf32> to vector<16xf32>
      %swap3A_369 = vector.shape_cast %add3A_364 : vector<16xf32> to vector<1x16xf32>
      tpu.vector_store %arg8[%swap3A_365, %swap3A_366], %swap3A_369 {strides = array<i32>} : memref<128x64xf32, #tpu.memory_space<vmem>>, vector<1x16xf32>,
      %get3A_370 = arith.index_cast %scan3A_326 : i32 to index
      %get3A_371 = arith.constant 48 : index
      %get3A_372 = tpu.vector_load %arg8[%get3A_370, %get3A_371] {strides = array<i32>} : memref<128x64xf32, #tpu.memory_space<vmem>>, vector<1x16xf32>,
      %get3A_373 = vector.shape_cast %get3A_372 : vector<1x16xf32> to vector<16xf32>
      %get3A_374 = arith.index_cast %add3A_327 : i32 to index
      %get3A_375 = arith.constant 48 : index
      %get3A_376 = tpu.vector_load %arg7[%get3A_374, %get3A_375] {strides = array<i32>} : memref<328x64xf32, #tpu.memory_space<vmem>>, vector<1x16xf32>,
      %get3A_377 = vector.shape_cast %get3A_376 : vector<1x16xf32> to vector<16xf32>
      %add3A_378 = arith.addf %get3A_373, %get3A_377 : vector<16xf32>
      %swap3A_379 = arith.index_cast %scan3A_326 : i32 to index
      %swap3A_380 = arith.constant 48 : index
      %swap3A_381 = tpu.vector_load %arg8[%swap3A_379, %swap3A_380] {strides = array<i32>} : memref<128x64xf32, #tpu.memory_space<vmem>>, vector<1x16xf32>,
      %swap3A_382 = vector.shape_cast %swap3A_381 : vector<1x16xf32> to vector<16xf32>
      %swap3A_383 = vector.shape_cast %add3A_378 : vector<16xf32> to vector<1x16xf32>
      tpu.vector_store %arg8[%swap3A_379, %swap3A_380], %swap3A_383 {strides = array<i32>} : memref<128x64xf32, #tpu.memory_space<vmem>>, vector<1x16xf32>,
    }
    %scan3A_169 = arith.constant 128 : i32
    %add3A_170 = arith.constant 25088 : i32
    %add3A_171 = arith.addi %mul3A_2, %add3A_170 : i32
    %dma_start3A_172 = arith.constant 0 : i32
    %dma_start3A_173 = tpu.memref_slice %arg5[%add3A_171, %dma_start3A_172] : memref<819200x64xf32, #tpu.memory_space<hbm>> -> memref<128x64xf32, #tpu.memory_space<hbm>>
    %dma_start3A_174 = arith.constant 0 : i32
    %dma_start3A_175 = tpu.memref_slice %arg5[%add3A_171, %dma_start3A_174] : memref<819200x64xf32, #tpu.memory_space<hbm>> -> memref<128x64xf32, #tpu.memory_space<hbm>>
    tpu.enqueue_dma source(%arg8 : memref<128x64xf32, #tpu.memory_space<vmem>>) target(%dma_start3A_175 : memref<128x64xf32, #tpu.memory_space<hbm>>) target_semaphore(%arg16 : memref<!tpu.dma_semaphore, #tpu.memory_space<semaphore_mem>>)
    %dma_wait3A_176 = arith.constant 0 : i32
    %dma_wait3A_177 = tpu.memref_slice %arg5[%mul3A_2, %dma_wait3A_176] : memref<819200x64xf32, #tpu.memory_space<hbm>> -> memref<128x64xf32, #tpu.memory_space<hbm>>
    %dma_wait3A_178 = arith.constant 0 : i32
    %dma_wait3A_179 = tpu.memref_slice %arg5[%mul3A_2, %dma_wait3A_178] : memref<819200x64xf32, #tpu.memory_space<hbm>> -> memref<128x64xf32, #tpu.memory_space<hbm>>
    tpu.wait_dma2 semaphore(%arg19 : memref<!tpu.dma_semaphore, #tpu.memory_space<semaphore_mem>>) src(%arg11 : memref<128x64xf32, #tpu.memory_space<vmem>>) dst(%dma_wait3A_179 : memref<128x64xf32, #tpu.memory_space<hbm>>)
    %dma_start3A_180 = arith.constant 199 : i32
    %dma_start3A_181 = arith.constant 0 : i32
    %dma_start3A_182 = tpu.memref_slice %arg6[%dma_start3A_180, %dma_start3A_181] : memref<200x128xi32, #tpu.memory_space<vmem>> -> memref<1x128xi32, #tpu.memory_space<vmem>>
    %dma_start3A_183 = tpu.memref_squeeze %dma_start3A_182 : memref<1x128xi32, #tpu.memory_space<vmem>> -> memref<128xi32, #tpu.memory_space<vmem>>
    %dma_start3A_184 = arith.constant 0 : i32
    %dma_start3A_185 = arith.constant 0 : i32
    %dma_start3A_186 = tpu.memref_slice %arg3[%dma_start3A_184, %dma_start3A_185] : memref<100000x64xf32, #tpu.memory_space<hbm>> -> memref<100000x64xf32, #tpu.memory_space<hbm>>
    tpu.enqueue_indirect_dma source(%dma_start3A_186 : memref<100000x64xf32, #tpu.memory_space<hbm>>) target(%arg11 : memref<128x64xf32, #tpu.memory_space<vmem>>) offsets(%dma_start3A_183 : memref<128xi32, #tpu.memory_space<vmem>>) semaphore(%arg15 : memref<!tpu.dma_semaphore, #tpu.memory_space<semaphore_mem>>)
    %dma_wait3A_187 = arith.constant 0 : i32
    %dma_wait3A_188 = arith.constant 0 : i32
    %dma_wait3A_189 = tpu.memref_slice %arg6[%dma_wait3A_187, %dma_wait3A_188] : memref<200x128xi32, #tpu.memory_space<vmem>> -> memref<1x128xi32, #tpu.memory_space<vmem>>
    %dma_wait3A_190 = tpu.memref_squeeze %dma_wait3A_189 : memref<1x128xi32, #tpu.memory_space<vmem>> -> memref<128xi32, #tpu.memory_space<vmem>>
    %dma_wait3A_191 = arith.constant 0 : i32
    %dma_wait3A_192 = arith.constant 0 : i32
    %dma_wait3A_193 = tpu.memref_slice %arg3[%dma_wait3A_191, %dma_wait3A_192] : memref<100000x64xf32, #tpu.memory_space<hbm>> -> memref<100000x64xf32, #tpu.memory_space<hbm>>
    tpu.wait_indirect_dma semaphore(%arg13 : memref<!tpu.dma_semaphore, #tpu.memory_space<semaphore_mem>>) src(%dma_wait3A_193 : memref<100000x64xf32, #tpu.memory_space<hbm>>) dst(%arg9 : memref<128x64xf32, #tpu.memory_space<vmem>>)
    %rem3A_194 = arith.constant 25216 : i32
    %rem3A_195 = arith.constant 200 : i32
    %rem3A_196 = arith.remsi %rem3A_194, %rem3A_195 : i32
    %scan3A_197 = arith.constant 0 : i32
    %scan3A_198 = arith.constant 0 : i32
    %scan3A_199 = arith.constant 128 : i32
    %scan3A_200 = arith.addi %scan3A_198, %scan3A_199 : i32
    %scan3A_201 = arith.constant 2 : i32
    scf.for %scan3A_269 = %scan3A_198 to %scan3A_200 step %scan3A_201  : i32 {
      %add3A_270 = arith.addi %rem3A_196, %scan3A_269 : i32
      %get3A = arith.index_cast %scan3A_269 : i32 to index
      %get3A_271 = arith.constant 0 : index
      %get3A_272 = tpu.vector_load %arg9[%get3A, %get3A_271] {strides = array<i32>} : memref<128x64xf32, #tpu.memory_space<vmem>>, vector<1x16xf32>,
      %get3A_273 = vector.shape_cast %get3A_272 : vector<1x16xf32> to vector<16xf32>
      %get3A_274 = arith.index_cast %add3A_270 : i32 to index
      %get3A_275 = arith.constant 0 : index
      %get3A_276 = tpu.vector_load %arg7[%get3A_274, %get3A_275] {strides = array<i32>} : memref<328x64xf32, #tpu.memory_space<vmem>>, vector<1x16xf32>,
      %get3A_277 = vector.shape_cast %get3A_276 : vector<1x16xf32> to vector<16xf32>
      %add3A_278 = arith.addf %get3A_273, %get3A_277 : vector<16xf32>
      %swap3A = arith.index_cast %scan3A_269 : i32 to index
      %swap3A_279 = arith.constant 0 : index
      %swap3A_280 = tpu.vector_load %arg9[%swap3A, %swap3A_279] {strides = array<i32>} : memref<128x64xf32, #tpu.memory_space<vmem>>, vector<1x16xf32>,
      %swap3A_281 = vector.shape_cast %swap3A_280 : vector<1x16xf32> to vector<16xf32>
      %swap3A_282 = vector.shape_cast %add3A_278 : vector<16xf32> to vector<1x16xf32>
      tpu.vector_store %arg9[%swap3A, %swap3A_279], %swap3A_282 {strides = array<i32>} : memref<128x64xf32, #tpu.memory_space<vmem>>, vector<1x16xf32>,
      %get3A_283 = arith.index_cast %scan3A_269 : i32 to index
      %get3A_284 = arith.constant 16 : index
      %get3A_285 = tpu.vector_load %arg9[%get3A_283, %get3A_284] {strides = array<i32>} : memref<128x64xf32, #tpu.memory_space<vmem>>, vector<1x16xf32>,
      %get3A_286 = vector.shape_cast %get3A_285 : vector<1x16xf32> to vector<16xf32>
      %get3A_287 = arith.index_cast %add3A_270 : i32 to index
      %get3A_288 = arith.constant 16 : index
      %get3A_289 = tpu.vector_load %arg7[%get3A_287, %get3A_288] {strides = array<i32>} : memref<328x64xf32, #tpu.memory_space<vmem>>, vector<1x16xf32>,
      %get3A_290 = vector.shape_cast %get3A_289 : vector<1x16xf32> to vector<16xf32>
      %add3A_291 = arith.addf %get3A_286, %get3A_290 : vector<16xf32>
      %swap3A_292 = arith.index_cast %scan3A_269 : i32 to index
      %swap3A_293 = arith.constant 16 : index
      %swap3A_294 = tpu.vector_load %arg9[%swap3A_292, %swap3A_293] {strides = array<i32>} : memref<128x64xf32, #tpu.memory_space<vmem>>, vector<1x16xf32>,
      %swap3A_295 = vector.shape_cast %swap3A_294 : vector<1x16xf32> to vector<16xf32>
      %swap3A_296 = vector.shape_cast %add3A_291 : vector<16xf32> to vector<1x16xf32>
      tpu.vector_store %arg9[%swap3A_292, %swap3A_293], %swap3A_296 {strides = array<i32>} : memref<128x64xf32, #tpu.memory_space<vmem>>, vector<1x16xf32>,
      %get3A_297 = arith.index_cast %scan3A_269 : i32 to index
      %get3A_298 = arith.constant 32 : index
      %get3A_299 = tpu.vector_load %arg9[%get3A_297, %get3A_298] {strides = array<i32>} : memref<128x64xf32, #tpu.memory_space<vmem>>, vector<1x16xf32>,
      %get3A_300 = vector.shape_cast %get3A_299 : vector<1x16xf32> to vector<16xf32>
      %get3A_301 = arith.index_cast %add3A_270 : i32 to index
      %get3A_302 = arith.constant 32 : index
      %get3A_303 = tpu.vector_load %arg7[%get3A_301, %get3A_302] {strides = array<i32>} : memref<328x64xf32, #tpu.memory_space<vmem>>, vector<1x16xf32>,
      %get3A_304 = vector.shape_cast %get3A_303 : vector<1x16xf32> to vector<16xf32>
      %add3A_305 = arith.addf %get3A_300, %get3A_304 : vector<16xf32>
      %swap3A_306 = arith.index_cast %scan3A_269 : i32 to index
      %swap3A_307 = arith.constant 32 : index
      %swap3A_308 = tpu.vector_load %arg9[%swap3A_306, %swap3A_307] {strides = array<i32>} : memref<128x64xf32, #tpu.memory_space<vmem>>, vector<1x16xf32>,
      %swap3A_309 = vector.shape_cast %swap3A_308 : vector<1x16xf32> to vector<16xf32>
      %swap3A_310 = vector.shape_cast %add3A_305 : vector<16xf32> to vector<1x16xf32>
      tpu.vector_store %arg9[%swap3A_306, %swap3A_307], %swap3A_310 {strides = array<i32>} : memref<128x64xf32, #tpu.memory_space<vmem>>, vector<1x16xf32>,
      %get3A_311 = arith.index_cast %scan3A_269 : i32 to index
      %get3A_312 = arith.constant 48 : index
      %get3A_313 = tpu.vector_load %arg9[%get3A_311, %get3A_312] {strides = array<i32>} : memref<128x64xf32, #tpu.memory_space<vmem>>, vector<1x16xf32>,
      %get3A_314 = vector.shape_cast %get3A_313 : vector<1x16xf32> to vector<16xf32>
      %get3A_315 = arith.index_cast %add3A_270 : i32 to index
      %get3A_316 = arith.constant 48 : index
      %get3A_317 = tpu.vector_load %arg7[%get3A_315, %get3A_316] {strides = array<i32>} : memref<328x64xf32, #tpu.memory_space<vmem>>, vector<1x16xf32>,
      %get3A_318 = vector.shape_cast %get3A_317 : vector<1x16xf32> to vector<16xf32>
      %add3A_319 = arith.addf %get3A_314, %get3A_318 : vector<16xf32>
      %swap3A_320 = arith.index_cast %scan3A_269 : i32 to index
      %swap3A_321 = arith.constant 48 : index
      %swap3A_322 = tpu.vector_load %arg9[%swap3A_320, %swap3A_321] {strides = array<i32>} : memref<128x64xf32, #tpu.memory_space<vmem>>, vector<1x16xf32>,
      %swap3A_323 = vector.shape_cast %swap3A_322 : vector<1x16xf32> to vector<16xf32>
      %swap3A_324 = vector.shape_cast %add3A_319 : vector<16xf32> to vector<1x16xf32>
      tpu.vector_store %arg9[%swap3A_320, %swap3A_321], %swap3A_324 {strides = array<i32>} : memref<128x64xf32, #tpu.memory_space<vmem>>, vector<1x16xf32>,
      %scan3A_325 = arith.constant 1 : i32
      %scan3A_326 = arith.addi %scan3A_269, %scan3A_325 : i32
      %add3A_327 = arith.addi %rem3A_196, %scan3A_326 : i32
      %get3A_328 = arith.index_cast %scan3A_326 : i32 to index
      %get3A_329 = arith.constant 0 : index
      %get3A_330 = tpu.vector_load %arg9[%get3A_328, %get3A_329] {strides = array<i32>} : memref<128x64xf32, #tpu.memory_space<vmem>>, vector<1x16xf32>,
      %get3A_331 = vector.shape_cast %get3A_330 : vector<1x16xf32> to vector<16xf32>
      %get3A_332 = arith.index_cast %add3A_327 : i32 to index
      %get3A_333 = arith.constant 0 : index
      %get3A_334 = tpu.vector_load %arg7[%get3A_332, %get3A_333] {strides = array<i32>} : memref<328x64xf32, #tpu.memory_space<vmem>>, vector<1x16xf32>,
      %get3A_335 = vector.shape_cast %get3A_334 : vector<1x16xf32> to vector<16xf32>
      %add3A_336 = arith.addf %get3A_331, %get3A_335 : vector<16xf32>
      %swap3A_337 = arith.index_cast %scan3A_326 : i32 to index
      %swap3A_338 = arith.constant 0 : index
      %swap3A_339 = tpu.vector_load %arg9[%swap3A_337, %swap3A_338] {strides = array<i32>} : memref<128x64xf32, #tpu.memory_space<vmem>>, vector<1x16xf32>,
      %swap3A_340 = vector.shape_cast %swap3A_339 : vector<1x16xf32> to vector<16xf32>
      %swap3A_341 = vector.shape_cast %add3A_336 : vector<16xf32> to vector<1x16xf32>
      tpu.vector_store %arg9[%swap3A_337, %swap3A_338], %swap3A_341 {strides = array<i32>} : memref<128x64xf32, #tpu.memory_space<vmem>>, vector<1x16xf32>,
      %get3A_342 = arith.index_cast %scan3A_326 : i32 to index
      %get3A_343 = arith.constant 16 : index
      %get3A_344 = tpu.vector_load %arg9[%get3A_342, %get3A_343] {strides = array<i32>} : memref<128x64xf32, #tpu.memory_space<vmem>>, vector<1x16xf32>,
      %get3A_345 = vector.shape_cast %get3A_344 : vector<1x16xf32> to vector<16xf32>
      %get3A_346 = arith.index_cast %add3A_327 : i32 to index
      %get3A_347 = arith.constant 16 : index
      %get3A_348 = tpu.vector_load %arg7[%get3A_346, %get3A_347] {strides = array<i32>} : memref<328x64xf32, #tpu.memory_space<vmem>>, vector<1x16xf32>,
      %get3A_349 = vector.shape_cast %get3A_348 : vector<1x16xf32> to vector<16xf32>
      %add3A_350 = arith.addf %get3A_345, %get3A_349 : vector<16xf32>
      %swap3A_351 = arith.index_cast %scan3A_326 : i32 to index
      %swap3A_352 = arith.constant 16 : index
      %swap3A_353 = tpu.vector_load %arg9[%swap3A_351, %swap3A_352] {strides = array<i32>} : memref<128x64xf32, #tpu.memory_space<vmem>>, vector<1x16xf32>,
      %swap3A_354 = vector.shape_cast %swap3A_353 : vector<1x16xf32> to vector<16xf32>
      %swap3A_355 = vector.shape_cast %add3A_350 : vector<16xf32> to vector<1x16xf32>
      tpu.vector_store %arg9[%swap3A_351, %swap3A_352], %swap3A_355 {strides = array<i32>} : memref<128x64xf32, #tpu.memory_space<vmem>>, vector<1x16xf32>,
      %get3A_356 = arith.index_cast %scan3A_326 : i32 to index
      %get3A_357 = arith.constant 32 : index
      %get3A_358 = tpu.vector_load %arg9[%get3A_356, %get3A_357] {strides = array<i32>} : memref<128x64xf32, #tpu.memory_space<vmem>>, vector<1x16xf32>,
      %get3A_359 = vector.shape_cast %get3A_358 : vector<1x16xf32> to vector<16xf32>
      %get3A_360 = arith.index_cast %add3A_327 : i32 to index
      %get3A_361 = arith.constant 32 : index
      %get3A_362 = tpu.vector_load %arg7[%get3A_360, %get3A_361] {strides = array<i32>} : memref<328x64xf32, #tpu.memory_space<vmem>>, vector<1x16xf32>,
      %get3A_363 = vector.shape_cast %get3A_362 : vector<1x16xf32> to vector<16xf32>
      %add3A_364 = arith.addf %get3A_359, %get3A_363 : vector<16xf32>
      %swap3A_365 = arith.index_cast %scan3A_326 : i32 to index
      %swap3A_366 = arith.constant 32 : index
      %swap3A_367 = tpu.vector_load %arg9[%swap3A_365, %swap3A_366] {strides = array<i32>} : memref<128x64xf32, #tpu.memory_space<vmem>>, vector<1x16xf32>,
      %swap3A_368 = vector.shape_cast %swap3A_367 : vector<1x16xf32> to vector<16xf32>
      %swap3A_369 = vector.shape_cast %add3A_364 : vector<16xf32> to vector<1x16xf32>
      tpu.vector_store %arg9[%swap3A_365, %swap3A_366], %swap3A_369 {strides = array<i32>} : memref<128x64xf32, #tpu.memory_space<vmem>>, vector<1x16xf32>,
      %get3A_370 = arith.index_cast %scan3A_326 : i32 to index
      %get3A_371 = arith.constant 48 : index
      %get3A_372 = tpu.vector_load %arg9[%get3A_370, %get3A_371] {strides = array<i32>} : memref<128x64xf32, #tpu.memory_space<vmem>>, vector<1x16xf32>,
      %get3A_373 = vector.shape_cast %get3A_372 : vector<1x16xf32> to vector<16xf32>
      %get3A_374 = arith.index_cast %add3A_327 : i32 to index
      %get3A_375 = arith.constant 48 : index
      %get3A_376 = tpu.vector_load %arg7[%get3A_374, %get3A_375] {strides = array<i32>} : memref<328x64xf32, #tpu.memory_space<vmem>>, vector<1x16xf32>,
      %get3A_377 = vector.shape_cast %get3A_376 : vector<1x16xf32> to vector<16xf32>
      %add3A_378 = arith.addf %get3A_373, %get3A_377 : vector<16xf32>
      %swap3A_379 = arith.index_cast %scan3A_326 : i32 to index
      %swap3A_380 = arith.constant 48 : index
      %swap3A_381 = tpu.vector_load %arg9[%swap3A_379, %swap3A_380] {strides = array<i32>} : memref<128x64xf32, #tpu.memory_space<vmem>>, vector<1x16xf32>,
      %swap3A_382 = vector.shape_cast %swap3A_381 : vector<1x16xf32> to vector<16xf32>
      %swap3A_383 = vector.shape_cast %add3A_378 : vector<16xf32> to vector<1x16xf32>
      tpu.vector_store %arg9[%swap3A_379, %swap3A_380], %swap3A_383 {strides = array<i32>} : memref<128x64xf32, #tpu.memory_space<vmem>>, vector<1x16xf32>,
    }
    %scan3A_202 = arith.constant 128 : i32
    %add3A_203 = arith.constant 25216 : i32
    %add3A_204 = arith.addi %mul3A_2, %add3A_203 : i32
    %dma_start3A_205 = arith.constant 0 : i32
    %dma_start3A_206 = tpu.memref_slice %arg5[%add3A_204, %dma_start3A_205] : memref<819200x64xf32, #tpu.memory_space<hbm>> -> memref<128x64xf32, #tpu.memory_space<hbm>>
    %dma_start3A_207 = arith.constant 0 : i32
    %dma_start3A_208 = tpu.memref_slice %arg5[%add3A_204, %dma_start3A_207] : memref<819200x64xf32, #tpu.memory_space<hbm>> -> memref<128x64xf32, #tpu.memory_space<hbm>>
    tpu.enqueue_dma source(%arg9 : memref<128x64xf32, #tpu.memory_space<vmem>>) target(%dma_start3A_208 : memref<128x64xf32, #tpu.memory_space<hbm>>) target_semaphore(%arg17 : memref<!tpu.dma_semaphore, #tpu.memory_space<semaphore_mem>>)
    %dma_wait3A_209 = arith.constant 0 : i32
    %dma_wait3A_210 = arith.constant 0 : i32
    %dma_wait3A_211 = tpu.memref_slice %arg6[%dma_wait3A_209, %dma_wait3A_210] : memref<200x128xi32, #tpu.memory_space<vmem>> -> memref<1x128xi32, #tpu.memory_space<vmem>>
    %dma_wait3A_212 = tpu.memref_squeeze %dma_wait3A_211 : memref<1x128xi32, #tpu.memory_space<vmem>> -> memref<128xi32, #tpu.memory_space<vmem>>
    %dma_wait3A_213 = arith.constant 0 : i32
    %dma_wait3A_214 = arith.constant 0 : i32
    %dma_wait3A_215 = tpu.memref_slice %arg3[%dma_wait3A_213, %dma_wait3A_214] : memref<100000x64xf32, #tpu.memory_space<hbm>> -> memref<100000x64xf32, #tpu.memory_space<hbm>>
    tpu.wait_indirect_dma semaphore(%arg14 : memref<!tpu.dma_semaphore, #tpu.memory_space<semaphore_mem>>) src(%dma_wait3A_215 : memref<100000x64xf32, #tpu.memory_space<hbm>>) dst(%arg10 : memref<128x64xf32, #tpu.memory_space<vmem>>)
    %rem3A_216 = arith.constant 25344 : i32
    %rem3A_217 = arith.constant 200 : i32
    %rem3A_218 = arith.remsi %rem3A_216, %rem3A_217 : i32
    %scan3A_219 = arith.constant 0 : i32
    %scan3A_220 = arith.constant 0 : i32
    %scan3A_221 = arith.constant 128 : i32
    %scan3A_222 = arith.addi %scan3A_220, %scan3A_221 : i32
    %scan3A_223 = arith.constant 2 : i32
    scf.for %scan3A_269 = %scan3A_220 to %scan3A_222 step %scan3A_223  : i32 {
      %add3A_270 = arith.addi %rem3A_218, %scan3A_269 : i32
      %get3A = arith.index_cast %scan3A_269 : i32 to index
      %get3A_271 = arith.constant 0 : index
      %get3A_272 = tpu.vector_load %arg10[%get3A, %get3A_271] {strides = array<i32>} : memref<128x64xf32, #tpu.memory_space<vmem>>, vector<1x16xf32>,
      %get3A_273 = vector.shape_cast %get3A_272 : vector<1x16xf32> to vector<16xf32>
      %get3A_274 = arith.index_cast %add3A_270 : i32 to index
      %get3A_275 = arith.constant 0 : index
      %get3A_276 = tpu.vector_load %arg7[%get3A_274, %get3A_275] {strides = array<i32>} : memref<328x64xf32, #tpu.memory_space<vmem>>, vector<1x16xf32>,
      %get3A_277 = vector.shape_cast %get3A_276 : vector<1x16xf32> to vector<16xf32>
      %add3A_278 = arith.addf %get3A_273, %get3A_277 : vector<16xf32>
      %swap3A = arith.index_cast %scan3A_269 : i32 to index
      %swap3A_279 = arith.constant 0 : index
      %swap3A_280 = tpu.vector_load %arg10[%swap3A, %swap3A_279] {strides = array<i32>} : memref<128x64xf32, #tpu.memory_space<vmem>>, vector<1x16xf32>,
      %swap3A_281 = vector.shape_cast %swap3A_280 : vector<1x16xf32> to vector<16xf32>
      %swap3A_282 = vector.shape_cast %add3A_278 : vector<16xf32> to vector<1x16xf32>
      tpu.vector_store %arg10[%swap3A, %swap3A_279], %swap3A_282 {strides = array<i32>} : memref<128x64xf32, #tpu.memory_space<vmem>>, vector<1x16xf32>,
      %get3A_283 = arith.index_cast %scan3A_269 : i32 to index
      %get3A_284 = arith.constant 16 : index
      %get3A_285 = tpu.vector_load %arg10[%get3A_283, %get3A_284] {strides = array<i32>} : memref<128x64xf32, #tpu.memory_space<vmem>>, vector<1x16xf32>,
      %get3A_286 = vector.shape_cast %get3A_285 : vector<1x16xf32> to vector<16xf32>
      %get3A_287 = arith.index_cast %add3A_270 : i32 to index
      %get3A_288 = arith.constant 16 : index
      %get3A_289 = tpu.vector_load %arg7[%get3A_287, %get3A_288] {strides = array<i32>} : memref<328x64xf32, #tpu.memory_space<vmem>>, vector<1x16xf32>,
      %get3A_290 = vector.shape_cast %get3A_289 : vector<1x16xf32> to vector<16xf32>
      %add3A_291 = arith.addf %get3A_286, %get3A_290 : vector<16xf32>
      %swap3A_292 = arith.index_cast %scan3A_269 : i32 to index
      %swap3A_293 = arith.constant 16 : index
      %swap3A_294 = tpu.vector_load %arg10[%swap3A_292, %swap3A_293] {strides = array<i32>} : memref<128x64xf32, #tpu.memory_space<vmem>>, vector<1x16xf32>,
      %swap3A_295 = vector.shape_cast %swap3A_294 : vector<1x16xf32> to vector<16xf32>
      %swap3A_296 = vector.shape_cast %add3A_291 : vector<16xf32> to vector<1x16xf32>
      tpu.vector_store %arg10[%swap3A_292, %swap3A_293], %swap3A_296 {strides = array<i32>} : memref<128x64xf32, #tpu.memory_space<vmem>>, vector<1x16xf32>,
      %get3A_297 = arith.index_cast %scan3A_269 : i32 to index
      %get3A_298 = arith.constant 32 : index
      %get3A_299 = tpu.vector_load %arg10[%get3A_297, %get3A_298] {strides = array<i32>} : memref<128x64xf32, #tpu.memory_space<vmem>>, vector<1x16xf32>,
      %get3A_300 = vector.shape_cast %get3A_299 : vector<1x16xf32> to vector<16xf32>
      %get3A_301 = arith.index_cast %add3A_270 : i32 to index
      %get3A_302 = arith.constant 32 : index
      %get3A_303 = tpu.vector_load %arg7[%get3A_301, %get3A_302] {strides = array<i32>} : memref<328x64xf32, #tpu.memory_space<vmem>>, vector<1x16xf32>,
      %get3A_304 = vector.shape_cast %get3A_303 : vector<1x16xf32> to vector<16xf32>
      %add3A_305 = arith.addf %get3A_300, %get3A_304 : vector<16xf32>
      %swap3A_306 = arith.index_cast %scan3A_269 : i32 to index
      %swap3A_307 = arith.constant 32 : index
      %swap3A_308 = tpu.vector_load %arg10[%swap3A_306, %swap3A_307] {strides = array<i32>} : memref<128x64xf32, #tpu.memory_space<vmem>>, vector<1x16xf32>,
      %swap3A_309 = vector.shape_cast %swap3A_308 : vector<1x16xf32> to vector<16xf32>
      %swap3A_310 = vector.shape_cast %add3A_305 : vector<16xf32> to vector<1x16xf32>
      tpu.vector_store %arg10[%swap3A_306, %swap3A_307], %swap3A_310 {strides = array<i32>} : memref<128x64xf32, #tpu.memory_space<vmem>>, vector<1x16xf32>,
      %get3A_311 = arith.index_cast %scan3A_269 : i32 to index
      %get3A_312 = arith.constant 48 : index
      %get3A_313 = tpu.vector_load %arg10[%get3A_311, %get3A_312] {strides = array<i32>} : memref<128x64xf32, #tpu.memory_space<vmem>>, vector<1x16xf32>,
      %get3A_314 = vector.shape_cast %get3A_313 : vector<1x16xf32> to vector<16xf32>
      %get3A_315 = arith.index_cast %add3A_270 : i32 to index
      %get3A_316 = arith.constant 48 : index
      %get3A_317 = tpu.vector_load %arg7[%get3A_315, %get3A_316] {strides = array<i32>} : memref<328x64xf32, #tpu.memory_space<vmem>>, vector<1x16xf32>,
      %get3A_318 = vector.shape_cast %get3A_317 : vector<1x16xf32> to vector<16xf32>
      %add3A_319 = arith.addf %get3A_314, %get3A_318 : vector<16xf32>
      %swap3A_320 = arith.index_cast %scan3A_269 : i32 to index
      %swap3A_321 = arith.constant 48 : index
      %swap3A_322 = tpu.vector_load %arg10[%swap3A_320, %swap3A_321] {strides = array<i32>} : memref<128x64xf32, #tpu.memory_space<vmem>>, vector<1x16xf32>,
      %swap3A_323 = vector.shape_cast %swap3A_322 : vector<1x16xf32> to vector<16xf32>
      %swap3A_324 = vector.shape_cast %add3A_319 : vector<16xf32> to vector<1x16xf32>
      tpu.vector_store %arg10[%swap3A_320, %swap3A_321], %swap3A_324 {strides = array<i32>} : memref<128x64xf32, #tpu.memory_space<vmem>>, vector<1x16xf32>,
      %scan3A_325 = arith.constant 1 : i32
      %scan3A_326 = arith.addi %scan3A_269, %scan3A_325 : i32
      %add3A_327 = arith.addi %rem3A_218, %scan3A_326 : i32
      %get3A_328 = arith.index_cast %scan3A_326 : i32 to index
      %get3A_329 = arith.constant 0 : index
      %get3A_330 = tpu.vector_load %arg10[%get3A_328, %get3A_329] {strides = array<i32>} : memref<128x64xf32, #tpu.memory_space<vmem>>, vector<1x16xf32>,
      %get3A_331 = vector.shape_cast %get3A_330 : vector<1x16xf32> to vector<16xf32>
      %get3A_332 = arith.index_cast %add3A_327 : i32 to index
      %get3A_333 = arith.constant 0 : index
      %get3A_334 = tpu.vector_load %arg7[%get3A_332, %get3A_333] {strides = array<i32>} : memref<328x64xf32, #tpu.memory_space<vmem>>, vector<1x16xf32>,
      %get3A_335 = vector.shape_cast %get3A_334 : vector<1x16xf32> to vector<16xf32>
      %add3A_336 = arith.addf %get3A_331, %get3A_335 : vector<16xf32>
      %swap3A_337 = arith.index_cast %scan3A_326 : i32 to index
      %swap3A_338 = arith.constant 0 : index
      %swap3A_339 = tpu.vector_load %arg10[%swap3A_337, %swap3A_338] {strides = array<i32>} : memref<128x64xf32, #tpu.memory_space<vmem>>, vector<1x16xf32>,
      %swap3A_340 = vector.shape_cast %swap3A_339 : vector<1x16xf32> to vector<16xf32>
      %swap3A_341 = vector.shape_cast %add3A_336 : vector<16xf32> to vector<1x16xf32>
      tpu.vector_store %arg10[%swap3A_337, %swap3A_338], %swap3A_341 {strides = array<i32>} : memref<128x64xf32, #tpu.memory_space<vmem>>, vector<1x16xf32>,
      %get3A_342 = arith.index_cast %scan3A_326 : i32 to index
      %get3A_343 = arith.constant 16 : index
      %get3A_344 = tpu.vector_load %arg10[%get3A_342, %get3A_343] {strides = array<i32>} : memref<128x64xf32, #tpu.memory_space<vmem>>, vector<1x16xf32>,
      %get3A_345 = vector.shape_cast %get3A_344 : vector<1x16xf32> to vector<16xf32>
      %get3A_346 = arith.index_cast %add3A_327 : i32 to index
      %get3A_347 = arith.constant 16 : index
      %get3A_348 = tpu.vector_load %arg7[%get3A_346, %get3A_347] {strides = array<i32>} : memref<328x64xf32, #tpu.memory_space<vmem>>, vector<1x16xf32>,
      %get3A_349 = vector.shape_cast %get3A_348 : vector<1x16xf32> to vector<16xf32>
      %add3A_350 = arith.addf %get3A_345, %get3A_349 : vector<16xf32>
      %swap3A_351 = arith.index_cast %scan3A_326 : i32 to index
      %swap3A_352 = arith.constant 16 : index
      %swap3A_353 = tpu.vector_load %arg10[%swap3A_351, %swap3A_352] {strides = array<i32>} : memref<128x64xf32, #tpu.memory_space<vmem>>, vector<1x16xf32>,
      %swap3A_354 = vector.shape_cast %swap3A_353 : vector<1x16xf32> to vector<16xf32>
      %swap3A_355 = vector.shape_cast %add3A_350 : vector<16xf32> to vector<1x16xf32>
      tpu.vector_store %arg10[%swap3A_351, %swap3A_352], %swap3A_355 {strides = array<i32>} : memref<128x64xf32, #tpu.memory_space<vmem>>, vector<1x16xf32>,
      %get3A_356 = arith.index_cast %scan3A_326 : i32 to index
      %get3A_357 = arith.constant 32 : index
      %get3A_358 = tpu.vector_load %arg10[%get3A_356, %get3A_357] {strides = array<i32>} : memref<128x64xf32, #tpu.memory_space<vmem>>, vector<1x16xf32>,
      %get3A_359 = vector.shape_cast %get3A_358 : vector<1x16xf32> to vector<16xf32>
      %get3A_360 = arith.index_cast %add3A_327 : i32 to index
      %get3A_361 = arith.constant 32 : index
      %get3A_362 = tpu.vector_load %arg7[%get3A_360, %get3A_361] {strides = array<i32>} : memref<328x64xf32, #tpu.memory_space<vmem>>, vector<1x16xf32>,
      %get3A_363 = vector.shape_cast %get3A_362 : vector<1x16xf32> to vector<16xf32>
      %add3A_364 = arith.addf %get3A_359, %get3A_363 : vector<16xf32>
      %swap3A_365 = arith.index_cast %scan3A_326 : i32 to index
      %swap3A_366 = arith.constant 32 : index
      %swap3A_367 = tpu.vector_load %arg10[%swap3A_365, %swap3A_366] {strides = array<i32>} : memref<128x64xf32, #tpu.memory_space<vmem>>, vector<1x16xf32>,
      %swap3A_368 = vector.shape_cast %swap3A_367 : vector<1x16xf32> to vector<16xf32>
      %swap3A_369 = vector.shape_cast %add3A_364 : vector<16xf32> to vector<1x16xf32>
      tpu.vector_store %arg10[%swap3A_365, %swap3A_366], %swap3A_369 {strides = array<i32>} : memref<128x64xf32, #tpu.memory_space<vmem>>, vector<1x16xf32>,
      %get3A_370 = arith.index_cast %scan3A_326 : i32 to index
      %get3A_371 = arith.constant 48 : index
      %get3A_372 = tpu.vector_load %arg10[%get3A_370, %get3A_371] {strides = array<i32>} : memref<128x64xf32, #tpu.memory_space<vmem>>, vector<1x16xf32>,
      %get3A_373 = vector.shape_cast %get3A_372 : vector<1x16xf32> to vector<16xf32>
      %get3A_374 = arith.index_cast %add3A_327 : i32 to index
      %get3A_375 = arith.constant 48 : index
      %get3A_376 = tpu.vector_load %arg7[%get3A_374, %get3A_375] {strides = array<i32>} : memref<328x64xf32, #tpu.memory_space<vmem>>, vector<1x16xf32>,
      %get3A_377 = vector.shape_cast %get3A_376 : vector<1x16xf32> to vector<16xf32>
      %add3A_378 = arith.addf %get3A_373, %get3A_377 : vector<16xf32>
      %swap3A_379 = arith.index_cast %scan3A_326 : i32 to index
      %swap3A_380 = arith.constant 48 : index
      %swap3A_381 = tpu.vector_load %arg10[%swap3A_379, %swap3A_380] {strides = array<i32>} : memref<128x64xf32, #tpu.memory_space<vmem>>, vector<1x16xf32>,
      %swap3A_382 = vector.shape_cast %swap3A_381 : vector<1x16xf32> to vector<16xf32>
      %swap3A_383 = vector.shape_cast %add3A_378 : vector<16xf32> to vector<1x16xf32>
      tpu.vector_store %arg10[%swap3A_379, %swap3A_380], %swap3A_383 {strides = array<i32>} : memref<128x64xf32, #tpu.memory_space<vmem>>, vector<1x16xf32>,
    }
    %scan3A_224 = arith.constant 128 : i32
    %add3A_225 = arith.constant 25344 : i32
    %add3A_226 = arith.addi %mul3A_2, %add3A_225 : i32
    %dma_start3A_227 = arith.constant 0 : i32
    %dma_start3A_228 = tpu.memref_slice %arg5[%add3A_226, %dma_start3A_227] : memref<819200x64xf32, #tpu.memory_space<hbm>> -> memref<128x64xf32, #tpu.memory_space<hbm>>
    %dma_start3A_229 = arith.constant 0 : i32
    %dma_start3A_230 = tpu.memref_slice %arg5[%add3A_226, %dma_start3A_229] : memref<819200x64xf32, #tpu.memory_space<hbm>> -> memref<128x64xf32, #tpu.memory_space<hbm>>
    tpu.enqueue_dma source(%arg10 : memref<128x64xf32, #tpu.memory_space<vmem>>) target(%dma_start3A_230 : memref<128x64xf32, #tpu.memory_space<hbm>>) target_semaphore(%arg18 : memref<!tpu.dma_semaphore, #tpu.memory_space<semaphore_mem>>)
    %dma_wait3A_231 = arith.constant 0 : i32
    %dma_wait3A_232 = arith.constant 0 : i32
    %dma_wait3A_233 = tpu.memref_slice %arg6[%dma_wait3A_231, %dma_wait3A_232] : memref<200x128xi32, #tpu.memory_space<vmem>> -> memref<1x128xi32, #tpu.memory_space<vmem>>
    %dma_wait3A_234 = tpu.memref_squeeze %dma_wait3A_233 : memref<1x128xi32, #tpu.memory_space<vmem>> -> memref<128xi32, #tpu.memory_space<vmem>>
    %dma_wait3A_235 = arith.constant 0 : i32
    %dma_wait3A_236 = arith.constant 0 : i32
    %dma_wait3A_237 = tpu.memref_slice %arg3[%dma_wait3A_235, %dma_wait3A_236] : memref<100000x64xf32, #tpu.memory_space<hbm>> -> memref<100000x64xf32, #tpu.memory_space<hbm>>
    tpu.wait_indirect_dma semaphore(%arg15 : memref<!tpu.dma_semaphore, #tpu.memory_space<semaphore_mem>>) src(%dma_wait3A_237 : memref<100000x64xf32, #tpu.memory_space<hbm>>) dst(%arg11 : memref<128x64xf32, #tpu.memory_space<vmem>>)
    %rem3A_238 = arith.constant 25472 : i32
    %rem3A_239 = arith.constant 200 : i32
    %rem3A_240 = arith.remsi %rem3A_238, %rem3A_239 : i32
    %scan3A_241 = arith.constant 0 : i32
    %scan3A_242 = arith.constant 0 : i32
    %scan3A_243 = arith.constant 128 : i32
    %scan3A_244 = arith.addi %scan3A_242, %scan3A_243 : i32
    %scan3A_245 = arith.constant 2 : i32
    scf.for %scan3A_269 = %scan3A_242 to %scan3A_244 step %scan3A_245  : i32 {
      %add3A_270 = arith.addi %rem3A_240, %scan3A_269 : i32
      %get3A = arith.index_cast %scan3A_269 : i32 to index
      %get3A_271 = arith.constant 0 : index
      %get3A_272 = tpu.vector_load %arg11[%get3A, %get3A_271] {strides = array<i32>} : memref<128x64xf32, #tpu.memory_space<vmem>>, vector<1x16xf32>,
      %get3A_273 = vector.shape_cast %get3A_272 : vector<1x16xf32> to vector<16xf32>
      %get3A_274 = arith.index_cast %add3A_270 : i32 to index
      %get3A_275 = arith.constant 0 : index
      %get3A_276 = tpu.vector_load %arg7[%get3A_274, %get3A_275] {strides = array<i32>} : memref<328x64xf32, #tpu.memory_space<vmem>>, vector<1x16xf32>,
      %get3A_277 = vector.shape_cast %get3A_276 : vector<1x16xf32> to vector<16xf32>
      %add3A_278 = arith.addf %get3A_273, %get3A_277 : vector<16xf32>
      %swap3A = arith.index_cast %scan3A_269 : i32 to index
      %swap3A_279 = arith.constant 0 : index
      %swap3A_280 = tpu.vector_load %arg11[%swap3A, %swap3A_279] {strides = array<i32>} : memref<128x64xf32, #tpu.memory_space<vmem>>, vector<1x16xf32>,
      %swap3A_281 = vector.shape_cast %swap3A_280 : vector<1x16xf32> to vector<16xf32>
      %swap3A_282 = vector.shape_cast %add3A_278 : vector<16xf32> to vector<1x16xf32>
      tpu.vector_store %arg11[%swap3A, %swap3A_279], %swap3A_282 {strides = array<i32>} : memref<128x64xf32, #tpu.memory_space<vmem>>, vector<1x16xf32>,
      %get3A_283 = arith.index_cast %scan3A_269 : i32 to index
      %get3A_284 = arith.constant 16 : index
      %get3A_285 = tpu.vector_load %arg11[%get3A_283, %get3A_284] {strides = array<i32>} : memref<128x64xf32, #tpu.memory_space<vmem>>, vector<1x16xf32>,
      %get3A_286 = vector.shape_cast %get3A_285 : vector<1x16xf32> to vector<16xf32>
      %get3A_287 = arith.index_cast %add3A_270 : i32 to index
      %get3A_288 = arith.constant 16 : index
      %get3A_289 = tpu.vector_load %arg7[%get3A_287, %get3A_288] {strides = array<i32>} : memref<328x64xf32, #tpu.memory_space<vmem>>, vector<1x16xf32>,
      %get3A_290 = vector.shape_cast %get3A_289 : vector<1x16xf32> to vector<16xf32>
      %add3A_291 = arith.addf %get3A_286, %get3A_290 : vector<16xf32>
      %swap3A_292 = arith.index_cast %scan3A_269 : i32 to index
      %swap3A_293 = arith.constant 16 : index
      %swap3A_294 = tpu.vector_load %arg11[%swap3A_292, %swap3A_293] {strides = array<i32>} : memref<128x64xf32, #tpu.memory_space<vmem>>, vector<1x16xf32>,
      %swap3A_295 = vector.shape_cast %swap3A_294 : vector<1x16xf32> to vector<16xf32>
      %swap3A_296 = vector.shape_cast %add3A_291 : vector<16xf32> to vector<1x16xf32>
      tpu.vector_store %arg11[%swap3A_292, %swap3A_293], %swap3A_296 {strides = array<i32>} : memref<128x64xf32, #tpu.memory_space<vmem>>, vector<1x16xf32>,
      %get3A_297 = arith.index_cast %scan3A_269 : i32 to index
      %get3A_298 = arith.constant 32 : index
      %get3A_299 = tpu.vector_load %arg11[%get3A_297, %get3A_298] {strides = array<i32>} : memref<128x64xf32, #tpu.memory_space<vmem>>, vector<1x16xf32>,
      %get3A_300 = vector.shape_cast %get3A_299 : vector<1x16xf32> to vector<16xf32>
      %get3A_301 = arith.index_cast %add3A_270 : i32 to index
      %get3A_302 = arith.constant 32 : index
      %get3A_303 = tpu.vector_load %arg7[%get3A_301, %get3A_302] {strides = array<i32>} : memref<328x64xf32, #tpu.memory_space<vmem>>, vector<1x16xf32>,
      %get3A_304 = vector.shape_cast %get3A_303 : vector<1x16xf32> to vector<16xf32>
      %add3A_305 = arith.addf %get3A_300, %get3A_304 : vector<16xf32>
      %swap3A_306 = arith.index_cast %scan3A_269 : i32 to index
      %swap3A_307 = arith.constant 32 : index
      %swap3A_308 = tpu.vector_load %arg11[%swap3A_306, %swap3A_307] {strides = array<i32>} : memref<128x64xf32, #tpu.memory_space<vmem>>, vector<1x16xf32>,
      %swap3A_309 = vector.shape_cast %swap3A_308 : vector<1x16xf32> to vector<16xf32>
      %swap3A_310 = vector.shape_cast %add3A_305 : vector<16xf32> to vector<1x16xf32>
      tpu.vector_store %arg11[%swap3A_306, %swap3A_307], %swap3A_310 {strides = array<i32>} : memref<128x64xf32, #tpu.memory_space<vmem>>, vector<1x16xf32>,
      %get3A_311 = arith.index_cast %scan3A_269 : i32 to index
      %get3A_312 = arith.constant 48 : index
      %get3A_313 = tpu.vector_load %arg11[%get3A_311, %get3A_312] {strides = array<i32>} : memref<128x64xf32, #tpu.memory_space<vmem>>, vector<1x16xf32>,
      %get3A_314 = vector.shape_cast %get3A_313 : vector<1x16xf32> to vector<16xf32>
      %get3A_315 = arith.index_cast %add3A_270 : i32 to index
      %get3A_316 = arith.constant 48 : index
      %get3A_317 = tpu.vector_load %arg7[%get3A_315, %get3A_316] {strides = array<i32>} : memref<328x64xf32, #tpu.memory_space<vmem>>, vector<1x16xf32>,
      %get3A_318 = vector.shape_cast %get3A_317 : vector<1x16xf32> to vector<16xf32>
      %add3A_319 = arith.addf %get3A_314, %get3A_318 : vector<16xf32>
      %swap3A_320 = arith.index_cast %scan3A_269 : i32 to index
      %swap3A_321 = arith.constant 48 : index
      %swap3A_322 = tpu.vector_load %arg11[%swap3A_320, %swap3A_321] {strides = array<i32>} : memref<128x64xf32, #tpu.memory_space<vmem>>, vector<1x16xf32>,
      %swap3A_323 = vector.shape_cast %swap3A_322 : vector<1x16xf32> to vector<16xf32>
      %swap3A_324 = vector.shape_cast %add3A_319 : vector<16xf32> to vector<1x16xf32>
      tpu.vector_store %arg11[%swap3A_320, %swap3A_321], %swap3A_324 {strides = array<i32>} : memref<128x64xf32, #tpu.memory_space<vmem>>, vector<1x16xf32>,
      %scan3A_325 = arith.constant 1 : i32
      %scan3A_326 = arith.addi %scan3A_269, %scan3A_325 : i32
      %add3A_327 = arith.addi %rem3A_240, %scan3A_326 : i32
      %get3A_328 = arith.index_cast %scan3A_326 : i32 to index
      %get3A_329 = arith.constant 0 : index
      %get3A_330 = tpu.vector_load %arg11[%get3A_328, %get3A_329] {strides = array<i32>} : memref<128x64xf32, #tpu.memory_space<vmem>>, vector<1x16xf32>,
      %get3A_331 = vector.shape_cast %get3A_330 : vector<1x16xf32> to vector<16xf32>
      %get3A_332 = arith.index_cast %add3A_327 : i32 to index
      %get3A_333 = arith.constant 0 : index
      %get3A_334 = tpu.vector_load %arg7[%get3A_332, %get3A_333] {strides = array<i32>} : memref<328x64xf32, #tpu.memory_space<vmem>>, vector<1x16xf32>,
      %get3A_335 = vector.shape_cast %get3A_334 : vector<1x16xf32> to vector<16xf32>
      %add3A_336 = arith.addf %get3A_331, %get3A_335 : vector<16xf32>
      %swap3A_337 = arith.index_cast %scan3A_326 : i32 to index
      %swap3A_338 = arith.constant 0 : index
      %swap3A_339 = tpu.vector_load %arg11[%swap3A_337, %swap3A_338] {strides = array<i32>} : memref<128x64xf32, #tpu.memory_space<vmem>>, vector<1x16xf32>,
      %swap3A_340 = vector.shape_cast %swap3A_339 : vector<1x16xf32> to vector<16xf32>
      %swap3A_341 = vector.shape_cast %add3A_336 : vector<16xf32> to vector<1x16xf32>
      tpu.vector_store %arg11[%swap3A_337, %swap3A_338], %swap3A_341 {strides = array<i32>} : memref<128x64xf32, #tpu.memory_space<vmem>>, vector<1x16xf32>,
      %get3A_342 = arith.index_cast %scan3A_326 : i32 to index
      %get3A_343 = arith.constant 16 : index
      %get3A_344 = tpu.vector_load %arg11[%get3A_342, %get3A_343] {strides = array<i32>} : memref<128x64xf32, #tpu.memory_space<vmem>>, vector<1x16xf32>,
      %get3A_345 = vector.shape_cast %get3A_344 : vector<1x16xf32> to vector<16xf32>
      %get3A_346 = arith.index_cast %add3A_327 : i32 to index
      %get3A_347 = arith.constant 16 : index
      %get3A_348 = tpu.vector_load %arg7[%get3A_346, %get3A_347] {strides = array<i32>} : memref<328x64xf32, #tpu.memory_space<vmem>>, vector<1x16xf32>,
      %get3A_349 = vector.shape_cast %get3A_348 : vector<1x16xf32> to vector<16xf32>
      %add3A_350 = arith.addf %get3A_345, %get3A_349 : vector<16xf32>
      %swap3A_351 = arith.index_cast %scan3A_326 : i32 to index
      %swap3A_352 = arith.constant 16 : index
      %swap3A_353 = tpu.vector_load %arg11[%swap3A_351, %swap3A_352] {strides = array<i32>} : memref<128x64xf32, #tpu.memory_space<vmem>>, vector<1x16xf32>,
      %swap3A_354 = vector.shape_cast %swap3A_353 : vector<1x16xf32> to vector<16xf32>
      %swap3A_355 = vector.shape_cast %add3A_350 : vector<16xf32> to vector<1x16xf32>
      tpu.vector_store %arg11[%swap3A_351, %swap3A_352], %swap3A_355 {strides = array<i32>} : memref<128x64xf32, #tpu.memory_space<vmem>>, vector<1x16xf32>,
      %get3A_356 = arith.index_cast %scan3A_326 : i32 to index
      %get3A_357 = arith.constant 32 : index
      %get3A_358 = tpu.vector_load %arg11[%get3A_356, %get3A_357] {strides = array<i32>} : memref<128x64xf32, #tpu.memory_space<vmem>>, vector<1x16xf32>,
      %get3A_359 = vector.shape_cast %get3A_358 : vector<1x16xf32> to vector<16xf32>
      %get3A_360 = arith.index_cast %add3A_327 : i32 to index
      %get3A_361 = arith.constant 32 : index
      %get3A_362 = tpu.vector_load %arg7[%get3A_360, %get3A_361] {strides = array<i32>} : memref<328x64xf32, #tpu.memory_space<vmem>>, vector<1x16xf32>,
      %get3A_363 = vector.shape_cast %get3A_362 : vector<1x16xf32> to vector<16xf32>
      %add3A_364 = arith.addf %get3A_359, %get3A_363 : vector<16xf32>
      %swap3A_365 = arith.index_cast %scan3A_326 : i32 to index
      %swap3A_366 = arith.constant 32 : index
      %swap3A_367 = tpu.vector_load %arg11[%swap3A_365, %swap3A_366] {strides = array<i32>} : memref<128x64xf32, #tpu.memory_space<vmem>>, vector<1x16xf32>,
      %swap3A_368 = vector.shape_cast %swap3A_367 : vector<1x16xf32> to vector<16xf32>
      %swap3A_369 = vector.shape_cast %add3A_364 : vector<16xf32> to vector<1x16xf32>
      tpu.vector_store %arg11[%swap3A_365, %swap3A_366], %swap3A_369 {strides = array<i32>} : memref<128x64xf32, #tpu.memory_space<vmem>>, vector<1x16xf32>,
      %get3A_370 = arith.index_cast %scan3A_326 : i32 to index
      %get3A_371 = arith.constant 48 : index
      %get3A_372 = tpu.vector_load %arg11[%get3A_370, %get3A_371] {strides = array<i32>} : memref<128x64xf32, #tpu.memory_space<vmem>>, vector<1x16xf32>,
      %get3A_373 = vector.shape_cast %get3A_372 : vector<1x16xf32> to vector<16xf32>
      %get3A_374 = arith.index_cast %add3A_327 : i32 to index
      %get3A_375 = arith.constant 48 : index
      %get3A_376 = tpu.vector_load %arg7[%get3A_374, %get3A_375] {strides = array<i32>} : memref<328x64xf32, #tpu.memory_space<vmem>>, vector<1x16xf32>,
      %get3A_377 = vector.shape_cast %get3A_376 : vector<1x16xf32> to vector<16xf32>
      %add3A_378 = arith.addf %get3A_373, %get3A_377 : vector<16xf32>
      %swap3A_379 = arith.index_cast %scan3A_326 : i32 to index
      %swap3A_380 = arith.constant 48 : index
      %swap3A_381 = tpu.vector_load %arg11[%swap3A_379, %swap3A_380] {strides = array<i32>} : memref<128x64xf32, #tpu.memory_space<vmem>>, vector<1x16xf32>,
      %swap3A_382 = vector.shape_cast %swap3A_381 : vector<1x16xf32> to vector<16xf32>
      %swap3A_383 = vector.shape_cast %add3A_378 : vector<16xf32> to vector<1x16xf32>
      tpu.vector_store %arg11[%swap3A_379, %swap3A_380], %swap3A_383 {strides = array<i32>} : memref<128x64xf32, #tpu.memory_space<vmem>>, vector<1x16xf32>,
    }
    %scan3A_246 = arith.constant 128 : i32
    %add3A_247 = arith.constant 25472 : i32
    %add3A_248 = arith.addi %mul3A_2, %add3A_247 : i32
    %dma_start3A_249 = arith.constant 0 : i32
    %dma_start3A_250 = tpu.memref_slice %arg5[%add3A_248, %dma_start3A_249] : memref<819200x64xf32, #tpu.memory_space<hbm>> -> memref<128x64xf32, #tpu.memory_space<hbm>>
    %dma_start3A_251 = arith.constant 0 : i32
    %dma_start3A_252 = tpu.memref_slice %arg5[%add3A_248, %dma_start3A_251] : memref<819200x64xf32, #tpu.memory_space<hbm>> -> memref<128x64xf32, #tpu.memory_space<hbm>>
    tpu.enqueue_dma source(%arg11 : memref<128x64xf32, #tpu.memory_space<vmem>>) target(%dma_start3A_252 : memref<128x64xf32, #tpu.memory_space<hbm>>) target_semaphore(%arg19 : memref<!tpu.dma_semaphore, #tpu.memory_space<semaphore_mem>>)
    %dma_wait3A_253 = arith.constant 0 : i32
    %dma_wait3A_254 = tpu.memref_slice %arg5[%mul3A_2, %dma_wait3A_253] : memref<819200x64xf32, #tpu.memory_space<hbm>> -> memref<128x64xf32, #tpu.memory_space<hbm>>
    %dma_wait3A_255 = arith.constant 0 : i32
    %dma_wait3A_256 = tpu.memref_slice %arg5[%mul3A_2, %dma_wait3A_255] : memref<819200x64xf32, #tpu.memory_space<hbm>> -> memref<128x64xf32, #tpu.memory_space<hbm>>
    tpu.wait_dma2 semaphore(%arg16 : memref<!tpu.dma_semaphore, #tpu.memory_space<semaphore_mem>>) src(%arg8 : memref<128x64xf32, #tpu.memory_space<vmem>>) dst(%dma_wait3A_256 : memref<128x64xf32, #tpu.memory_space<hbm>>)
    %dma_wait3A_257 = arith.constant 0 : i32
    %dma_wait3A_258 = tpu.memref_slice %arg5[%mul3A_2, %dma_wait3A_257] : memref<819200x64xf32, #tpu.memory_space<hbm>> -> memref<128x64xf32, #tpu.memory_space<hbm>>
    %dma_wait3A_259 = arith.constant 0 : i32
    %dma_wait3A_260 = tpu.memref_slice %arg5[%mul3A_2, %dma_wait3A_259] : memref<819200x64xf32, #tpu.memory_space<hbm>> -> memref<128x64xf32, #tpu.memory_space<hbm>>
    tpu.wait_dma2 semaphore(%arg17 : memref<!tpu.dma_semaphore, #tpu.memory_space<semaphore_mem>>) src(%arg9 : memref<128x64xf32, #tpu.memory_space<vmem>>) dst(%dma_wait3A_260 : memref<128x64xf32, #tpu.memory_space<hbm>>)
    %dma_wait3A_261 = arith.constant 0 : i32
    %dma_wait3A_262 = tpu.memref_slice %arg5[%mul3A_2, %dma_wait3A_261] : memref<819200x64xf32, #tpu.memory_space<hbm>> -> memref<128x64xf32, #tpu.memory_space<hbm>>
    %dma_wait3A_263 = arith.constant 0 : i32
    %dma_wait3A_264 = tpu.memref_slice %arg5[%mul3A_2, %dma_wait3A_263] : memref<819200x64xf32, #tpu.memory_space<hbm>> -> memref<128x64xf32, #tpu.memory_space<hbm>>
    tpu.wait_dma2 semaphore(%arg18 : memref<!tpu.dma_semaphore, #tpu.memory_space<semaphore_mem>>) src(%arg10 : memref<128x64xf32, #tpu.memory_space<vmem>>) dst(%dma_wait3A_264 : memref<128x64xf32, #tpu.memory_space<hbm>>)
    %dma_wait3A_265 = arith.constant 0 : i32
    %dma_wait3A_266 = tpu.memref_slice %arg5[%mul3A_2, %dma_wait3A_265] : memref<819200x64xf32, #tpu.memory_space<hbm>> -> memref<128x64xf32, #tpu.memory_space<hbm>>
    %dma_wait3A_267 = arith.constant 0 : i32
    %dma_wait3A_268 = tpu.memref_slice %arg5[%mul3A_2, %dma_wait3A_267] : memref<819200x64xf32, #tpu.memory_space<hbm>> -> memref<128x64xf32, #tpu.memory_space<hbm>>
    tpu.wait_dma2 semaphore(%arg19 : memref<!tpu.dma_semaphore, #tpu.memory_space<semaphore_mem>>) src(%arg11 : memref<128x64xf32, #tpu.memory_space<vmem>>) dst(%dma_wait3A_268 : memref<128x64xf32, #tpu.memory_space<hbm>>)
    return
  }
}

</mosaic_0001>

<sc_bundles>
// kernel: kernel.3.cloned.1.call-start
scs
__scs_entry_jumppad:
0x0: {  	(pc) =	sbr.rel $0x88, $3  }
0x1: {  	(tag) =	ssettag $0x0;
	lr =	simm.s32 $0x1  }
0x2: {  	[smem:$0x3F9E] =	sst lr;
	_ =	strace $0xD0000000  }
0x3: {  	_ = 	snop  }
0x4: {  	_ = 	snop  }
0x5: {  	_ = 	snop  }
0x6: {  	_ = 	snop  }
0x7: {  	_ = 	snop  }
__scs_overlays_trampoline_lowered:
0x8: {  	[smem:$0x3FAD] =	sst s0  }
0x9: {  	[smem:$0x3FAE] =	sst s1  }
0xa: {  	[smem:$0x3FAF] =	sst s2  }
0xb: {  	[smem:$0x3FB0] =	sst s3  }
0xc: {  	[smem:$0x3FB1] =	sst s4  }
0xd: {  	[smem:$0x3FB2] =	sst s5  }
0xe: {  	[smem:$0x3FB3] =	sst s6  }
0xf: {  	[smem:$0x3FB4] =	sst s7  }
0x10: {  	[smem:$0x3FB5] =	sst s8  }
0x11: {  	[smem:$0x3FB6] =	sst s9;
	s0 =	simm.s32 @!p0 $0x0  }
0x12: {  	s1 =	sld [smem:$0x3F9C];
	s0 =	simm.s32 @p0 $0x1  }
0x13: {  	[smem:$0x3FB7] =	sst s0;
	s0 =	simm.s32 @!p1 $0x0  }
0x14: {  	s2 =	sld [smem:$0x3F9B];
	s0 =	simm.s32 @p1 $0x1  }
0x15: {  	[smem:$0x3FB8] =	sst s0;
	s0 =	simm.s32 @!p2 $0x0  }
0x16: {  	s3 =	sld [smem:$0x3FDB];
	s0 =	simm.s32 @p2 $0x1  }
0x17: {  	s4 =	simm.s32 $0x1BF5;
	[smem:$0x3FBA] =	sst s0  }
0x18: {  	s0 =	sld [smem:$0x3F9D];
	_ =	swait.ge [sflag:s4], $0x0  }
0x19: {  	s7 =	sld [smem:$0x3F9E]  }
0x1a: {  	s8 =	sadd.s32 $0xFFFFE003, lr  }
0x1b: {  	s9 =	sadd.s32 $0xFFFFFEF7, lr;
	s5 =	simm.s32 $0xFFFFFFFF;
	p2 =	slt.u32 s8, $0xFFFFF086  }
0x1c: {  	p1 =	slt.u32 s9, $0xF7A;
	s5 =	simm.s32 @!p2 $0x0  }
0x1d: {  	s5 =	simm.s32 @p1 $0x1;
	p0 =	seq.s32 s7, s2  }
0x1e: {  	s7 =	smul.u32 @!p0 $0xF7A, s2;
	p2 =	seq.s32 @!p0 s5, $0x0  }
0x1f: {  	s9 =	smul.u32 $0xF7A, s1;
	s8 =	simm.s32 @!p0 $0x1BF5;
	p2 =	por !p2, p0  }
0x20: {  	[sflag:s8] =	ssyncset.s32 @!p0 $0xFFFFF086;
	s6 =	sadd.s32 @!p0 s3, s7;
	s7 =	simm.s32 @!p0 $0x108  }
0x21: {  	s3 =	sadd.s32 s3, s9;
	s6 =	sadd.s32 @!p0 $0x88, s6;
	s7 =	simm.s32 @p2 $0x1082  }
0x22: {  	[simem:s7], [sflag:s8] =	dma.local @!p0 [hbm:s6], $0xF7A  }
0x23: {  	s9 =	sor.u32 $0xD0000000, s2;
	s6 =	simm.s32 $0x108;
	_ =	swait.ge @!p0 [sflag:s8], $0x0  }
0x24: {  	s3 =	sadd.s32 $0x88, s3;
	s6 =	simm.s32 @!p1 $0x1082;
	[sflag:s4] =	ssyncset.s32 $0xFFFFF086  }
0x25: {  	[simem:s6], [sflag:s4] =	dma.local [hbm:s3], $0xF7A  }
0x26: {  	[smem:$0x3F9E] =	sst s1;
	(tag) =	ssettag s2;
	_ =	strace s9  }
0x27: {  	s1 =	sld [smem:$0x3FAE]  }
0x28: {  	s2 =	sld [smem:$0x3FAF]  }
0x29: {  	s4 =	sld [smem:$0x3FB1]  }
0x2a: {  	p0 =	seq.s32 s5, $0x0;
	s5 =	sld [smem:$0x3FB2]  }
0x2b: {  	s6 =	sld [smem:$0x3FB3]  }
0x2c: {  	s7 =	sld [smem:$0x3FB4]  }
0x2d: {  	s3 =	simm.s32 $0x108;
	s8 =	sld [smem:$0x3FB5]  }
0x2e: {  	s3 =	simm.s32 @!p0 $0x1082;
	s9 =	sld [smem:$0x3FB6]  }
0x2f: {  	lr =	sadd.s32 s0, s3;
	s0 =	sld [smem:$0x3FAD]  }
0x30: {  	s3 =	sld [smem:$0x3FB0]  }
0x31: {  	[smem:$0x3FB9] =	sst s10  }
0x32: {  	s10 =	sld [smem:$0x3FB7];
	_ =	sdelay $0x3  }
0x33: {  	p0 =	seq.s32 s10, $0x1;
	s10 =	sld [smem:$0x3FB9];
	_ =	sdelay $0x3  }
0x34: {  	[smem:$0x3FB9] =	sst s10  }
0x35: {  	s10 =	sld [smem:$0x3FB8];
	_ =	sdelay $0x3  }
0x36: {  	p1 =	seq.s32 s10, $0x1;
	s10 =	sld [smem:$0x3FB9];
	_ =	sdelay $0x3  }
0x37: {  	[smem:$0x3FB9] =	sst s10  }
0x38: {  	s10 =	sld [smem:$0x3FBA]  }
0x39: {  	_ = 	snop;
	(pc) =	sbr.ind lr, $3  }
0x3a: {  	_ = 	snop  }
0x3b: {  	_ = 	snop  }
0x3c: {  	p2 =	seq.s32 s10, $0x1;
	s10 =	sld [smem:$0x3FB9]  }
0x3d: {  	_ =	shalt  }
0x3e: {  	_ =	shalt  }
0x3f: {  	_ =	shalt  }
0x40: {  	_ =	shalt  }
0x41: {  	_ =	shalt  }
0x42: {  	_ =	shalt  }
0x43: {  	_ =	shalt  }
0x44: {  	_ =	shalt  }
0x45: {  	_ =	shalt  }
0x46: {  	_ =	shalt  }
0x47: {  	_ =	shalt  }
0x48: {  	_ =	shalt  }
0x49: {  	_ =	shalt  }
0x4a: {  	_ =	shalt  }
0x4b: {  	_ =	shalt  }
0x4c: {  	_ =	shalt  }
0x4d: {  	_ =	shalt  }
0x4e: {  	_ =	shalt  }
0x4f: {  	_ =	shalt  }
0x50: {  	_ =	shalt  }
0x51: {  	_ =	shalt  }
0x52: {  	_ =	shalt  }
0x53: {  	_ =	shalt  }
0x54: {  	_ =	shalt  }
0x55: {  	_ =	shalt  }
0x56: {  	_ =	shalt  }
0x57: {  	_ =	shalt  }
0x58: {  	_ =	shalt  }
0x59: {  	_ =	shalt  }
0x5a: {  	_ =	shalt  }
0x5b: {  	_ =	shalt  }
0x5c: {  	_ =	shalt  }
0x5d: {  	_ =	shalt  }
0x5e: {  	_ =	shalt  }
0x5f: {  	_ =	shalt  }
0x60: {  	_ =	shalt  }
0x61: {  	_ =	shalt  }
0x62: {  	_ =	shalt  }
0x63: {  	_ =	shalt  }
0x64: {  	_ =	shalt  }
0x65: {  	_ =	shalt  }
0x66: {  	_ =	shalt  }
0x67: {  	_ =	shalt  }
0x68: {  	_ =	shalt  }
0x69: {  	_ =	shalt  }
0x6a: {  	_ =	shalt  }
0x6b: {  	_ =	shalt  }
0x6c: {  	_ =	shalt  }
0x6d: {  	_ =	shalt  }
0x6e: {  	_ =	shalt  }
0x6f: {  	_ =	shalt  }
0x70: {  	_ =	shalt  }
0x71: {  	_ =	shalt  }
0x72: {  	_ =	shalt  }
0x73: {  	_ =	shalt  }
0x74: {  	_ =	shalt  }
0x75: {  	_ =	shalt  }
0x76: {  	_ =	shalt  }
0x77: {  	_ =	shalt  }
0x78: {  	_ =	shalt  }
0x79: {  	_ =	shalt  }
0x7a: {  	_ =	shalt  }
0x7b: {  	_ =	shalt  }
0x7c: {  	_ =	shalt  }
0x7d: {  	_ =	shalt  }
0x7e: {  	_ =	shalt  }
0x7f: {  	_ =	shalt  }
0x80: {  	_ =	shalt  }
0x81: {  	_ =	shalt  }
0x82: {  	_ =	shalt  }
0x83: {  	_ =	shalt  }
0x84: {  	_ =	shalt  }
0x85: {  	_ =	shalt  }
0x86: {  	_ =	shalt  }
0x87: {  	_ =	shalt  }
.Lfunc_end0:
.L_simem_size_0:
called_computation.1_lowered:
.L_overlay_start_0:
0x88: {  	s2 =	sld [smem:$0x3FD9]  }
0x89: {  	s3 =	sld [smem:$0x3FFE];
	_ =	sdelay $0x1  }
0x8a: {  	s1 =	srdreg.scid  }
0x8b: {  	s0 =	sand.u32 $0x1, s1  }
0x8c: {  	s17 =	sshll.u32 s0, $0xA;
	s2 =	sadd.s32 s3, s2  }
0x8d: {  	s2 =	sadd.s32 s2, s17  }
0x8e: {  	[smem:$0x3FC5] =	sst s2  }
0x8f: {  	_ = 	snop  }
0x90: {  	s2 =	sld [smem:$0x3FD0];
	(tm) =	ssettm $0x1  }
0x91: {  	s18 =	sld [smem:$0x3FFB];
	_ =	sdelay $0x3  }
0x92: {  	_ =	strace s18  }
0x93: {  	s3 =	sld [smem:$0x3FFC];
	_ =	sdelay $0x3  }
0x94: {  	_ =	strace s3  }
0x95: {  	s3 =	sld [smem:$0x3FFD];
	_ =	sdelay $0x3  }
0x96: {  	_ =	strace s3  }
0x97: {  	_ =	strace $0x8FFFFFFF  }
0x98: {  	s19 =	sld [smem:$0x3FDB];
	_ =	sdelay $0x1  }
0x99: {  	s4 =	simm.s32 $_scs_section_size  }
0x9a: {  	s5 =	simm.s32 $_size__tile_overlayer_lowered;
	s6 =	simm.s32 $_tile_overlayer_lowered  }
0x9b: {  	s22 =	simm.s32 $0x1BFF;
	s21 =	sshll.u32 s6, $0x1;
	s3 =	sadd.s32 s4, s19  }
0x9c: {  	s7 =	simm.s32 $0x0;
	s20 =	sshll.u32 s5, $0x1;
	s5 =	sadd.s32 s21, s3  }
0x9d: {  	[timem:s7], [sflag:s22] =	dma.local [hbm:s5], s20  }
0x9e: {  	_ =	swait.ge [sflag:s22], s20  }
0x9f: {  	s4 =	ssub.s32 $0x0, s20;
	[sflag:s22] =	ssyncset.done $0x0  }
0xa0: {  	[sflag:s22] =	ssyncadd.s32 s4;
	_ =	sdelay $0x1  }
0xa1: {  	s23 =	simm.s32 $0x1B8B  }
0xa2: {  	_ =	swait.ge [sflag:s23], $0x1  }
0xa3: {  	[sflag:s23] =	ssyncset.done $0x0  }
0xa4: {  	s25 =	simm.s32 $0x1B8E;
	s24 =	sld [smem:$0x3FFE];
	[sflag:s23] =	ssyncadd.s32 $0xFFFFFFFF  }
0xa5: {  	s26 =	simm.s32 $execute0_lowered;
	[smem:$0x3FD2] =	sst s25  }
0xa6: {  	s5 =	sshll.u32 s26, $0x1;
	_ =	strace $0x80000046;
	[dreg:$0x1] =	wrdreg $0xFFFFFFFF  }
0xa7: {  	s28 =	simm.s32 $_size_execute0_lowered;
	s3 =	sadd.s32 s3, s5;
	[dreg:$0x0] =	wrdreg $0x0  }
0xa8: {  	s5 =	sshll.u32 s28, $0x1;
	[dreg:$0x2] =	wrdreg s3  }
0xa9: {  	[dreg:$0x3] =	wrdreg s5  }
0xaa: {  	[dreg:$0x4] =	wrdreg $0xC0  }
0xab: {  	_ =	task [dreg:s7], $0x5FFFF  }
0xac: {  	[dreg:$0x1] =	wrdreg $0xFFFFFFFF  }
0xad: {  	[dreg:$0x0] =	wrdreg $0x60  }
0xae: {  	[dreg:$0x2] =	wrdreg s24  }
0xaf: {  	[dreg:$0x3] =	wrdreg s2  }
0xb0: {  	[dreg:$0x4] =	wrdreg $0x9  }
0xb1: {  	_ =	task.clear_ibuf [dreg:s7], $0x5FFFF;
	_ =	strace $0x90000046  }
0xb2: {  	s29 =	simm.s32 $0x9;
	_ =	strace $0x80000048  }
0xb3: {  	_ =	swait.ge [sflag:s29], $0x1  }
0xb4: {  	[sflag:s29] =	ssyncadd.s32 $0xFFFFFFFF  }
0xb5: {  	_ =	strace $0x90000048  }
0xb6: {  	_ =	sfence  }
0xb7: {  	s30 =	sld [smem:$0x0];
	_ =	sdelay $0x2  }
0xb8: {  	s31 =	sshll.u32 s1, $0xD;
	s1 =	sshrl.u32 s1, $0x2  }
0xb9: {  	s3 =	sand.u32 $0x4000, s31;
	s1 =	sadd.s32 s1, s30  }
0xba: {  	s0 =	sor.u32 s3, s0;
	s1 =	sshll.u32 s1, $0x11  }
0xbb: {  	s0 =	sor.u32 s1, s0  }
0xbc: {  	s0 =	sadd.s32 $0x8F2B, s0  }
0xbd: {  	[sflag:s0] =	ssyncadd.remote.s32 $0x1  }
0xbe: {  	_ =	sfence.sel $0xFFFF  }
0xbf: {  	[dreg:$0x0] =	wrdreg $0xFFFFFFFF;
	(pc) =	sbr.abs _section_cstart, $3  }
0xc0: {  	[dreg:$0x1] =	wrdreg $0xFFFFFFFF  }
0xc1: {  	_ =	task.clear_ibuf [dreg:s7], $0x2FFFF;
	_ =	strace $0x9FFFFFFF  }
0xc2: {  	(tm) =	ssettm $0x7FFFFFFF  }
0xc3: {  	_ =	shalt  }
tec
execute0_lowered:
.L_overlay_start_1:
0x0: {  	(tag) =	ssettag $0x1  }
0x1: {  	s0 =	srdreg.scid;
	s2 =	stileid.u32  }
0x2: {  	s0 =	sand.u32 $0x1, s0;
	s3 =	sshll.u32 s2, $0x1  }
0x3: {  	s1 =	rddreg [dreg:$0x0];
	s19 =	simm.s32 $0x80;
	s6 =	sor.u32 s0, s3  }
0x4: {  	s28 =	simm.s32 $0x2;
	s3 =	simm.s32 $0x0;
	s4 =	smul.u32 $0x6400, s6  }
0x5: {  	s0 =	ssub.s32 $0x2, s0;
	[smem:$0x7FF] =	sst s3;
	s8 =	smul.u32 $0x32000, s6  }
0x6: {  	s2 =	rddreg [dreg:$0x1];
	s9 =	sshrl.u32 s0, $0x1;
	_ =	strace $0x80000047  }
0x7: {  	s0 =	ssub.s32 s0, s9;
	s5 =	sshrl.u32 s4, $0x3;
	s8 =	sadd.s32 s2, s8  }
0x8: {  	s0 =	smax.u32 s0, $0x1;
	s7 =	sadd.s32 s5, s1;
	[dreg:$0x4] =	wrdreg s8  }
0x9: {  	s5 =	sadd.s32 $0x1A400, s1;
	s1 =	sadd.s32 $0x800, s1;
	[dreg:$0xd] =	wrdreg s0  }
0xa: {  	s6 =	smul.u32 $0x190000, s6;
	s21 =	sadd.s32 $0x400, s8;
	[dreg:$0x3] =	wrdreg s1  }
0xb: {  	s29 =	simm.s32 $0x5;
	s23 =	sadd.s32 $0x800, s8;
	[dreg:$0x6] =	wrdreg s21  }
0xc: {  	s22 =	sshrl.u32 s6, $0x3;
	s24 =	sadd.s32 $0xC00, s8;
	[dreg:$0x7] =	wrdreg s23  }
0xd: {  	s20 =	sadd.s32 $0x1400, s7;
	[dreg:$0x8] =	wrdreg s24;
	s1 =	sadd.s32 s2, s22  }
0xe: {  	s31 =	simm.s32 $0x3;
	[dreg:$0x5] =	wrdreg s20;
	s25 =	sadd.s32 $0x31000, s1  }
0xf: {  	s18 =	simm.s32 $0x4;
	s26 =	sadd.s32 $0x31400, s1;
	[dreg:$0x9] =	wrdreg s25  }
0x10: {  	s6 =	simm.s32 $0x0;
	s30 =	sadd.s32 $0x31800, s1;
	[dreg:$0xa] =	wrdreg s26  }
0x11: {  	s21 =	simm.s32 $0xF600;
	s1 =	sadd.s32 $0x31C00, s1;
	[dreg:$0xb] =	wrdreg s30  }
0x12: {  	s24 =	simm.s32 $0x11600;
	s22 =	simm.s32 $0x7;
	[dreg:$0xc] =	wrdreg s1  }
0x13: {  	s26 =	simm.s32 $0xD600;
	s1 =	simm.s32 $0x6;
	s25 =	simm.s32 $0x8  }
.LBB2_1:
0x14: {  	[dreg:$0xe] =	wrdreg s6  }
0x15: {  	s0 =	rddreg [dreg:$0x5];
	s16 =	simm.s32 $0x9  }
0x16: {  	[tilespmem:s3], [sflag:$0x9] =	stream.linear.gather [hbm4b:s0+s3], $0x6400, $0x38;
	[tilespmem:$0x13600] =	vst v63  }
0x17: {  	_ =	swait.ge [sflag:s16], $0x6400  }
0x18: {  	[sflag:s16] =	ssyncset.done $0x0  }
0x19: {  	s7 =	simm.s32 $0x6400;
	s17 =	rddreg [dreg:$0x3];
	[sflag:s16] =	ssyncadd.s32 $0xFFFF9C00  }
0x1a: {  	[tilespmem:s7], [sflag:$0x9] =	stream.linear.gather [hbm4b:s17+s3], $0x5200, $0x38;
	[tilespmem:$0x13600] =	vst v63  }
0x1b: {  	_ =	swait.ge [sflag:s16], $0x5200  }
0x1c: {  	[sflag:s16] =	ssyncset.done $0x0  }
0x1d: {  	s20 =	simm.s32 $0xB600;
	[sflag:s16] =	ssyncadd.s32 $0xFFFFAE00  }
0x1e: {  	[tilespmem:s20], [sflag:$0x1] =	stream.indirect.gather [hbm4b:s5+s19], $0x40, s3, s19, $0xb8;
	[tilespmem:$0x13600] =	vst v63  }
0x1f: {  	_ = 	snop  }
0x20: {  	[tilespmem:s26], [sflag:$0x2] =	stream.indirect.gather [hbm4b:s5+s19], $0x40, s19, s19, $0xb8;
	[tilespmem:$0x13600] =	vst v63  }
0x21: {  	s23 =	simm.s32 $0x100;
	s30 =	simm.s32 $0x1  }
0x22: {  	[tilespmem:s21], [sflag:$0x3] =	stream.indirect.gather [hbm4b:s5+s19], $0x40, s23, s19, $0xb8;
	[tilespmem:$0x13600] =	vst v63  }
0x23: {  	_ =	swait.ge [sflag:s30], $0x2000  }
0x24: {  	[sflag:s30] =	ssyncset.done $0x0  }
0x25: {  	s0 =	simm.s32 $0xB640;
	[sflag:s30] =	ssyncadd.s32 $0xFFFFE000  }
0x26: {  	s6 =	simm.s32 $0x6440;
	v0 =	vld [tilespmem:s0+$0xFFFFFFC0]  }
0x27: {  	v1 =	vld [tilespmem:s6+$0xFFFFFFC0];
	_ =	sdelay $0x4  }
0x28: {  	v0 =	vadd.f32 v1, v0;
	_ =	sdelay $0x1  }
0x29: {  	[tilespmem:s0+$0xFFFFFFC0] =	vst v0;
	v0 =	vld [tilespmem:s0+$0xFFFFFFD0]  }
0x2a: {  	v1 =	vld [tilespmem:s6+$0xFFFFFFD0];
	_ =	sdelay $0x4  }
0x2b: {  	v0 =	vadd.f32 v1, v0;
	_ =	sdelay $0x1  }
0x2c: {  	[tilespmem:s0+$0xFFFFFFD0] =	vst v0;
	v0 =	vld [tilespmem:s0+$0xFFFFFFE0]  }
0x2d: {  	v1 =	vld [tilespmem:s6+$0xFFFFFFE0];
	_ =	sdelay $0x4  }
0x2e: {  	v0 =	vadd.f32 v1, v0;
	_ =	sdelay $0x1  }
0x2f: {  	[tilespmem:s0+$0xFFFFFFE0] =	vst v0;
	v0 =	vld [tilespmem:s0+$0xFFFFFFF0]  }
0x30: {  	v1 =	vld [tilespmem:s6+$0xFFFFFFF0];
	_ =	sdelay $0x4  }
0x31: {  	v0 =	vadd.f32 v1, v0;
	_ =	sdelay $0x1  }
0x32: {  	[tilespmem:s0+$0xFFFFFFF0] =	vst v0;
	v0 =	vld [tilespmem:s0+$0x0]  }
0x33: {  	v1 =	vld [tilespmem:s6+$0x0];
	_ =	sdelay $0x4  }
0x34: {  	v0 =	vadd.f32 v1, v0;
	_ =	sdelay $0x1  }
0x35: {  	[tilespmem:s0+$0x0] =	vst v0;
	v0 =	vld [tilespmem:s0+$0x10]  }
0x36: {  	v1 =	vld [tilespmem:s6+$0x10];
	_ =	sdelay $0x4  }
0x37: {  	v0 =	vadd.f32 v1, v0;
	_ =	sdelay $0x1  }
0x38: {  	[tilespmem:s0+$0x10] =	vst v0;
	v0 =	vld [tilespmem:s0+$0x20]  }
0x39: {  	v1 =	vld [tilespmem:s6+$0x20];
	_ =	sdelay $0x4  }
0x3a: {  	v0 =	vadd.f32 v1, v0;
	_ =	sdelay $0x1  }
0x3b: {  	[tilespmem:s0+$0x20] =	vst v0;
	v0 =	vld [tilespmem:s0+$0x30]  }
0x3c: {  	v1 =	vld [tilespmem:s6+$0x30];
	_ =	sdelay $0x4  }
0x3d: {  	v0 =	vadd.f32 v1, v0  }
0x3e: {  	s8 =	simm.s32 $0xB6C0;
	s7 =	simm.s32 $0x0  }
.LBB2_2:
0x3f: {  	v1 =	vld [tilespmem:s8+$0xFFFFFFC0];
	[tilespmem:s0+$0x30] =	vst v0;
	s6 =	sadd.s32 $0x80, s6;
	s0 =	smov.u32 s8  }
0x40: {  	s7 =	sadd.s32 $0x2, s7;
	v0 =	vld [tilespmem:s6+$0xFFFFFFC0]  }
0x41: {  	p0 =	slt.u32 s7, $0x7E;
	_ =	sdelay $0x3  }
0x42: {  	v0 =	vadd.f32 v0, v1;
	_ =	sdelay $0x1  }
0x43: {  	[tilespmem:s8+$0xFFFFFFC0] =	vst v0;
	v0 =	vld [tilespmem:s8+$0xFFFFFFD0]  }
0x44: {  	v1 =	vld [tilespmem:s6+$0xFFFFFFD0];
	_ =	sdelay $0x4  }
0x45: {  	v0 =	vadd.f32 v1, v0;
	_ =	sdelay $0x1  }
0x46: {  	[tilespmem:s8+$0xFFFFFFD0] =	vst v0;
	v0 =	vld [tilespmem:s8+$0xFFFFFFE0]  }
0x47: {  	v1 =	vld [tilespmem:s6+$0xFFFFFFE0];
	_ =	sdelay $0x4  }
0x48: {  	v0 =	vadd.f32 v1, v0;
	_ =	sdelay $0x1  }
0x49: {  	[tilespmem:s8+$0xFFFFFFE0] =	vst v0;
	v0 =	vld [tilespmem:s8+$0xFFFFFFF0]  }
0x4a: {  	v1 =	vld [tilespmem:s6+$0xFFFFFFF0];
	_ =	sdelay $0x4  }
0x4b: {  	v0 =	vadd.f32 v1, v0;
	_ =	sdelay $0x1  }
0x4c: {  	[tilespmem:s8+$0xFFFFFFF0] =	vst v0;
	v0 =	vld [tilespmem:s8+$0x0]  }
0x4d: {  	v1 =	vld [tilespmem:s6+$0x0];
	_ =	sdelay $0x4  }
0x4e: {  	v0 =	vadd.f32 v1, v0;
	_ =	sdelay $0x1  }
0x4f: {  	[tilespmem:s8+$0x0] =	vst v0;
	v0 =	vld [tilespmem:s8+$0x10]  }
0x50: {  	v1 =	vld [tilespmem:s6+$0x10];
	_ =	sdelay $0x4  }
0x51: {  	v0 =	vadd.f32 v1, v0;
	_ =	sdelay $0x1  }
0x52: {  	[tilespmem:s8+$0x10] =	vst v0;
	v0 =	vld [tilespmem:s8+$0x20]  }
0x53: {  	v1 =	vld [tilespmem:s6+$0x20];
	_ =	sdelay $0x4  }
0x54: {  	v0 =	vadd.f32 v1, v0;
	_ =	sdelay $0x1  }
0x55: {  	[tilespmem:s8+$0x20] =	vst v0;
	v0 =	vld [tilespmem:s8+$0x30]  }
0x56: {  	v1 =	vld [tilespmem:s6+$0x30];
	_ =	sdelay $0x1  }
.Ltmp0:
0x57: {  	(pc) =	sbr.rel @p0 .LBB2_2-.Ltmp0, $3  }
0x58: {  	_ =	sdelay $0x1  }
0x59: {  	v0 =	vadd.f32 v1, v0  }
0x5a: {  	s8 =	sadd.s32 $0x80, s8  }
0x5b: {  	[tilespmem:s0+$0x30] =	vst v0;
	s23 =	rddreg [dreg:$0x4];
	s6 =	simm.s32 $0xB600  }
0x5c: {  	[hbm4b:s23+s3] =	stream.linear.scatter [tilespmem:s6], [sflag:$0x5], $0x2000, $0x38;
	[tilespmem:$0x13600] =	vst v63  }
0x5d: {  	s30 =	simm.s32 $0x180  }
0x5e: {  	[tilespmem:s24], [sflag:$0x4] =	stream.indirect.gather [hbm4b:s5+s19], $0x40, s30, s19, $0xb8;
	[tilespmem:$0x13600] =	vst v63  }
0x5f: {  	_ =	swait.ge [sflag:s28], $0x2000  }
0x60: {  	[sflag:s28] =	ssyncset.done $0x0  }
0x61: {  	s0 =	simm.s32 $0xD640;
	[sflag:s28] =	ssyncadd.s32 $0xFFFFE000  }
0x62: {  	s6 =	simm.s32 $0x8470;
	v0 =	vld [tilespmem:s0+$0xFFFFFFC0]  }
0x63: {  	v1 =	vld [tilespmem:s6+$0xFFFFFF90];
	_ =	sdelay $0x4  }
0x64: {  	v0 =	vadd.f32 v1, v0;
	_ =	sdelay $0x1  }
0x65: {  	[tilespmem:s0+$0xFFFFFFC0] =	vst v0;
	v0 =	vld [tilespmem:s0+$0xFFFFFFD0]  }
0x66: {  	v1 =	vld [tilespmem:s6+$0xFFFFFFA0];
	_ =	sdelay $0x4  }
0x67: {  	v0 =	vadd.f32 v1, v0;
	_ =	sdelay $0x1  }
0x68: {  	[tilespmem:s0+$0xFFFFFFD0] =	vst v0;
	v0 =	vld [tilespmem:s0+$0xFFFFFFE0]  }
0x69: {  	v1 =	vld [tilespmem:s6+$0xFFFFFFB0];
	_ =	sdelay $0x4  }
0x6a: {  	v0 =	vadd.f32 v1, v0;
	_ =	sdelay $0x1  }
0x6b: {  	[tilespmem:s0+$0xFFFFFFE0] =	vst v0;
	v0 =	vld [tilespmem:s0+$0xFFFFFFF0]  }
0x6c: {  	v1 =	vld [tilespmem:s6+$0xFFFFFFC0];
	_ =	sdelay $0x4  }
0x6d: {  	v0 =	vadd.f32 v1, v0;
	_ =	sdelay $0x1  }
0x6e: {  	[tilespmem:s0+$0xFFFFFFF0] =	vst v0;
	v0 =	vld [tilespmem:s0+$0x0]  }
0x6f: {  	v1 =	vld [tilespmem:s6+$0xFFFFFFD0];
	_ =	sdelay $0x4  }
0x70: {  	v0 =	vadd.f32 v1, v0;
	_ =	sdelay $0x1  }
0x71: {  	[tilespmem:s0+$0x0] =	vst v0;
	v0 =	vld [tilespmem:s0+$0x10]  }
0x72: {  	v1 =	vld [tilespmem:s6+$0xFFFFFFE0];
	_ =	sdelay $0x4  }
0x73: {  	v0 =	vadd.f32 v1, v0;
	_ =	sdelay $0x1  }
0x74: {  	[tilespmem:s0+$0x10] =	vst v0;
	v0 =	vld [tilespmem:s0+$0x20]  }
0x75: {  	v1 =	vld [tilespmem:s6+$0xFFFFFFF0];
	_ =	sdelay $0x4  }
0x76: {  	v0 =	vadd.f32 v1, v0;
	_ =	sdelay $0x1  }
0x77: {  	[tilespmem:s0+$0x20] =	vst v0;
	v0 =	vld [tilespmem:s0+$0x30]  }
0x78: {  	v1 =	vld [tilespmem:s6+$0x0];
	_ =	sdelay $0x4  }
0x79: {  	v0 =	vadd.f32 v1, v0  }
0x7a: {  	s7 =	simm.s32 $0x0;
	s8 =	simm.s32 $0xD6C0  }
.LBB2_4:
0x7b: {  	v1 =	vld [tilespmem:s8+$0xFFFFFFC0];
	[tilespmem:s0+$0x30] =	vst v0;
	s6 =	sadd.s32 $0x80, s6;
	s0 =	smov.u32 s8  }
0x7c: {  	s7 =	sadd.s32 $0x2, s7;
	v0 =	vld [tilespmem:s6+$0xFFFFFF90]  }
0x7d: {  	p0 =	slt.u32 s7, $0x7E;
	_ =	sdelay $0x3  }
0x7e: {  	v0 =	vadd.f32 v0, v1;
	_ =	sdelay $0x1  }
0x7f: {  	[tilespmem:s8+$0xFFFFFFC0] =	vst v0;
	v0 =	vld [tilespmem:s8+$0xFFFFFFD0]  }
0x80: {  	v1 =	vld [tilespmem:s6+$0xFFFFFFA0];
	_ =	sdelay $0x4  }
0x81: {  	v0 =	vadd.f32 v1, v0;
	_ =	sdelay $0x1  }
0x82: {  	[tilespmem:s8+$0xFFFFFFD0] =	vst v0;
	v0 =	vld [tilespmem:s8+$0xFFFFFFE0]  }
0x83: {  	v1 =	vld [tilespmem:s6+$0xFFFFFFB0];
	_ =	sdelay $0x4  }
0x84: {  	v0 =	vadd.f32 v1, v0;
	_ =	sdelay $0x1  }
0x85: {  	[tilespmem:s8+$0xFFFFFFE0] =	vst v0;
	v0 =	vld [tilespmem:s8+$0xFFFFFFF0]  }
0x86: {  	v1 =	vld [tilespmem:s6+$0xFFFFFFC0];
	_ =	sdelay $0x4  }
0x87: {  	v0 =	vadd.f32 v1, v0;
	_ =	sdelay $0x1  }
0x88: {  	[tilespmem:s8+$0xFFFFFFF0] =	vst v0;
	v0 =	vld [tilespmem:s8+$0x0]  }
0x89: {  	v1 =	vld [tilespmem:s6+$0xFFFFFFD0];
	_ =	sdelay $0x4  }
0x8a: {  	v0 =	vadd.f32 v1, v0;
	_ =	sdelay $0x1  }
0x8b: {  	[tilespmem:s8+$0x0] =	vst v0;
	v0 =	vld [tilespmem:s8+$0x10]  }
0x8c: {  	v1 =	vld [tilespmem:s6+$0xFFFFFFE0];
	_ =	sdelay $0x4  }
0x8d: {  	v0 =	vadd.f32 v1, v0;
	_ =	sdelay $0x1  }
0x8e: {  	[tilespmem:s8+$0x10] =	vst v0;
	v0 =	vld [tilespmem:s8+$0x20]  }
0x8f: {  	v1 =	vld [tilespmem:s6+$0xFFFFFFF0];
	_ =	sdelay $0x4  }
0x90: {  	v0 =	vadd.f32 v1, v0;
	_ =	sdelay $0x1  }
0x91: {  	[tilespmem:s8+$0x20] =	vst v0;
	v0 =	vld [tilespmem:s8+$0x30]  }
0x92: {  	v1 =	vld [tilespmem:s6+$0x0];
	_ =	sdelay $0x1  }
.Ltmp1:
0x93: {  	(pc) =	sbr.rel @p0 .LBB2_4-.Ltmp1, $3  }
0x94: {  	_ =	sdelay $0x1  }
0x95: {  	v0 =	vadd.f32 v1, v0  }
0x96: {  	s8 =	sadd.s32 $0x80, s8  }
0x97: {  	[tilespmem:s0+$0x30] =	vst v0;
	s23 =	rddreg [dreg:$0x6]  }
0x98: {  	[hbm4b:s23+s3] =	stream.linear.scatter [tilespmem:s26], [sflag:$0x6], $0x2000, $0x38;
	[tilespmem:$0x13600] =	vst v63  }
0x99: {  	_ =	swait.ge [sflag:s29], $0x2000  }
0x9a: {  	[sflag:s29] =	ssyncset.done $0x0  }
0x9b: {  	s30 =	simm.s32 $0xB600;
	s6 =	simm.s32 $0x200;
	[sflag:s29] =	ssyncadd.s32 $0xFFFFE000  }
0x9c: {  	[tilespmem:s30], [sflag:$0x1] =	stream.indirect.gather [hbm4b:s5+s19], $0x40, s6, s19, $0xb8;
	[tilespmem:$0x13600] =	vst v63  }
0x9d: {  	_ =	swait.ge [sflag:s31], $0x2000  }
0x9e: {  	[sflag:s31] =	ssyncset.done $0x0  }
0x9f: {  	s0 =	simm.s32 $0xF640;
	[sflag:s31] =	ssyncadd.s32 $0xFFFFE000  }
0xa0: {  	s6 =	simm.s32 $0x7270;
	v0 =	vld [tilespmem:s0+$0xFFFFFFC0]  }
0xa1: {  	v1 =	vld [tilespmem:s6+$0xFFFFFF90];
	_ =	sdelay $0x4  }
0xa2: {  	v0 =	vadd.f32 v1, v0;
	_ =	sdelay $0x1  }
0xa3: {  	[tilespmem:s0+$0xFFFFFFC0] =	vst v0;
	v0 =	vld [tilespmem:s0+$0xFFFFFFD0]  }
0xa4: {  	v1 =	vld [tilespmem:s6+$0xFFFFFFA0];
	_ =	sdelay $0x4  }
0xa5: {  	v0 =	vadd.f32 v1, v0;
	_ =	sdelay $0x1  }
0xa6: {  	[tilespmem:s0+$0xFFFFFFD0] =	vst v0;
	v0 =	vld [tilespmem:s0+$0xFFFFFFE0]  }
0xa7: {  	v1 =	vld [tilespmem:s6+$0xFFFFFFB0];
	_ =	sdelay $0x4  }
0xa8: {  	v0 =	vadd.f32 v1, v0;
	_ =	sdelay $0x1  }
0xa9: {  	[tilespmem:s0+$0xFFFFFFE0] =	vst v0;
	v0 =	vld [tilespmem:s0+$0xFFFFFFF0]  }
0xaa: {  	v1 =	vld [tilespmem:s6+$0xFFFFFFC0];
	_ =	sdelay $0x4  }
0xab: {  	v0 =	vadd.f32 v1, v0;
	_ =	sdelay $0x1  }
0xac: {  	[tilespmem:s0+$0xFFFFFFF0] =	vst v0;
	v0 =	vld [tilespmem:s0+$0x0]  }
0xad: {  	v1 =	vld [tilespmem:s6+$0xFFFFFFD0];
	_ =	sdelay $0x4  }
0xae: {  	v0 =	vadd.f32 v1, v0;
	_ =	sdelay $0x1  }
0xaf: {  	[tilespmem:s0+$0x0] =	vst v0;
	v0 =	vld [tilespmem:s0+$0x10]  }
0xb0: {  	v1 =	vld [tilespmem:s6+$0xFFFFFFE0];
	_ =	sdelay $0x4  }
0xb1: {  	v0 =	vadd.f32 v1, v0;
	_ =	sdelay $0x1  }
0xb2: {  	[tilespmem:s0+$0x10] =	vst v0;
	v0 =	vld [tilespmem:s0+$0x20]  }
0xb3: {  	v1 =	vld [tilespmem:s6+$0xFFFFFFF0];
	_ =	sdelay $0x4  }
0xb4: {  	v0 =	vadd.f32 v1, v0;
	_ =	sdelay $0x1  }
0xb5: {  	[tilespmem:s0+$0x20] =	vst v0;
	v0 =	vld [tilespmem:s0+$0x30]  }
0xb6: {  	v1 =	vld [tilespmem:s6+$0x0];
	_ =	sdelay $0x4  }
0xb7: {  	v0 =	vadd.f32 v1, v0  }
0xb8: {  	s7 =	simm.s32 $0x0;
	s8 =	simm.s32 $0xF6C0  }
.LBB2_6:
0xb9: {  	v1 =	vld [tilespmem:s8+$0xFFFFFFC0];
	[tilespmem:s0+$0x30] =	vst v0;
	s6 =	sadd.s32 $0x80, s6;
	s0 =	smov.u32 s8  }
0xba: {  	s7 =	sadd.s32 $0x2, s7;
	v0 =	vld [tilespmem:s6+$0xFFFFFF90]  }
0xbb: {  	p0 =	slt.u32 s7, $0x7E;
	_ =	sdelay $0x3  }
0xbc: {  	v0 =	vadd.f32 v0, v1;
	_ =	sdelay $0x1  }
0xbd: {  	[tilespmem:s8+$0xFFFFFFC0] =	vst v0;
	v0 =	vld [tilespmem:s8+$0xFFFFFFD0]  }
0xbe: {  	v1 =	vld [tilespmem:s6+$0xFFFFFFA0];
	_ =	sdelay $0x4  }
0xbf: {  	v0 =	vadd.f32 v1, v0;
	_ =	sdelay $0x1  }
0xc0: {  	[tilespmem:s8+$0xFFFFFFD0] =	vst v0;
	v0 =	vld [tilespmem:s8+$0xFFFFFFE0]  }
0xc1: {  	v1 =	vld [tilespmem:s6+$0xFFFFFFB0];
	_ =	sdelay $0x4  }
0xc2: {  	v0 =	vadd.f32 v1, v0;
	_ =	sdelay $0x1  }
0xc3: {  	[tilespmem:s8+$0xFFFFFFE0] =	vst v0;
	v0 =	vld [tilespmem:s8+$0xFFFFFFF0]  }
0xc4: {  	v1 =	vld [tilespmem:s6+$0xFFFFFFC0];
	_ =	sdelay $0x4  }
0xc5: {  	v0 =	vadd.f32 v1, v0;
	_ =	sdelay $0x1  }
0xc6: {  	[tilespmem:s8+$0xFFFFFFF0] =	vst v0;
	v0 =	vld [tilespmem:s8+$0x0]  }
0xc7: {  	v1 =	vld [tilespmem:s6+$0xFFFFFFD0];
	_ =	sdelay $0x4  }
0xc8: {  	v0 =	vadd.f32 v1, v0;
	_ =	sdelay $0x1  }
0xc9: {  	[tilespmem:s8+$0x0] =	vst v0;
	v0 =	vld [tilespmem:s8+$0x10]  }
0xca: {  	v1 =	vld [tilespmem:s6+$0xFFFFFFE0];
	_ =	sdelay $0x4  }
0xcb: {  	v0 =	vadd.f32 v1, v0;
	_ =	sdelay $0x1  }
0xcc: {  	[tilespmem:s8+$0x10] =	vst v0;
	v0 =	vld [tilespmem:s8+$0x20]  }
0xcd: {  	v1 =	vld [tilespmem:s6+$0xFFFFFFF0];
	_ =	sdelay $0x4  }
0xce: {  	v0 =	vadd.f32 v1, v0;
	_ =	sdelay $0x1  }
0xcf: {  	[tilespmem:s8+$0x20] =	vst v0;
	v0 =	vld [tilespmem:s8+$0x30]  }
0xd0: {  	v1 =	vld [tilespmem:s6+$0x0];
	_ =	sdelay $0x1  }
.Ltmp2:
0xd1: {  	(pc) =	sbr.rel @p0 .LBB2_6-.Ltmp2, $3  }
0xd2: {  	_ =	sdelay $0x1  }
0xd3: {  	v0 =	vadd.f32 v1, v0  }
0xd4: {  	s8 =	sadd.s32 $0x80, s8  }
0xd5: {  	[tilespmem:s0+$0x30] =	vst v0;
	s23 =	rddreg [dreg:$0x7]  }
0xd6: {  	[hbm4b:s23+s3] =	stream.linear.scatter [tilespmem:s21], [sflag:$0x7], $0x2000, $0x38;
	[tilespmem:$0x13600] =	vst v63  }
0xd7: {  	_ =	swait.ge [sflag:s1], $0x2000  }
0xd8: {  	[sflag:s1] =	ssyncset.done $0x0  }
0xd9: {  	s30 =	simm.s32 $0x280;
	[sflag:s1] =	ssyncadd.s32 $0xFFFFE000  }
0xda: {  	[tilespmem:s26], [sflag:$0x2] =	stream.indirect.gather [hbm4b:s5+s19], $0x40, s30, s19, $0xb8;
	[tilespmem:$0x13600] =	vst v63  }
0xdb: {  	_ =	swait.ge [sflag:s18], $0x2000  }
0xdc: {  	[sflag:s18] =	ssyncset.done $0x0  }
0xdd: {  	s0 =	simm.s32 $0x11640;
	[sflag:s18] =	ssyncadd.s32 $0xFFFFE000  }
0xde: {  	s6 =	simm.s32 $0x9270;
	v0 =	vld [tilespmem:s0+$0xFFFFFFC0]  }
0xdf: {  	v1 =	vld [tilespmem:s6+$0xFFFFFF90];
	_ =	sdelay $0x4  }
0xe0: {  	v0 =	vadd.f32 v1, v0;
	_ =	sdelay $0x1  }
0xe1: {  	[tilespmem:s0+$0xFFFFFFC0] =	vst v0;
	v0 =	vld [tilespmem:s0+$0xFFFFFFD0]  }
0xe2: {  	v1 =	vld [tilespmem:s6+$0xFFFFFFA0];
	_ =	sdelay $0x4  }
0xe3: {  	v0 =	vadd.f32 v1, v0;
	_ =	sdelay $0x1  }
0xe4: {  	[tilespmem:s0+$0xFFFFFFD0] =	vst v0;
	v0 =	vld [tilespmem:s0+$0xFFFFFFE0]  }
0xe5: {  	v1 =	vld [tilespmem:s6+$0xFFFFFFB0];
	_ =	sdelay $0x4  }
0xe6: {  	v0 =	vadd.f32 v1, v0;
	_ =	sdelay $0x1  }
0xe7: {  	[tilespmem:s0+$0xFFFFFFE0] =	vst v0;
	v0 =	vld [tilespmem:s0+$0xFFFFFFF0]  }
0xe8: {  	v1 =	vld [tilespmem:s6+$0xFFFFFFC0];
	_ =	sdelay $0x4  }
0xe9: {  	v0 =	vadd.f32 v1, v0;
	_ =	sdelay $0x1  }
0xea: {  	[tilespmem:s0+$0xFFFFFFF0] =	vst v0;
	v0 =	vld [tilespmem:s0+$0x0]  }
0xeb: {  	v1 =	vld [tilespmem:s6+$0xFFFFFFD0];
	_ =	sdelay $0x4  }
0xec: {  	v0 =	vadd.f32 v1, v0;
	_ =	sdelay $0x1  }
0xed: {  	[tilespmem:s0+$0x0] =	vst v0;
	v0 =	vld [tilespmem:s0+$0x10]  }
0xee: {  	v1 =	vld [tilespmem:s6+$0xFFFFFFE0];
	_ =	sdelay $0x4  }
0xef: {  	v0 =	vadd.f32 v1, v0;
	_ =	sdelay $0x1  }
0xf0: {  	[tilespmem:s0+$0x10] =	vst v0;
	v0 =	vld [tilespmem:s0+$0x20]  }
0xf1: {  	v1 =	vld [tilespmem:s6+$0xFFFFFFF0];
	_ =	sdelay $0x4  }
0xf2: {  	v0 =	vadd.f32 v1, v0;
	_ =	sdelay $0x1  }
0xf3: {  	[tilespmem:s0+$0x20] =	vst v0;
	v0 =	vld [tilespmem:s0+$0x30]  }
0xf4: {  	v1 =	vld [tilespmem:s6+$0x0];
	_ =	sdelay $0x4  }
0xf5: {  	v0 =	vadd.f32 v1, v0  }
0xf6: {  	s7 =	simm.s32 $0x0;
	s8 =	simm.s32 $0x116C0  }
.LBB2_8:
0xf7: {  	v1 =	vld [tilespmem:s8+$0xFFFFFFC0];
	[tilespmem:s0+$0x30] =	vst v0;
	s6 =	sadd.s32 $0x80, s6;
	s0 =	smov.u32 s8  }
0xf8: {  	s7 =	sadd.s32 $0x2, s7;
	v0 =	vld [tilespmem:s6+$0xFFFFFF90]  }
0xf9: {  	p0 =	slt.u32 s7, $0x7E;
	_ =	sdelay $0x3  }
0xfa: {  	v0 =	vadd.f32 v0, v1;
	_ =	sdelay $0x1  }
0xfb: {  	[tilespmem:s8+$0xFFFFFFC0] =	vst v0;
	v0 =	vld [tilespmem:s8+$0xFFFFFFD0]  }
0xfc: {  	v1 =	vld [tilespmem:s6+$0xFFFFFFA0];
	_ =	sdelay $0x4  }
0xfd: {  	v0 =	vadd.f32 v1, v0;
	_ =	sdelay $0x1  }
0xfe: {  	[tilespmem:s8+$0xFFFFFFD0] =	vst v0;
	v0 =	vld [tilespmem:s8+$0xFFFFFFE0]  }
0xff: {  	v1 =	vld [tilespmem:s6+$0xFFFFFFB0];
	_ =	sdelay $0x4  }
0x100: {  	v0 =	vadd.f32 v1, v0;
	_ =	sdelay $0x1  }
0x101: {  	[tilespmem:s8+$0xFFFFFFE0] =	vst v0;
	v0 =	vld [tilespmem:s8+$0xFFFFFFF0]  }
0x102: {  	v1 =	vld [tilespmem:s6+$0xFFFFFFC0];
	_ =	sdelay $0x4  }
0x103: {  	v0 =	vadd.f32 v1, v0;
	_ =	sdelay $0x1  }
0x104: {  	[tilespmem:s8+$0xFFFFFFF0] =	vst v0;
	v0 =	vld [tilespmem:s8+$0x0]  }
0x105: {  	v1 =	vld [tilespmem:s6+$0xFFFFFFD0];
	_ =	sdelay $0x4  }
0x106: {  	v0 =	vadd.f32 v1, v0;
	_ =	sdelay $0x1  }
0x107: {  	[tilespmem:s8+$0x0] =	vst v0;
	v0 =	vld [tilespmem:s8+$0x10]  }
0x108: {  	v1 =	vld [tilespmem:s6+$0xFFFFFFE0];
	_ =	sdelay $0x4  }
0x109: {  	v0 =	vadd.f32 v1, v0;
	_ =	sdelay $0x1  }
0x10a: {  	[tilespmem:s8+$0x10] =	vst v0;
	v0 =	vld [tilespmem:s8+$0x20]  }
0x10b: {  	v1 =	vld [tilespmem:s6+$0xFFFFFFF0];
	_ =	sdelay $0x4  }
0x10c: {  	v0 =	vadd.f32 v1, v0;
	_ =	sdelay $0x1  }
0x10d: {  	[tilespmem:s8+$0x20] =	vst v0;
	v0 =	vld [tilespmem:s8+$0x30]  }
0x10e: {  	v1 =	vld [tilespmem:s6+$0x0];
	_ =	sdelay $0x1  }
.Ltmp3:
0x10f: {  	(pc) =	sbr.rel @p0 .LBB2_8-.Ltmp3, $3  }
0x110: {  	_ =	sdelay $0x1  }
0x111: {  	v0 =	vadd.f32 v1, v0  }
0x112: {  	s8 =	sadd.s32 $0x80, s8  }
0x113: {  	s30 =	rddreg [dreg:$0x8]  }
0x114: {  	[tilespmem:s0+$0x30] =	vst v0;
	s0 =	simm.s32 $0x1;
	s6 =	simm.s32 $0xE470;
	s8 =	simm.s32 $0x200  }
0x115: {  	s9 =	simm.s32 $0x10470;
	s10 =	simm.s32 $0x280;
	s11 =	simm.s32 $0x12470  }
0x116: {  	s12 =	simm.s32 $0x300;
	s13 =	simm.s32 $0x14470;
	s14 =	simm.s32 $0x380  }
0x117: {  	[hbm4b:s30+s3] =	stream.linear.scatter [tilespmem:s24], [sflag:$0x8], $0x2000, $0x38;
	[tilespmem:$0x13600] =	vst v63  }
.LBB2_10:
0x118: {  	s7 =	smulhi.u32 $0x51EB851F, s8;
	_ =	swait.ge [sflag:s22], $0x2000  }
0x119: {  	s30 =	sshll.u32 s0, $0x9;
	s17 =	simm.s32 $0x1;
	[sflag:s22] =	ssyncset.done $0x0  }
0x11a: {  	s16 =	sor.u32 $0x100, s30;
	s7 =	sshrl.u32 s7, $0x6;
	[sflag:s22] =	ssyncadd.s32 $0xFFFFE000  }
0x11b: {  	[tilespmem:s21], [sflag:$0x3] =	stream.indirect.gather [hbm4b:s5+s19], $0x40, s16, s19, $0xb8;
	[tilespmem:$0x13600] =	vst v63  }
0x11c: {  	s7 =	smul.u32 $0xFFFF3800, s7;
	_ =	swait.ge [sflag:s17], $0x2000  }
0x11d: {  	[sflag:s17] =	ssyncset.done $0x0  }
0x11e: {  	s15 =	sshra.s32 s7, $0x2;
	s7 =	simm.s32 $0xB640;
	[sflag:s17] =	ssyncadd.s32 $0xFFFFE000  }
0x11f: {  	s21 =	sadd.s32 s15, s6;
	v0 =	vld [tilespmem:s7+$0xFFFFFFC0]  }
0x120: {  	v1 =	vld [tilespmem:s21+$0xFFFFFF90];
	_ =	sdelay $0x4  }
0x121: {  	v0 =	vadd.f32 v1, v0;
	_ =	sdelay $0x1  }
0x122: {  	[tilespmem:s7+$0xFFFFFFC0] =	vst v0;
	v0 =	vld [tilespmem:s7+$0xFFFFFFD0]  }
0x123: {  	v1 =	vld [tilespmem:s21+$0xFFFFFFA0];
	_ =	sdelay $0x4  }
0x124: {  	v0 =	vadd.f32 v1, v0;
	_ =	sdelay $0x1  }
0x125: {  	[tilespmem:s7+$0xFFFFFFD0] =	vst v0;
	v0 =	vld [tilespmem:s7+$0xFFFFFFE0]  }
0x126: {  	v1 =	vld [tilespmem:s21+$0xFFFFFFB0];
	_ =	sdelay $0x4  }
0x127: {  	v0 =	vadd.f32 v1, v0;
	_ =	sdelay $0x1  }
0x128: {  	[tilespmem:s7+$0xFFFFFFE0] =	vst v0;
	v0 =	vld [tilespmem:s7+$0xFFFFFFF0]  }
0x129: {  	v1 =	vld [tilespmem:s21+$0xFFFFFFC0];
	_ =	sdelay $0x4  }
0x12a: {  	v0 =	vadd.f32 v1, v0;
	_ =	sdelay $0x1  }
0x12b: {  	[tilespmem:s7+$0xFFFFFFF0] =	vst v0;
	v0 =	vld [tilespmem:s7+$0x0]  }
0x12c: {  	v1 =	vld [tilespmem:s21+$0xFFFFFFD0];
	_ =	sdelay $0x4  }
0x12d: {  	v0 =	vadd.f32 v1, v0;
	_ =	sdelay $0x1  }
0x12e: {  	[tilespmem:s7+$0x0] =	vst v0;
	v0 =	vld [tilespmem:s7+$0x10]  }
0x12f: {  	v1 =	vld [tilespmem:s21+$0xFFFFFFE0];
	_ =	sdelay $0x4  }
0x130: {  	v0 =	vadd.f32 v1, v0;
	_ =	sdelay $0x1  }
0x131: {  	[tilespmem:s7+$0x10] =	vst v0;
	v0 =	vld [tilespmem:s7+$0x20]  }
0x132: {  	v1 =	vld [tilespmem:s21+$0xFFFFFFF0];
	_ =	sdelay $0x4  }
0x133: {  	v0 =	vadd.f32 v1, v0  }
0x134: {  	s20 =	smulhi.u32 $0x51EB851F, s10  }
0x135: {  	s23 =	smulhi.u32 $0x51EB851F, s14;
	[tilespmem:s7+$0x20] =	vst v0;
	v0 =	vld [tilespmem:s7+$0x30]  }
0x136: {  	s26 =	smulhi.u32 $0x51EB851F, s12;
	s20 =	sshrl.u32 s20, $0x6;
	v1 =	vld [tilespmem:s21+$0x0]  }
0x137: {  	s20 =	smul.u32 $0xFFFF3800, s20;
	s15 =	sshrl.u32 s23, $0x6  }
0x138: {  	s17 =	sshrl.u32 s26, $0x6;
	s15 =	smul.u32 $0xFFFF3800, s15  }
0x139: {  	s20 =	sshra.s32 s20, $0x2;
	s17 =	smul.u32 $0xFFFF3800, s17  }
0x13a: {  	s20 =	sadd.s32 s20, s9  }
0x13b: {  	s23 =	simm.s32 $0x0;
	s15 =	sshra.s32 s15, $0x2;
	s17 =	sshra.s32 s17, $0x2;
	v0 =	vadd.f32 v1, v0  }
0x13c: {  	s26 =	simm.s32 $0xB6C0;
	s15 =	sadd.s32 s15, s13;
	s17 =	sadd.s32 s17, s11  }
.LBB2_11:
0x13d: {  	v1 =	vld [tilespmem:s26+$0xFFFFFFC0];
	[tilespmem:s7+$0x30] =	vst v0;
	s21 =	sadd.s32 $0x80, s21;
	s7 =	smov.u32 s26  }
0x13e: {  	s23 =	sadd.s32 $0x2, s23;
	v0 =	vld [tilespmem:s21+$0xFFFFFF90]  }
0x13f: {  	p0 =	slt.u32 s23, $0x7E;
	_ =	sdelay $0x3  }
0x140: {  	v0 =	vadd.f32 v0, v1;
	_ =	sdelay $0x1  }
0x141: {  	[tilespmem:s26+$0xFFFFFFC0] =	vst v0;
	v0 =	vld [tilespmem:s26+$0xFFFFFFD0]  }
0x142: {  	v1 =	vld [tilespmem:s21+$0xFFFFFFA0];
	_ =	sdelay $0x4  }
0x143: {  	v0 =	vadd.f32 v1, v0;
	_ =	sdelay $0x1  }
0x144: {  	[tilespmem:s26+$0xFFFFFFD0] =	vst v0;
	v0 =	vld [tilespmem:s26+$0xFFFFFFE0]  }
0x145: {  	v1 =	vld [tilespmem:s21+$0xFFFFFFB0];
	_ =	sdelay $0x4  }
0x146: {  	v0 =	vadd.f32 v1, v0;
	_ =	sdelay $0x1  }
0x147: {  	[tilespmem:s26+$0xFFFFFFE0] =	vst v0;
	v0 =	vld [tilespmem:s26+$0xFFFFFFF0]  }
0x148: {  	v1 =	vld [tilespmem:s21+$0xFFFFFFC0];
	_ =	sdelay $0x4  }
0x149: {  	v0 =	vadd.f32 v1, v0;
	_ =	sdelay $0x1  }
0x14a: {  	[tilespmem:s26+$0xFFFFFFF0] =	vst v0;
	v0 =	vld [tilespmem:s26+$0x0]  }
0x14b: {  	v1 =	vld [tilespmem:s21+$0xFFFFFFD0];
	_ =	sdelay $0x4  }
0x14c: {  	v0 =	vadd.f32 v1, v0;
	_ =	sdelay $0x1  }
0x14d: {  	[tilespmem:s26+$0x0] =	vst v0;
	v0 =	vld [tilespmem:s26+$0x10]  }
0x14e: {  	v1 =	vld [tilespmem:s21+$0xFFFFFFE0];
	_ =	sdelay $0x4  }
0x14f: {  	v0 =	vadd.f32 v1, v0;
	_ =	sdelay $0x1  }
0x150: {  	[tilespmem:s26+$0x10] =	vst v0;
	v0 =	vld [tilespmem:s26+$0x20]  }
0x151: {  	v1 =	vld [tilespmem:s21+$0xFFFFFFF0];
	_ =	sdelay $0x4  }
0x152: {  	v0 =	vadd.f32 v1, v0;
	_ =	sdelay $0x1  }
0x153: {  	[tilespmem:s26+$0x20] =	vst v0;
	v0 =	vld [tilespmem:s26+$0x30]  }
0x154: {  	v1 =	vld [tilespmem:s21+$0x0];
	_ =	sdelay $0x1  }
.Ltmp4:
0x155: {  	(pc) =	sbr.rel @p0 .LBB2_11-.Ltmp4, $3  }
0x156: {  	_ =	sdelay $0x1  }
0x157: {  	v0 =	vadd.f32 v1, v0  }
0x158: {  	s26 =	sadd.s32 $0x80, s26  }
0x159: {  	s21 =	sadd.s32 s4, s30  }
0x15a: {  	s21 =	sshll.u32 s21, $0x3  }
0x15b: {  	s21 =	sand.u32 $0x1FFFF000, s21  }
0x15c: {  	[tilespmem:s7+$0x30] =	vst v0;
	s26 =	simm.s32 $0xB600;
	s23 =	sadd.s32 s2, s21  }
0x15d: {  	[hbm4b:s23+s3] =	stream.linear.scatter [tilespmem:s26], [sflag:$0x5], $0x2000, $0x38;
	[tilespmem:$0x13600] =	vst v63  }
0x15e: {  	_ =	swait.ge [sflag:s25], $0x2000  }
0x15f: {  	[sflag:s25] =	ssyncset.done $0x0  }
0x160: {  	s7 =	sor.u32 $0x180, s30;
	[sflag:s25] =	ssyncadd.s32 $0xFFFFE000  }
0x161: {  	[tilespmem:s24], [sflag:$0x4] =	stream.indirect.gather [hbm4b:s5+s19], $0x40, s7, s19, $0xb8;
	[tilespmem:$0x13600] =	vst v63  }
0x162: {  	_ =	swait.ge [sflag:s28], $0x2000  }
0x163: {  	[sflag:s28] =	ssyncset.done $0x0  }
0x164: {  	s21 =	simm.s32 $0xD640;
	[sflag:s28] =	ssyncadd.s32 $0xFFFFE000  }
0x165: {  	v0 =	vld [tilespmem:s21+$0xFFFFFFC0]  }
0x166: {  	v1 =	vld [tilespmem:s20+$0xFFFFFF90];
	_ =	sdelay $0x4  }
0x167: {  	v0 =	vadd.f32 v1, v0;
	_ =	sdelay $0x1  }
0x168: {  	[tilespmem:s21+$0xFFFFFFC0] =	vst v0;
	v0 =	vld [tilespmem:s21+$0xFFFFFFD0]  }
0x169: {  	v1 =	vld [tilespmem:s20+$0xFFFFFFA0];
	_ =	sdelay $0x4  }
0x16a: {  	v0 =	vadd.f32 v1, v0;
	_ =	sdelay $0x1  }
0x16b: {  	[tilespmem:s21+$0xFFFFFFD0] =	vst v0;
	v0 =	vld [tilespmem:s21+$0xFFFFFFE0]  }
0x16c: {  	v1 =	vld [tilespmem:s20+$0xFFFFFFB0];
	_ =	sdelay $0x4  }
0x16d: {  	v0 =	vadd.f32 v1, v0;
	_ =	sdelay $0x1  }
0x16e: {  	[tilespmem:s21+$0xFFFFFFE0] =	vst v0;
	v0 =	vld [tilespmem:s21+$0xFFFFFFF0]  }
0x16f: {  	v1 =	vld [tilespmem:s20+$0xFFFFFFC0];
	_ =	sdelay $0x4  }
0x170: {  	v0 =	vadd.f32 v1, v0;
	_ =	sdelay $0x1  }
0x171: {  	[tilespmem:s21+$0xFFFFFFF0] =	vst v0;
	v0 =	vld [tilespmem:s21+$0x0]  }
0x172: {  	v1 =	vld [tilespmem:s20+$0xFFFFFFD0];
	_ =	sdelay $0x4  }
0x173: {  	v0 =	vadd.f32 v1, v0;
	_ =	sdelay $0x1  }
0x174: {  	[tilespmem:s21+$0x0] =	vst v0;
	v0 =	vld [tilespmem:s21+$0x10]  }
0x175: {  	v1 =	vld [tilespmem:s20+$0xFFFFFFE0];
	_ =	sdelay $0x4  }
0x176: {  	v0 =	vadd.f32 v1, v0;
	_ =	sdelay $0x1  }
0x177: {  	[tilespmem:s21+$0x10] =	vst v0;
	v0 =	vld [tilespmem:s21+$0x20]  }
0x178: {  	v1 =	vld [tilespmem:s20+$0xFFFFFFF0];
	_ =	sdelay $0x4  }
0x179: {  	v0 =	vadd.f32 v1, v0;
	_ =	sdelay $0x1  }
0x17a: {  	[tilespmem:s21+$0x20] =	vst v0;
	v0 =	vld [tilespmem:s21+$0x30]  }
0x17b: {  	v1 =	vld [tilespmem:s20+$0x0];
	_ =	sdelay $0x4  }
0x17c: {  	v0 =	vadd.f32 v1, v0  }
0x17d: {  	s23 =	sor.u32 $0x80, s30;
	s26 =	simm.s32 $0x0;
	s24 =	simm.s32 $0xD6C0  }
.LBB2_13:
0x17e: {  	v1 =	vld [tilespmem:s24+$0xFFFFFFC0];
	[tilespmem:s21+$0x30] =	vst v0;
	s20 =	sadd.s32 $0x80, s20;
	s21 =	smov.u32 s24  }
0x17f: {  	s26 =	sadd.s32 $0x2, s26;
	v0 =	vld [tilespmem:s20+$0xFFFFFF90]  }
0x180: {  	p0 =	slt.u32 s26, $0x7E;
	_ =	sdelay $0x3  }
0x181: {  	v0 =	vadd.f32 v0, v1;
	_ =	sdelay $0x1  }
0x182: {  	[tilespmem:s24+$0xFFFFFFC0] =	vst v0;
	v0 =	vld [tilespmem:s24+$0xFFFFFFD0]  }
0x183: {  	v1 =	vld [tilespmem:s20+$0xFFFFFFA0];
	_ =	sdelay $0x4  }
0x184: {  	v0 =	vadd.f32 v1, v0;
	_ =	sdelay $0x1  }
0x185: {  	[tilespmem:s24+$0xFFFFFFD0] =	vst v0;
	v0 =	vld [tilespmem:s24+$0xFFFFFFE0]  }
0x186: {  	v1 =	vld [tilespmem:s20+$0xFFFFFFB0];
	_ =	sdelay $0x4  }
0x187: {  	v0 =	vadd.f32 v1, v0;
	_ =	sdelay $0x1  }
0x188: {  	[tilespmem:s24+$0xFFFFFFE0] =	vst v0;
	v0 =	vld [tilespmem:s24+$0xFFFFFFF0]  }
0x189: {  	v1 =	vld [tilespmem:s20+$0xFFFFFFC0];
	_ =	sdelay $0x4  }
0x18a: {  	v0 =	vadd.f32 v1, v0;
	_ =	sdelay $0x1  }
0x18b: {  	[tilespmem:s24+$0xFFFFFFF0] =	vst v0;
	v0 =	vld [tilespmem:s24+$0x0]  }
0x18c: {  	v1 =	vld [tilespmem:s20+$0xFFFFFFD0];
	_ =	sdelay $0x4  }
0x18d: {  	v0 =	vadd.f32 v1, v0;
	_ =	sdelay $0x1  }
0x18e: {  	[tilespmem:s24+$0x0] =	vst v0;
	v0 =	vld [tilespmem:s24+$0x10]  }
0x18f: {  	v1 =	vld [tilespmem:s20+$0xFFFFFFE0];
	_ =	sdelay $0x4  }
0x190: {  	v0 =	vadd.f32 v1, v0;
	_ =	sdelay $0x1  }
0x191: {  	[tilespmem:s24+$0x10] =	vst v0;
	v0 =	vld [tilespmem:s24+$0x20]  }
0x192: {  	v1 =	vld [tilespmem:s20+$0xFFFFFFF0];
	_ =	sdelay $0x4  }
0x193: {  	v0 =	vadd.f32 v1, v0;
	_ =	sdelay $0x1  }
0x194: {  	[tilespmem:s24+$0x20] =	vst v0;
	v0 =	vld [tilespmem:s24+$0x30]  }
0x195: {  	v1 =	vld [tilespmem:s20+$0x0];
	_ =	sdelay $0x1  }
.Ltmp5:
0x196: {  	(pc) =	sbr.rel @p0 .LBB2_13-.Ltmp5, $3  }
0x197: {  	_ =	sdelay $0x1  }
0x198: {  	v0 =	vadd.f32 v1, v0  }
0x199: {  	s24 =	sadd.s32 $0x80, s24  }
0x19a: {  	s20 =	sadd.s32 s4, s23  }
0x19b: {  	s20 =	sshll.u32 s20, $0x3  }
0x19c: {  	s20 =	sand.u32 $0x1FFFF400, s20  }
0x19d: {  	[tilespmem:s21+$0x30] =	vst v0;
	s26 =	simm.s32 $0xD600;
	s20 =	sadd.s32 s2, s20  }
0x19e: {  	[hbm4b:s20+s3] =	stream.linear.scatter [tilespmem:s26], [sflag:$0x6], $0x2000, $0x38;
	[tilespmem:$0x13600] =	vst v63  }
0x19f: {  	_ =	swait.ge [sflag:s29], $0x2000  }
0x1a0: {  	s20 =	sand.u32 $0x3FFFFE00, s30;
	[sflag:s29] =	ssyncset.done $0x0  }
0x1a1: {  	s30 =	simm.s32 $0xB600;
	s24 =	sadd.s32 $0x200, s20;
	[sflag:s29] =	ssyncadd.s32 $0xFFFFE000  }
0x1a2: {  	[tilespmem:s30], [sflag:$0x1] =	stream.indirect.gather [hbm4b:s5+s19], $0x40, s24, s19, $0xb8;
	[tilespmem:$0x13600] =	vst v63  }
0x1a3: {  	_ =	swait.ge [sflag:s31], $0x2000  }
0x1a4: {  	[sflag:s31] =	ssyncset.done $0x0  }
0x1a5: {  	s21 =	simm.s32 $0xF640;
	[sflag:s31] =	ssyncadd.s32 $0xFFFFE000  }
0x1a6: {  	v0 =	vld [tilespmem:s21+$0xFFFFFFC0]  }
0x1a7: {  	v1 =	vld [tilespmem:s17+$0xFFFFFF90];
	_ =	sdelay $0x4  }
0x1a8: {  	v0 =	vadd.f32 v1, v0;
	_ =	sdelay $0x1  }
0x1a9: {  	[tilespmem:s21+$0xFFFFFFC0] =	vst v0;
	v0 =	vld [tilespmem:s21+$0xFFFFFFD0]  }
0x1aa: {  	v1 =	vld [tilespmem:s17+$0xFFFFFFA0];
	_ =	sdelay $0x4  }
0x1ab: {  	v0 =	vadd.f32 v1, v0;
	_ =	sdelay $0x1  }
0x1ac: {  	[tilespmem:s21+$0xFFFFFFD0] =	vst v0;
	v0 =	vld [tilespmem:s21+$0xFFFFFFE0]  }
0x1ad: {  	v1 =	vld [tilespmem:s17+$0xFFFFFFB0];
	_ =	sdelay $0x4  }
0x1ae: {  	v0 =	vadd.f32 v1, v0;
	_ =	sdelay $0x1  }
0x1af: {  	[tilespmem:s21+$0xFFFFFFE0] =	vst v0;
	v0 =	vld [tilespmem:s21+$0xFFFFFFF0]  }
0x1b0: {  	v1 =	vld [tilespmem:s17+$0xFFFFFFC0];
	_ =	sdelay $0x4  }
0x1b1: {  	v0 =	vadd.f32 v1, v0;
	_ =	sdelay $0x1  }
0x1b2: {  	[tilespmem:s21+$0xFFFFFFF0] =	vst v0;
	v0 =	vld [tilespmem:s21+$0x0]  }
0x1b3: {  	v1 =	vld [tilespmem:s17+$0xFFFFFFD0];
	_ =	sdelay $0x4  }
0x1b4: {  	v0 =	vadd.f32 v1, v0;
	_ =	sdelay $0x1  }
0x1b5: {  	[tilespmem:s21+$0x0] =	vst v0;
	v0 =	vld [tilespmem:s21+$0x10]  }
0x1b6: {  	v1 =	vld [tilespmem:s17+$0xFFFFFFE0];
	_ =	sdelay $0x4  }
0x1b7: {  	v0 =	vadd.f32 v1, v0;
	_ =	sdelay $0x1  }
0x1b8: {  	[tilespmem:s21+$0x10] =	vst v0;
	v0 =	vld [tilespmem:s21+$0x20]  }
0x1b9: {  	v1 =	vld [tilespmem:s17+$0xFFFFFFF0];
	_ =	sdelay $0x4  }
0x1ba: {  	v0 =	vadd.f32 v1, v0;
	_ =	sdelay $0x1  }
0x1bb: {  	[tilespmem:s21+$0x20] =	vst v0;
	v0 =	vld [tilespmem:s21+$0x30]  }
0x1bc: {  	v1 =	vld [tilespmem:s17+$0x0];
	_ =	sdelay $0x4  }
0x1bd: {  	v0 =	vadd.f32 v1, v0  }
0x1be: {  	s23 =	simm.s32 $0x0;
	s24 =	simm.s32 $0xF6C0  }
.LBB2_15:
0x1bf: {  	v1 =	vld [tilespmem:s24+$0xFFFFFFC0];
	[tilespmem:s21+$0x30] =	vst v0;
	s17 =	sadd.s32 $0x80, s17;
	s21 =	smov.u32 s24  }
0x1c0: {  	s23 =	sadd.s32 $0x2, s23;
	v0 =	vld [tilespmem:s17+$0xFFFFFF90]  }
0x1c1: {  	p0 =	slt.u32 s23, $0x7E;
	_ =	sdelay $0x3  }
0x1c2: {  	v0 =	vadd.f32 v0, v1;
	_ =	sdelay $0x1  }
0x1c3: {  	[tilespmem:s24+$0xFFFFFFC0] =	vst v0;
	v0 =	vld [tilespmem:s24+$0xFFFFFFD0]  }
0x1c4: {  	v1 =	vld [tilespmem:s17+$0xFFFFFFA0];
	_ =	sdelay $0x4  }
0x1c5: {  	v0 =	vadd.f32 v1, v0;
	_ =	sdelay $0x1  }
0x1c6: {  	[tilespmem:s24+$0xFFFFFFD0] =	vst v0;
	v0 =	vld [tilespmem:s24+$0xFFFFFFE0]  }
0x1c7: {  	v1 =	vld [tilespmem:s17+$0xFFFFFFB0];
	_ =	sdelay $0x4  }
0x1c8: {  	v0 =	vadd.f32 v1, v0;
	_ =	sdelay $0x1  }
0x1c9: {  	[tilespmem:s24+$0xFFFFFFE0] =	vst v0;
	v0 =	vld [tilespmem:s24+$0xFFFFFFF0]  }
0x1ca: {  	v1 =	vld [tilespmem:s17+$0xFFFFFFC0];
	_ =	sdelay $0x4  }
0x1cb: {  	v0 =	vadd.f32 v1, v0;
	_ =	sdelay $0x1  }
0x1cc: {  	[tilespmem:s24+$0xFFFFFFF0] =	vst v0;
	v0 =	vld [tilespmem:s24+$0x0]  }
0x1cd: {  	v1 =	vld [tilespmem:s17+$0xFFFFFFD0];
	_ =	sdelay $0x4  }
0x1ce: {  	v0 =	vadd.f32 v1, v0;
	_ =	sdelay $0x1  }
0x1cf: {  	[tilespmem:s24+$0x0] =	vst v0;
	v0 =	vld [tilespmem:s24+$0x10]  }
0x1d0: {  	v1 =	vld [tilespmem:s17+$0xFFFFFFE0];
	_ =	sdelay $0x4  }
0x1d1: {  	v0 =	vadd.f32 v1, v0;
	_ =	sdelay $0x1  }
0x1d2: {  	[tilespmem:s24+$0x10] =	vst v0;
	v0 =	vld [tilespmem:s24+$0x20]  }
0x1d3: {  	v1 =	vld [tilespmem:s17+$0xFFFFFFF0];
	_ =	sdelay $0x4  }
0x1d4: {  	v0 =	vadd.f32 v1, v0;
	_ =	sdelay $0x1  }
0x1d5: {  	[tilespmem:s24+$0x20] =	vst v0;
	v0 =	vld [tilespmem:s24+$0x30]  }
0x1d6: {  	v1 =	vld [tilespmem:s17+$0x0];
	_ =	sdelay $0x1  }
.Ltmp6:
0x1d7: {  	(pc) =	sbr.rel @p0 .LBB2_15-.Ltmp6, $3  }
0x1d8: {  	_ =	sdelay $0x1  }
0x1d9: {  	v0 =	vadd.f32 v1, v0  }
0x1da: {  	s24 =	sadd.s32 $0x80, s24  }
0x1db: {  	s16 =	sadd.s32 s4, s16  }
0x1dc: {  	s16 =	sshll.u32 s16, $0x3  }
0x1dd: {  	s16 =	sand.u32 $0x1FFFF800, s16  }
0x1de: {  	[tilespmem:s21+$0x30] =	vst v0;
	s21 =	simm.s32 $0xF600;
	s16 =	sadd.s32 s2, s16  }
0x1df: {  	[hbm4b:s16+s3] =	stream.linear.scatter [tilespmem:s21], [sflag:$0x7], $0x2000, $0x38;
	[tilespmem:$0x13600] =	vst v63  }
0x1e0: {  	_ =	swait.ge [sflag:s1], $0x2000  }
0x1e1: {  	[sflag:s1] =	ssyncset.done $0x0  }
0x1e2: {  	s30 =	sadd.s32 $0x280, s20;
	[sflag:s1] =	ssyncadd.s32 $0xFFFFE000  }
0x1e3: {  	[tilespmem:s26], [sflag:$0x2] =	stream.indirect.gather [hbm4b:s5+s19], $0x40, s30, s19, $0xb8;
	[tilespmem:$0x13600] =	vst v63  }
0x1e4: {  	_ =	swait.ge [sflag:s18], $0x2000  }
0x1e5: {  	[sflag:s18] =	ssyncset.done $0x0  }
0x1e6: {  	s16 =	simm.s32 $0x11640;
	[sflag:s18] =	ssyncadd.s32 $0xFFFFE000  }
0x1e7: {  	v0 =	vld [tilespmem:s16+$0xFFFFFFC0]  }
0x1e8: {  	v1 =	vld [tilespmem:s15+$0xFFFFFF90];
	_ =	sdelay $0x4  }
0x1e9: {  	v0 =	vadd.f32 v1, v0;
	_ =	sdelay $0x1  }
0x1ea: {  	[tilespmem:s16+$0xFFFFFFC0] =	vst v0;
	v0 =	vld [tilespmem:s16+$0xFFFFFFD0]  }
0x1eb: {  	v1 =	vld [tilespmem:s15+$0xFFFFFFA0];
	_ =	sdelay $0x4  }
0x1ec: {  	v0 =	vadd.f32 v1, v0;
	_ =	sdelay $0x1  }
0x1ed: {  	[tilespmem:s16+$0xFFFFFFD0] =	vst v0;
	v0 =	vld [tilespmem:s16+$0xFFFFFFE0]  }
0x1ee: {  	v1 =	vld [tilespmem:s15+$0xFFFFFFB0];
	_ =	sdelay $0x4  }
0x1ef: {  	v0 =	vadd.f32 v1, v0;
	_ =	sdelay $0x1  }
0x1f0: {  	[tilespmem:s16+$0xFFFFFFE0] =	vst v0;
	v0 =	vld [tilespmem:s16+$0xFFFFFFF0]  }
0x1f1: {  	v1 =	vld [tilespmem:s15+$0xFFFFFFC0];
	_ =	sdelay $0x4  }
0x1f2: {  	v0 =	vadd.f32 v1, v0;
	_ =	sdelay $0x1  }
0x1f3: {  	[tilespmem:s16+$0xFFFFFFF0] =	vst v0;
	v0 =	vld [tilespmem:s16+$0x0]  }
0x1f4: {  	v1 =	vld [tilespmem:s15+$0xFFFFFFD0];
	_ =	sdelay $0x4  }
0x1f5: {  	v0 =	vadd.f32 v1, v0;
	_ =	sdelay $0x1  }
0x1f6: {  	[tilespmem:s16+$0x0] =	vst v0;
	v0 =	vld [tilespmem:s16+$0x10]  }
0x1f7: {  	v1 =	vld [tilespmem:s15+$0xFFFFFFE0];
	_ =	sdelay $0x4  }
0x1f8: {  	v0 =	vadd.f32 v1, v0;
	_ =	sdelay $0x1  }
0x1f9: {  	[tilespmem:s16+$0x10] =	vst v0;
	v0 =	vld [tilespmem:s16+$0x20]  }
0x1fa: {  	v1 =	vld [tilespmem:s15+$0xFFFFFFF0];
	_ =	sdelay $0x4  }
0x1fb: {  	v0 =	vadd.f32 v1, v0;
	_ =	sdelay $0x1  }
0x1fc: {  	[tilespmem:s16+$0x20] =	vst v0;
	v0 =	vld [tilespmem:s16+$0x30]  }
0x1fd: {  	v1 =	vld [tilespmem:s15+$0x0];
	_ =	sdelay $0x4  }
0x1fe: {  	v0 =	vadd.f32 v1, v0  }
0x1ff: {  	s17 =	simm.s32 $0x0;
	s20 =	simm.s32 $0x116C0  }
.LBB2_17:
0x200: {  	v1 =	vld [tilespmem:s20+$0xFFFFFFC0];
	[tilespmem:s16+$0x30] =	vst v0;
	s15 =	sadd.s32 $0x80, s15;
	s16 =	smov.u32 s20  }
0x201: {  	s17 =	sadd.s32 $0x2, s17;
	v0 =	vld [tilespmem:s15+$0xFFFFFF90]  }
0x202: {  	p0 =	slt.u32 s17, $0x7E;
	_ =	sdelay $0x3  }
0x203: {  	v0 =	vadd.f32 v0, v1;
	_ =	sdelay $0x1  }
0x204: {  	[tilespmem:s20+$0xFFFFFFC0] =	vst v0;
	v0 =	vld [tilespmem:s20+$0xFFFFFFD0]  }
0x205: {  	v1 =	vld [tilespmem:s15+$0xFFFFFFA0];
	_ =	sdelay $0x4  }
0x206: {  	v0 =	vadd.f32 v1, v0;
	_ =	sdelay $0x1  }
0x207: {  	[tilespmem:s20+$0xFFFFFFD0] =	vst v0;
	v0 =	vld [tilespmem:s20+$0xFFFFFFE0]  }
0x208: {  	v1 =	vld [tilespmem:s15+$0xFFFFFFB0];
	_ =	sdelay $0x4  }
0x209: {  	v0 =	vadd.f32 v1, v0;
	_ =	sdelay $0x1  }
0x20a: {  	[tilespmem:s20+$0xFFFFFFE0] =	vst v0;
	v0 =	vld [tilespmem:s20+$0xFFFFFFF0]  }
0x20b: {  	v1 =	vld [tilespmem:s15+$0xFFFFFFC0];
	_ =	sdelay $0x4  }
0x20c: {  	v0 =	vadd.f32 v1, v0;
	_ =	sdelay $0x1  }
0x20d: {  	[tilespmem:s20+$0xFFFFFFF0] =	vst v0;
	v0 =	vld [tilespmem:s20+$0x0]  }
0x20e: {  	v1 =	vld [tilespmem:s15+$0xFFFFFFD0];
	_ =	sdelay $0x4  }
0x20f: {  	v0 =	vadd.f32 v1, v0;
	_ =	sdelay $0x1  }
0x210: {  	[tilespmem:s20+$0x0] =	vst v0;
	v0 =	vld [tilespmem:s20+$0x10]  }
0x211: {  	v1 =	vld [tilespmem:s15+$0xFFFFFFE0];
	_ =	sdelay $0x4  }
0x212: {  	v0 =	vadd.f32 v1, v0;
	_ =	sdelay $0x1  }
0x213: {  	[tilespmem:s20+$0x10] =	vst v0;
	v0 =	vld [tilespmem:s20+$0x20]  }
0x214: {  	v1 =	vld [tilespmem:s15+$0xFFFFFFF0];
	_ =	sdelay $0x4  }
0x215: {  	v0 =	vadd.f32 v1, v0;
	_ =	sdelay $0x1  }
0x216: {  	[tilespmem:s20+$0x20] =	vst v0;
	v0 =	vld [tilespmem:s20+$0x30]  }
0x217: {  	v1 =	vld [tilespmem:s15+$0x0];
	_ =	sdelay $0x1  }
.Ltmp7:
0x218: {  	(pc) =	sbr.rel @p0 .LBB2_17-.Ltmp7, $3  }
0x219: {  	_ =	sdelay $0x1  }
0x21a: {  	v0 =	vadd.f32 v1, v0  }
0x21b: {  	s20 =	sadd.s32 $0x80, s20  }
0x21c: {  	s0 =	sadd.s32 $0x1, s0  }
0x21d: {  	s7 =	sadd.s32 s4, s7;
	s24 =	simm.s32 $0x11600;
	p0 =	sne.s32 s0, $0x31  }
.Ltmp8:
0x21e: {  	s6 =	sadd.s32 $0x8000, s6;
	s8 =	sadd.s32 $0x200, s8;
	(pc) =	sbr.rel @p0 .LBB2_10-.Ltmp8, $4  }
0x21f: {  	s9 =	sadd.s32 $0x8000, s9;
	s10 =	sadd.s32 $0x200, s10;
	s7 =	sshll.u32 s7, $0x3  }
0x220: {  	s11 =	sadd.s32 $0x8000, s11;
	s12 =	sadd.s32 $0x200, s12;
	s7 =	sand.u32 $0x1FFFFC00, s7  }
0x221: {  	[tilespmem:s16+$0x30] =	vst v0;
	s13 =	sadd.s32 $0x8000, s13;
	s14 =	sadd.s32 $0x200, s14;
	s7 =	sadd.s32 s2, s7  }
0x222: {  	[hbm4b:s7+s3] =	stream.linear.scatter [tilespmem:s24], [sflag:$0x8], $0x2000, $0x38;
	[tilespmem:$0x13600] =	vst v63  }
0x223: {  	_ =	swait.ge [sflag:s22], $0x2000  }
0x224: {  	[sflag:s22] =	ssyncset.done $0x0  }
0x225: {  	s0 =	simm.s32 $0x6300;
	s30 =	simm.s32 $0x1;
	[sflag:s22] =	ssyncadd.s32 $0xFFFFE000  }
0x226: {  	[tilespmem:s21], [sflag:$0x3] =	stream.indirect.gather [hbm4b:s5+s19], $0x40, s0, s19, $0xb8;
	[tilespmem:$0x13600] =	vst v63  }
0x227: {  	_ =	swait.ge [sflag:s30], $0x2000  }
0x228: {  	[sflag:s30] =	ssyncset.done $0x0  }
0x229: {  	s0 =	simm.s32 $0xB640;
	[sflag:s30] =	ssyncadd.s32 $0xFFFFE000  }
0x22a: {  	s6 =	simm.s32 $0x7A70;
	v0 =	vld [tilespmem:s0+$0xFFFFFFC0]  }
0x22b: {  	v1 =	vld [tilespmem:s6+$0xFFFFFF90];
	_ =	sdelay $0x4  }
0x22c: {  	v0 =	vadd.f32 v1, v0;
	_ =	sdelay $0x1  }
0x22d: {  	[tilespmem:s0+$0xFFFFFFC0] =	vst v0;
	v0 =	vld [tilespmem:s0+$0xFFFFFFD0]  }
0x22e: {  	v1 =	vld [tilespmem:s6+$0xFFFFFFA0];
	_ =	sdelay $0x4  }
0x22f: {  	v0 =	vadd.f32 v1, v0;
	_ =	sdelay $0x1  }
0x230: {  	[tilespmem:s0+$0xFFFFFFD0] =	vst v0;
	v0 =	vld [tilespmem:s0+$0xFFFFFFE0]  }
0x231: {  	v1 =	vld [tilespmem:s6+$0xFFFFFFB0];
	_ =	sdelay $0x4  }
0x232: {  	v0 =	vadd.f32 v1, v0;
	_ =	sdelay $0x1  }
0x233: {  	[tilespmem:s0+$0xFFFFFFE0] =	vst v0;
	v0 =	vld [tilespmem:s0+$0xFFFFFFF0]  }
0x234: {  	v1 =	vld [tilespmem:s6+$0xFFFFFFC0];
	_ =	sdelay $0x4  }
0x235: {  	v0 =	vadd.f32 v1, v0;
	_ =	sdelay $0x1  }
0x236: {  	[tilespmem:s0+$0xFFFFFFF0] =	vst v0;
	v0 =	vld [tilespmem:s0+$0x0]  }
0x237: {  	v1 =	vld [tilespmem:s6+$0xFFFFFFD0];
	_ =	sdelay $0x4  }
0x238: {  	v0 =	vadd.f32 v1, v0;
	_ =	sdelay $0x1  }
0x239: {  	[tilespmem:s0+$0x0] =	vst v0;
	v0 =	vld [tilespmem:s0+$0x10]  }
0x23a: {  	v1 =	vld [tilespmem:s6+$0xFFFFFFE0];
	_ =	sdelay $0x4  }
0x23b: {  	v0 =	vadd.f32 v1, v0;
	_ =	sdelay $0x1  }
0x23c: {  	[tilespmem:s0+$0x10] =	vst v0;
	v0 =	vld [tilespmem:s0+$0x20]  }
0x23d: {  	v1 =	vld [tilespmem:s6+$0xFFFFFFF0];
	_ =	sdelay $0x4  }
0x23e: {  	v0 =	vadd.f32 v1, v0;
	_ =	sdelay $0x1  }
0x23f: {  	[tilespmem:s0+$0x20] =	vst v0;
	v0 =	vld [tilespmem:s0+$0x30]  }
0x240: {  	v1 =	vld [tilespmem:s6+$0x0];
	_ =	sdelay $0x4  }
0x241: {  	v0 =	vadd.f32 v1, v0  }
0x242: {  	s7 =	simm.s32 $0x0;
	s8 =	simm.s32 $0xB6C0  }
.LBB2_20:
0x243: {  	v1 =	vld [tilespmem:s8+$0xFFFFFFC0];
	[tilespmem:s0+$0x30] =	vst v0;
	s6 =	sadd.s32 $0x80, s6;
	s0 =	smov.u32 s8  }
0x244: {  	s7 =	sadd.s32 $0x2, s7;
	v0 =	vld [tilespmem:s6+$0xFFFFFF90]  }
0x245: {  	p0 =	slt.u32 s7, $0x7E;
	_ =	sdelay $0x3  }
0x246: {  	v0 =	vadd.f32 v0, v1;
	_ =	sdelay $0x1  }
0x247: {  	[tilespmem:s8+$0xFFFFFFC0] =	vst v0;
	v0 =	vld [tilespmem:s8+$0xFFFFFFD0]  }
0x248: {  	v1 =	vld [tilespmem:s6+$0xFFFFFFA0];
	_ =	sdelay $0x4  }
0x249: {  	v0 =	vadd.f32 v1, v0;
	_ =	sdelay $0x1  }
0x24a: {  	[tilespmem:s8+$0xFFFFFFD0] =	vst v0;
	v0 =	vld [tilespmem:s8+$0xFFFFFFE0]  }
0x24b: {  	v1 =	vld [tilespmem:s6+$0xFFFFFFB0];
	_ =	sdelay $0x4  }
0x24c: {  	v0 =	vadd.f32 v1, v0;
	_ =	sdelay $0x1  }
0x24d: {  	[tilespmem:s8+$0xFFFFFFE0] =	vst v0;
	v0 =	vld [tilespmem:s8+$0xFFFFFFF0]  }
0x24e: {  	v1 =	vld [tilespmem:s6+$0xFFFFFFC0];
	_ =	sdelay $0x4  }
0x24f: {  	v0 =	vadd.f32 v1, v0;
	_ =	sdelay $0x1  }
0x250: {  	[tilespmem:s8+$0xFFFFFFF0] =	vst v0;
	v0 =	vld [tilespmem:s8+$0x0]  }
0x251: {  	v1 =	vld [tilespmem:s6+$0xFFFFFFD0];
	_ =	sdelay $0x4  }
0x252: {  	v0 =	vadd.f32 v1, v0;
	_ =	sdelay $0x1  }
0x253: {  	[tilespmem:s8+$0x0] =	vst v0;
	v0 =	vld [tilespmem:s8+$0x10]  }
0x254: {  	v1 =	vld [tilespmem:s6+$0xFFFFFFE0];
	_ =	sdelay $0x4  }
0x255: {  	v0 =	vadd.f32 v1, v0;
	_ =	sdelay $0x1  }
0x256: {  	[tilespmem:s8+$0x10] =	vst v0;
	v0 =	vld [tilespmem:s8+$0x20]  }
0x257: {  	v1 =	vld [tilespmem:s6+$0xFFFFFFF0];
	_ =	sdelay $0x4  }
0x258: {  	v0 =	vadd.f32 v1, v0;
	_ =	sdelay $0x1  }
0x259: {  	[tilespmem:s8+$0x20] =	vst v0;
	v0 =	vld [tilespmem:s8+$0x30]  }
0x25a: {  	v1 =	vld [tilespmem:s6+$0x0];
	_ =	sdelay $0x1  }
.Ltmp9:
0x25b: {  	(pc) =	sbr.rel @p0 .LBB2_20-.Ltmp9, $3  }
0x25c: {  	_ =	sdelay $0x1  }
0x25d: {  	v0 =	vadd.f32 v1, v0  }
0x25e: {  	s8 =	sadd.s32 $0x80, s8  }
0x25f: {  	[tilespmem:s0+$0x30] =	vst v0;
	s23 =	rddreg [dreg:$0x9];
	s6 =	simm.s32 $0xB600  }
0x260: {  	[hbm4b:s23+s3] =	stream.linear.scatter [tilespmem:s6], [sflag:$0x5], $0x2000, $0x38;
	[tilespmem:$0x13600] =	vst v63  }
0x261: {  	_ =	swait.ge [sflag:s25], $0x2000  }
0x262: {  	[sflag:s25] =	ssyncset.done $0x0  }
0x263: {  	s30 =	simm.s32 $0x6380;
	[sflag:s25] =	ssyncadd.s32 $0xFFFFE000  }
0x264: {  	[tilespmem:s24], [sflag:$0x4] =	stream.indirect.gather [hbm4b:s5+s19], $0x40, s30, s19, $0xb8;
	[tilespmem:$0x13600] =	vst v63  }
0x265: {  	_ =	swait.ge [sflag:s28], $0x2000  }
0x266: {  	[sflag:s28] =	ssyncset.done $0x0  }
0x267: {  	s0 =	simm.s32 $0xD640;
	[sflag:s28] =	ssyncadd.s32 $0xFFFFE000  }
0x268: {  	s6 =	simm.s32 $0x6870;
	v0 =	vld [tilespmem:s0+$0xFFFFFFC0]  }
0x269: {  	v1 =	vld [tilespmem:s6+$0xFFFFFF90];
	_ =	sdelay $0x4  }
0x26a: {  	v0 =	vadd.f32 v1, v0;
	_ =	sdelay $0x1  }
0x26b: {  	[tilespmem:s0+$0xFFFFFFC0] =	vst v0;
	v0 =	vld [tilespmem:s0+$0xFFFFFFD0]  }
0x26c: {  	v1 =	vld [tilespmem:s6+$0xFFFFFFA0];
	_ =	sdelay $0x4  }
0x26d: {  	v0 =	vadd.f32 v1, v0;
	_ =	sdelay $0x1  }
0x26e: {  	[tilespmem:s0+$0xFFFFFFD0] =	vst v0;
	v0 =	vld [tilespmem:s0+$0xFFFFFFE0]  }
0x26f: {  	v1 =	vld [tilespmem:s6+$0xFFFFFFB0];
	_ =	sdelay $0x4  }
0x270: {  	v0 =	vadd.f32 v1, v0;
	_ =	sdelay $0x1  }
0x271: {  	[tilespmem:s0+$0xFFFFFFE0] =	vst v0;
	v0 =	vld [tilespmem:s0+$0xFFFFFFF0]  }
0x272: {  	v1 =	vld [tilespmem:s6+$0xFFFFFFC0];
	_ =	sdelay $0x4  }
0x273: {  	v0 =	vadd.f32 v1, v0;
	_ =	sdelay $0x1  }
0x274: {  	[tilespmem:s0+$0xFFFFFFF0] =	vst v0;
	v0 =	vld [tilespmem:s0+$0x0]  }
0x275: {  	v1 =	vld [tilespmem:s6+$0xFFFFFFD0];
	_ =	sdelay $0x4  }
0x276: {  	v0 =	vadd.f32 v1, v0;
	_ =	sdelay $0x1  }
0x277: {  	[tilespmem:s0+$0x0] =	vst v0;
	v0 =	vld [tilespmem:s0+$0x10]  }
0x278: {  	v1 =	vld [tilespmem:s6+$0xFFFFFFE0];
	_ =	sdelay $0x4  }
0x279: {  	v0 =	vadd.f32 v1, v0;
	_ =	sdelay $0x1  }
0x27a: {  	[tilespmem:s0+$0x10] =	vst v0;
	v0 =	vld [tilespmem:s0+$0x20]  }
0x27b: {  	v1 =	vld [tilespmem:s6+$0xFFFFFFF0];
	_ =	sdelay $0x4  }
0x27c: {  	v0 =	vadd.f32 v1, v0;
	_ =	sdelay $0x1  }
0x27d: {  	[tilespmem:s0+$0x20] =	vst v0;
	v0 =	vld [tilespmem:s0+$0x30]  }
0x27e: {  	v1 =	vld [tilespmem:s6+$0x0];
	_ =	sdelay $0x4  }
0x27f: {  	v0 =	vadd.f32 v1, v0  }
0x280: {  	s7 =	simm.s32 $0x0;
	s8 =	simm.s32 $0xD6C0  }
.LBB2_22:
0x281: {  	v1 =	vld [tilespmem:s8+$0xFFFFFFC0];
	[tilespmem:s0+$0x30] =	vst v0;
	s6 =	sadd.s32 $0x80, s6;
	s0 =	smov.u32 s8  }
0x282: {  	s7 =	sadd.s32 $0x2, s7;
	v0 =	vld [tilespmem:s6+$0xFFFFFF90]  }
0x283: {  	p0 =	slt.u32 s7, $0x7E;
	_ =	sdelay $0x3  }
0x284: {  	v0 =	vadd.f32 v0, v1;
	_ =	sdelay $0x1  }
0x285: {  	[tilespmem:s8+$0xFFFFFFC0] =	vst v0;
	v0 =	vld [tilespmem:s8+$0xFFFFFFD0]  }
0x286: {  	v1 =	vld [tilespmem:s6+$0xFFFFFFA0];
	_ =	sdelay $0x4  }
0x287: {  	v0 =	vadd.f32 v1, v0;
	_ =	sdelay $0x1  }
0x288: {  	[tilespmem:s8+$0xFFFFFFD0] =	vst v0;
	v0 =	vld [tilespmem:s8+$0xFFFFFFE0]  }
0x289: {  	v1 =	vld [tilespmem:s6+$0xFFFFFFB0];
	_ =	sdelay $0x4  }
0x28a: {  	v0 =	vadd.f32 v1, v0;
	_ =	sdelay $0x1  }
0x28b: {  	[tilespmem:s8+$0xFFFFFFE0] =	vst v0;
	v0 =	vld [tilespmem:s8+$0xFFFFFFF0]  }
0x28c: {  	v1 =	vld [tilespmem:s6+$0xFFFFFFC0];
	_ =	sdelay $0x4  }
0x28d: {  	v0 =	vadd.f32 v1, v0;
	_ =	sdelay $0x1  }
0x28e: {  	[tilespmem:s8+$0xFFFFFFF0] =	vst v0;
	v0 =	vld [tilespmem:s8+$0x0]  }
0x28f: {  	v1 =	vld [tilespmem:s6+$0xFFFFFFD0];
	_ =	sdelay $0x4  }
0x290: {  	v0 =	vadd.f32 v1, v0;
	_ =	sdelay $0x1  }
0x291: {  	[tilespmem:s8+$0x0] =	vst v0;
	v0 =	vld [tilespmem:s8+$0x10]  }
0x292: {  	v1 =	vld [tilespmem:s6+$0xFFFFFFE0];
	_ =	sdelay $0x4  }
0x293: {  	v0 =	vadd.f32 v1, v0;
	_ =	sdelay $0x1  }
0x294: {  	[tilespmem:s8+$0x10] =	vst v0;
	v0 =	vld [tilespmem:s8+$0x20]  }
0x295: {  	v1 =	vld [tilespmem:s6+$0xFFFFFFF0];
	_ =	sdelay $0x4  }
0x296: {  	v0 =	vadd.f32 v1, v0;
	_ =	sdelay $0x1  }
0x297: {  	[tilespmem:s8+$0x20] =	vst v0;
	v0 =	vld [tilespmem:s8+$0x30]  }
0x298: {  	v1 =	vld [tilespmem:s6+$0x0];
	_ =	sdelay $0x1  }
.Ltmp10:
0x299: {  	(pc) =	sbr.rel @p0 .LBB2_22-.Ltmp10, $3  }
0x29a: {  	_ =	sdelay $0x1  }
0x29b: {  	v0 =	vadd.f32 v1, v0  }
0x29c: {  	s8 =	sadd.s32 $0x80, s8  }
0x29d: {  	[tilespmem:s0+$0x30] =	vst v0;
	s30 =	rddreg [dreg:$0xa]  }
0x29e: {  	[hbm4b:s30+s3] =	stream.linear.scatter [tilespmem:s26], [sflag:$0x6], $0x2000, $0x38;
	[tilespmem:$0x13600] =	vst v63  }
0x29f: {  	_ =	swait.ge [sflag:s31], $0x2000  }
0x2a0: {  	[sflag:s31] =	ssyncset.done $0x0  }
0x2a1: {  	s0 =	simm.s32 $0xF640;
	[sflag:s31] =	ssyncadd.s32 $0xFFFFE000  }
0x2a2: {  	s6 =	simm.s32 $0x8870;
	v0 =	vld [tilespmem:s0+$0xFFFFFFC0]  }
0x2a3: {  	v1 =	vld [tilespmem:s6+$0xFFFFFF90];
	_ =	sdelay $0x4  }
0x2a4: {  	v0 =	vadd.f32 v1, v0;
	_ =	sdelay $0x1  }
0x2a5: {  	[tilespmem:s0+$0xFFFFFFC0] =	vst v0;
	v0 =	vld [tilespmem:s0+$0xFFFFFFD0]  }
0x2a6: {  	v1 =	vld [tilespmem:s6+$0xFFFFFFA0];
	_ =	sdelay $0x4  }
0x2a7: {  	v0 =	vadd.f32 v1, v0;
	_ =	sdelay $0x1  }
0x2a8: {  	[tilespmem:s0+$0xFFFFFFD0] =	vst v0;
	v0 =	vld [tilespmem:s0+$0xFFFFFFE0]  }
0x2a9: {  	v1 =	vld [tilespmem:s6+$0xFFFFFFB0];
	_ =	sdelay $0x4  }
0x2aa: {  	v0 =	vadd.f32 v1, v0;
	_ =	sdelay $0x1  }
0x2ab: {  	[tilespmem:s0+$0xFFFFFFE0] =	vst v0;
	v0 =	vld [tilespmem:s0+$0xFFFFFFF0]  }
0x2ac: {  	v1 =	vld [tilespmem:s6+$0xFFFFFFC0];
	_ =	sdelay $0x4  }
0x2ad: {  	v0 =	vadd.f32 v1, v0;
	_ =	sdelay $0x1  }
0x2ae: {  	[tilespmem:s0+$0xFFFFFFF0] =	vst v0;
	v0 =	vld [tilespmem:s0+$0x0]  }
0x2af: {  	v1 =	vld [tilespmem:s6+$0xFFFFFFD0];
	_ =	sdelay $0x4  }
0x2b0: {  	v0 =	vadd.f32 v1, v0;
	_ =	sdelay $0x1  }
0x2b1: {  	[tilespmem:s0+$0x0] =	vst v0;
	v0 =	vld [tilespmem:s0+$0x10]  }
0x2b2: {  	v1 =	vld [tilespmem:s6+$0xFFFFFFE0];
	_ =	sdelay $0x4  }
0x2b3: {  	v0 =	vadd.f32 v1, v0;
	_ =	sdelay $0x1  }
0x2b4: {  	[tilespmem:s0+$0x10] =	vst v0;
	v0 =	vld [tilespmem:s0+$0x20]  }
0x2b5: {  	v1 =	vld [tilespmem:s6+$0xFFFFFFF0];
	_ =	sdelay $0x4  }
0x2b6: {  	v0 =	vadd.f32 v1, v0;
	_ =	sdelay $0x1  }
0x2b7: {  	[tilespmem:s0+$0x20] =	vst v0;
	v0 =	vld [tilespmem:s0+$0x30]  }
0x2b8: {  	v1 =	vld [tilespmem:s6+$0x0];
	_ =	sdelay $0x4  }
0x2b9: {  	v0 =	vadd.f32 v1, v0  }
0x2ba: {  	s7 =	simm.s32 $0x0;
	s8 =	simm.s32 $0xF6C0  }
.LBB2_24:
0x2bb: {  	v1 =	vld [tilespmem:s8+$0xFFFFFFC0];
	[tilespmem:s0+$0x30] =	vst v0;
	s6 =	sadd.s32 $0x80, s6;
	s0 =	smov.u32 s8  }
0x2bc: {  	s7 =	sadd.s32 $0x2, s7;
	v0 =	vld [tilespmem:s6+$0xFFFFFF90]  }
0x2bd: {  	p0 =	slt.u32 s7, $0x7E;
	_ =	sdelay $0x3  }
0x2be: {  	v0 =	vadd.f32 v0, v1;
	_ =	sdelay $0x1  }
0x2bf: {  	[tilespmem:s8+$0xFFFFFFC0] =	vst v0;
	v0 =	vld [tilespmem:s8+$0xFFFFFFD0]  }
0x2c0: {  	v1 =	vld [tilespmem:s6+$0xFFFFFFA0];
	_ =	sdelay $0x4  }
0x2c1: {  	v0 =	vadd.f32 v1, v0;
	_ =	sdelay $0x1  }
0x2c2: {  	[tilespmem:s8+$0xFFFFFFD0] =	vst v0;
	v0 =	vld [tilespmem:s8+$0xFFFFFFE0]  }
0x2c3: {  	v1 =	vld [tilespmem:s6+$0xFFFFFFB0];
	_ =	sdelay $0x4  }
0x2c4: {  	v0 =	vadd.f32 v1, v0;
	_ =	sdelay $0x1  }
0x2c5: {  	[tilespmem:s8+$0xFFFFFFE0] =	vst v0;
	v0 =	vld [tilespmem:s8+$0xFFFFFFF0]  }
0x2c6: {  	v1 =	vld [tilespmem:s6+$0xFFFFFFC0];
	_ =	sdelay $0x4  }
0x2c7: {  	v0 =	vadd.f32 v1, v0;
	_ =	sdelay $0x1  }
0x2c8: {  	[tilespmem:s8+$0xFFFFFFF0] =	vst v0;
	v0 =	vld [tilespmem:s8+$0x0]  }
0x2c9: {  	v1 =	vld [tilespmem:s6+$0xFFFFFFD0];
	_ =	sdelay $0x4  }
0x2ca: {  	v0 =	vadd.f32 v1, v0;
	_ =	sdelay $0x1  }
0x2cb: {  	[tilespmem:s8+$0x0] =	vst v0;
	v0 =	vld [tilespmem:s8+$0x10]  }
0x2cc: {  	v1 =	vld [tilespmem:s6+$0xFFFFFFE0];
	_ =	sdelay $0x4  }
0x2cd: {  	v0 =	vadd.f32 v1, v0;
	_ =	sdelay $0x1  }
0x2ce: {  	[tilespmem:s8+$0x10] =	vst v0;
	v0 =	vld [tilespmem:s8+$0x20]  }
0x2cf: {  	v1 =	vld [tilespmem:s6+$0xFFFFFFF0];
	_ =	sdelay $0x4  }
0x2d0: {  	v0 =	vadd.f32 v1, v0;
	_ =	sdelay $0x1  }
0x2d1: {  	[tilespmem:s8+$0x20] =	vst v0;
	v0 =	vld [tilespmem:s8+$0x30]  }
0x2d2: {  	v1 =	vld [tilespmem:s6+$0x0];
	_ =	sdelay $0x1  }
.Ltmp11:
0x2d3: {  	(pc) =	sbr.rel @p0 .LBB2_24-.Ltmp11, $3  }
0x2d4: {  	_ =	sdelay $0x1  }
0x2d5: {  	v0 =	vadd.f32 v1, v0  }
0x2d6: {  	s8 =	sadd.s32 $0x80, s8  }
0x2d7: {  	[tilespmem:s0+$0x30] =	vst v0;
	s30 =	rddreg [dreg:$0xb]  }
0x2d8: {  	[hbm4b:s30+s3] =	stream.linear.scatter [tilespmem:s21], [sflag:$0x7], $0x2000, $0x38;
	[tilespmem:$0x13600] =	vst v63  }
0x2d9: {  	_ =	swait.ge [sflag:s18], $0x2000  }
0x2da: {  	[sflag:s18] =	ssyncset.done $0x0  }
0x2db: {  	s0 =	simm.s32 $0x11640;
	[sflag:s18] =	ssyncadd.s32 $0xFFFFE000  }
0x2dc: {  	s6 =	simm.s32 $0x7670;
	v0 =	vld [tilespmem:s0+$0xFFFFFFC0]  }
0x2dd: {  	v1 =	vld [tilespmem:s6+$0xFFFFFF90];
	_ =	sdelay $0x4  }
0x2de: {  	v0 =	vadd.f32 v1, v0;
	_ =	sdelay $0x1  }
0x2df: {  	[tilespmem:s0+$0xFFFFFFC0] =	vst v0;
	v0 =	vld [tilespmem:s0+$0xFFFFFFD0]  }
0x2e0: {  	v1 =	vld [tilespmem:s6+$0xFFFFFFA0];
	_ =	sdelay $0x4  }
0x2e1: {  	v0 =	vadd.f32 v1, v0;
	_ =	sdelay $0x1  }
0x2e2: {  	[tilespmem:s0+$0xFFFFFFD0] =	vst v0;
	v0 =	vld [tilespmem:s0+$0xFFFFFFE0]  }
0x2e3: {  	v1 =	vld [tilespmem:s6+$0xFFFFFFB0];
	_ =	sdelay $0x4  }
0x2e4: {  	v0 =	vadd.f32 v1, v0;
	_ =	sdelay $0x1  }
0x2e5: {  	[tilespmem:s0+$0xFFFFFFE0] =	vst v0;
	v0 =	vld [tilespmem:s0+$0xFFFFFFF0]  }
0x2e6: {  	v1 =	vld [tilespmem:s6+$0xFFFFFFC0];
	_ =	sdelay $0x4  }
0x2e7: {  	v0 =	vadd.f32 v1, v0;
	_ =	sdelay $0x1  }
0x2e8: {  	[tilespmem:s0+$0xFFFFFFF0] =	vst v0;
	v0 =	vld [tilespmem:s0+$0x0]  }
0x2e9: {  	v1 =	vld [tilespmem:s6+$0xFFFFFFD0];
	_ =	sdelay $0x4  }
0x2ea: {  	v0 =	vadd.f32 v1, v0;
	_ =	sdelay $0x1  }
0x2eb: {  	[tilespmem:s0+$0x0] =	vst v0;
	v0 =	vld [tilespmem:s0+$0x10]  }
0x2ec: {  	v1 =	vld [tilespmem:s6+$0xFFFFFFE0];
	_ =	sdelay $0x4  }
0x2ed: {  	v0 =	vadd.f32 v1, v0;
	_ =	sdelay $0x1  }
0x2ee: {  	[tilespmem:s0+$0x10] =	vst v0;
	v0 =	vld [tilespmem:s0+$0x20]  }
0x2ef: {  	v1 =	vld [tilespmem:s6+$0xFFFFFFF0];
	_ =	sdelay $0x4  }
0x2f0: {  	v0 =	vadd.f32 v1, v0;
	_ =	sdelay $0x1  }
0x2f1: {  	[tilespmem:s0+$0x20] =	vst v0;
	v0 =	vld [tilespmem:s0+$0x30]  }
0x2f2: {  	v1 =	vld [tilespmem:s6+$0x0];
	_ =	sdelay $0x4  }
0x2f3: {  	v0 =	vadd.f32 v1, v0  }
0x2f4: {  	s7 =	simm.s32 $0x0;
	s8 =	simm.s32 $0x116C0  }
.LBB2_26:
0x2f5: {  	v1 =	vld [tilespmem:s8+$0xFFFFFFC0];
	[tilespmem:s0+$0x30] =	vst v0;
	s6 =	sadd.s32 $0x80, s6;
	s0 =	smov.u32 s8  }
0x2f6: {  	s7 =	sadd.s32 $0x2, s7;
	v0 =	vld [tilespmem:s6+$0xFFFFFF90]  }
0x2f7: {  	p0 =	slt.u32 s7, $0x7E;
	_ =	sdelay $0x3  }
0x2f8: {  	v0 =	vadd.f32 v0, v1;
	_ =	sdelay $0x1  }
0x2f9: {  	[tilespmem:s8+$0xFFFFFFC0] =	vst v0;
	v0 =	vld [tilespmem:s8+$0xFFFFFFD0]  }
0x2fa: {  	v1 =	vld [tilespmem:s6+$0xFFFFFFA0];
	_ =	sdelay $0x4  }
0x2fb: {  	v0 =	vadd.f32 v1, v0;
	_ =	sdelay $0x1  }
0x2fc: {  	[tilespmem:s8+$0xFFFFFFD0] =	vst v0;
	v0 =	vld [tilespmem:s8+$0xFFFFFFE0]  }
0x2fd: {  	v1 =	vld [tilespmem:s6+$0xFFFFFFB0];
	_ =	sdelay $0x4  }
0x2fe: {  	v0 =	vadd.f32 v1, v0;
	_ =	sdelay $0x1  }
0x2ff: {  	[tilespmem:s8+$0xFFFFFFE0] =	vst v0;
	v0 =	vld [tilespmem:s8+$0xFFFFFFF0]  }
0x300: {  	v1 =	vld [tilespmem:s6+$0xFFFFFFC0];
	_ =	sdelay $0x4  }
0x301: {  	v0 =	vadd.f32 v1, v0;
	_ =	sdelay $0x1  }
0x302: {  	[tilespmem:s8+$0xFFFFFFF0] =	vst v0;
	v0 =	vld [tilespmem:s8+$0x0]  }
0x303: {  	v1 =	vld [tilespmem:s6+$0xFFFFFFD0];
	_ =	sdelay $0x4  }
0x304: {  	v0 =	vadd.f32 v1, v0;
	_ =	sdelay $0x1  }
0x305: {  	[tilespmem:s8+$0x0] =	vst v0;
	v0 =	vld [tilespmem:s8+$0x10]  }
0x306: {  	v1 =	vld [tilespmem:s6+$0xFFFFFFE0];
	_ =	sdelay $0x4  }
0x307: {  	v0 =	vadd.f32 v1, v0;
	_ =	sdelay $0x1  }
0x308: {  	[tilespmem:s8+$0x10] =	vst v0;
	v0 =	vld [tilespmem:s8+$0x20]  }
0x309: {  	v1 =	vld [tilespmem:s6+$0xFFFFFFF0];
	_ =	sdelay $0x4  }
0x30a: {  	v0 =	vadd.f32 v1, v0;
	_ =	sdelay $0x1  }
0x30b: {  	[tilespmem:s8+$0x20] =	vst v0;
	v0 =	vld [tilespmem:s8+$0x30]  }
0x30c: {  	v1 =	vld [tilespmem:s6+$0x0];
	_ =	sdelay $0x1  }
.Ltmp12:
0x30d: {  	(pc) =	sbr.rel @p0 .LBB2_26-.Ltmp12, $3  }
0x30e: {  	_ =	sdelay $0x1  }
0x30f: {  	v0 =	vadd.f32 v1, v0  }
0x310: {  	s8 =	sadd.s32 $0x80, s8  }
0x311: {  	[tilespmem:s0+$0x30] =	vst v0;
	s23 =	rddreg [dreg:$0xc]  }
0x312: {  	[hbm4b:s23+s3] =	stream.linear.scatter [tilespmem:s24], [sflag:$0x8], $0x2000, $0x38;
	[tilespmem:$0x13600] =	vst v63  }
0x313: {  	_ =	swait.ge [sflag:s29], $0x2000  }
0x314: {  	[sflag:s29] =	ssyncset.done $0x0  }
0x315: {  	[sflag:s29] =	ssyncadd.s32 $0xFFFFE000  }
0x316: {  	_ =	swait.ge [sflag:s1], $0x2000  }
0x317: {  	[sflag:s1] =	ssyncset.done $0x0  }
0x318: {  	[sflag:s1] =	ssyncadd.s32 $0xFFFFE000  }
0x319: {  	_ =	swait.ge [sflag:s22], $0x2000  }
0x31a: {  	[sflag:s22] =	ssyncset.done $0x0  }
0x31b: {  	[sflag:s22] =	ssyncadd.s32 $0xFFFFE000  }
0x31c: {  	_ =	swait.ge [sflag:s25], $0x2000  }
0x31d: {  	s6 =	rddreg [dreg:$0xe]  }
0x31e: {  	s30 =	rddreg [dreg:$0xd];
	s6 =	sadd.s32 $0x1, s6  }
0x31f: {  	p0 =	sne.s32 s6, s30  }
.Ltmp13:
0x320: {  	_ = 	snop;
	(pc) =	sbr.rel @p0 .LBB2_1-.Ltmp13, $3  }
0x321: {  	_ =	sdelay $0x1  }
0x322: {  	[sflag:s25] =	ssyncset.done $0x0  }
0x323: {  	[sflag:s25] =	ssyncadd.s32 $0xFFFFE000  }
0x324: {  	_ =	sfence.sel $0x180000  }
0x325: {  	[bflag:$0x0] =	sbarrier.arrive $0xFFFF  }
0x326: {  	_ =	strace $0x90000047  }
0x327: {  	s0 =	stileid.u32;
	[bflag:$0x2] =	sbarrier.arrive $0xFFFF  }
0x328: {  	p0 =	sne.s32 s0, $0x0;
	s0 =	rddreg [dreg:$0x2]  }
0x329: {  	s0 =	sadd.s32 @!p0 $0x100000, s0  }
0x32a: {  	[sflag:s0] =	ssyncadd.tile.s32 @!p0 $0x1;
	_ =	shalt  }
.Lfunc_end2:
_tile_overlayer_lowered:
.L_overlay_start_2:
0x32b: {  	(tag) =	ssettag $0x2  }
0x32c: {  	s0 =	rddreg [dreg:$0x0];
	s2 =	stileid.u32  }
0x32d: {  	s1 =	rddreg [dreg:$0x1];
	p0 =	sne.s32 s2, $0x0  }
0x32e: {  	s3 =	rddreg [dreg:$0x2];
	[bflag:$0x3] =	sbarrier.arrive $0xFFFF;
	s2 =	simm.s32 @!p0 $0x1C09  }
0x32f: {  	[timem:s3], [sflag:s2] =	dma.local @!p0 [hbm:s0], s1  }
0x330: {  	s0 =	simm.s32 @!p0 $0x9  }
0x331: {  	_ =	swait.ge @!p0 [sflag:s0], s1  }
0x332: {  	s1 =	ssub.s32 @!p0 $0x0, s1;
	[sflag:s0] =	ssyncset.done @!p0 $0x0  }
0x333: {  	[sflag:s0] =	ssyncadd.s32 @!p0 s1  }
0x334: {  	[bflag:$0x3] =	sbarrier.arrive $0xFFFF  }
0x335: {  	_ =	shalt  }

// kernel: sparse-core-data-format-call.cloned.1.call-start
scs
called_computation_lowered:
.L_overlay_start_0:
0x0: {  	s2 =	sld [smem:$0x3FD9]  }
0x1: {  	s3 =	sld [smem:$0x3FFE];
	_ =	sdelay $0x1  }
0x2: {  	s1 =	srdreg.scid  }
0x3: {  	s0 =	sand.u32 $0x1, s1  }
0x4: {  	s18 =	sshll.u32 s0, $0xA;
	s2 =	sadd.s32 s3, s2  }
0x5: {  	s2 =	sadd.s32 s2, s18  }
0x6: {  	[smem:$0x3FC5] =	sst s2  }
0x7: {  	_ = 	snop  }
0x8: {  	s2 =	sld [smem:$0x3FD0];
	(tm) =	ssettm $0x1  }
0x9: {  	s19 =	sld [smem:$0x3FFB];
	_ =	sdelay $0x3  }
0xa: {  	_ =	strace s19  }
0xb: {  	s3 =	sld [smem:$0x3FFC];
	_ =	sdelay $0x3  }
0xc: {  	_ =	strace s3  }
0xd: {  	s3 =	sld [smem:$0x3FFD];
	_ =	sdelay $0x3  }
0xe: {  	_ =	strace s3  }
0xf: {  	_ =	strace $0x8FFFFFFF  }
0x10: {  	s20 =	sld [smem:$0x3FDB];
	_ =	sdelay $0x1  }
0x11: {  	s4 =	simm.s32 $_scs_section_size  }
0x12: {  	s5 =	simm.s32 $_size__tile_overlayer_lowered;
	s6 =	simm.s32 $_tile_overlayer_lowered  }
0x13: {  	s23 =	simm.s32 $0x1BFF;
	s22 =	sshll.u32 s6, $0x1;
	s3 =	sadd.s32 s4, s20  }
0x14: {  	s7 =	simm.s32 $0x0;
	s21 =	sshll.u32 s5, $0x1;
	s5 =	sadd.s32 s22, s3  }
0x15: {  	[timem:s7], [sflag:s23] =	dma.local [hbm:s5], s21  }
0x16: {  	_ =	swait.ge [sflag:s23], s21  }
0x17: {  	s4 =	ssub.s32 $0x0, s21;
	[sflag:s23] =	ssyncset.done $0x0  }
0x18: {  	[sflag:s23] =	ssyncadd.s32 s4;
	_ =	sdelay $0x1  }
0x19: {  	s24 =	simm.s32 $0x1B8B  }
0x1a: {  	_ =	swait.ge [sflag:s24], $0x1  }
0x1b: {  	[sflag:s24] =	ssyncset.done $0x0  }
0x1c: {  	s26 =	simm.s32 $0x1B8E;
	s25 =	sld [smem:$0x3FFE];
	[sflag:s24] =	ssyncadd.s32 $0xFFFFFFFF  }
0x1d: {  	s27 =	simm.s32 $execute0_lowered;
	[smem:$0x3FD2] =	sst s26  }
0x1e: {  	s5 =	sshll.u32 s27, $0x1;
	_ =	strace $0x80000049;
	[dreg:$0x1] =	wrdreg $0xFFFFFFFF  }
0x1f: {  	s28 =	simm.s32 $_size_execute0_lowered;
	s3 =	sadd.s32 s3, s5;
	[dreg:$0x0] =	wrdreg $0x0  }
0x20: {  	s5 =	sshll.u32 s28, $0x1;
	[dreg:$0x2] =	wrdreg s3  }
0x21: {  	[dreg:$0x3] =	wrdreg s5  }
0x22: {  	[dreg:$0x4] =	wrdreg $0xC0  }
0x23: {  	_ =	task [dreg:s7], $0x5FFFF  }
0x24: {  	[dreg:$0x1] =	wrdreg $0xFFFFFFFF  }
0x25: {  	[dreg:$0x0] =	wrdreg $0x60  }
0x26: {  	[dreg:$0x2] =	wrdreg s25  }
0x27: {  	[dreg:$0x3] =	wrdreg s2  }
0x28: {  	[dreg:$0x4] =	wrdreg $0x9  }
0x29: {  	_ =	task.clear_ibuf [dreg:s7], $0x5FFFF;
	_ =	strace $0x90000049  }
0x2a: {  	s29 =	simm.s32 $0x9;
	_ =	strace $0x8000004B  }
0x2b: {  	_ =	swait.ge [sflag:s29], $0x1  }
0x2c: {  	[sflag:s29] =	ssyncadd.s32 $0xFFFFFFFF  }
0x2d: {  	_ =	strace $0x9000004B  }
0x2e: {  	_ =	sfence  }
0x2f: {  	s30 =	sld [smem:$0x0];
	_ =	sdelay $0x2  }
0x30: {  	s31 =	sshll.u32 s1, $0xD;
	s1 =	sshrl.u32 s1, $0x2  }
0x31: {  	s3 =	sand.u32 $0x4000, s31;
	s1 =	sadd.s32 s1, s30  }
0x32: {  	s0 =	sor.u32 s3, s0;
	s1 =	sshll.u32 s1, $0x11  }
0x33: {  	s0 =	sor.u32 s1, s0  }
0x34: {  	s0 =	sadd.s32 $0x8F2B, s0  }
0x35: {  	[sflag:s0] =	ssyncadd.remote.s32 $0x1  }
0x36: {  	_ =	sfence.sel $0xFFFF  }
0x37: {  	[dreg:$0x0] =	wrdreg $0xFFFFFFFF;
	(pc) =	sbr.abs _section_cstart, $3  }
0x38: {  	[dreg:$0x1] =	wrdreg $0xFFFFFFFF  }
0x39: {  	_ =	task.clear_ibuf [dreg:s7], $0x2FFFF;
	_ =	strace $0x9FFFFFFF  }
0x3a: {  	(tm) =	ssettm $0x7FFFFFFF  }
0x3b: {  	_ =	shalt  }
tec
execute0_lowered:
.L_overlay_start_1:
0x0: {  	(tag) =	ssettag $0x1  }
0x1: {  	s0 =	srdreg.scid  }
0x2: {  	s1 =	sshll.u32 s0, $0x4  }
0x3: {  	s0 =	stileid.u32;
	s1 =	sand.u32 $0x10, s1  }
0x4: {  	s1 =	sor.u32 s0, s1  }
0x5: {  	s6 =	rddreg [dreg:$0x0];
	s4 =	simm.s32 $0x1;
	s2 =	sshll.u32 s1, $0x7  }
0x6: {  	s7 =	simm.s32 $0x2;
	s12 =	simm.s32 $0x0;
	s1 =	ssub.s32 $0x1000, s2  }
0x7: {  	s8 =	simm.s32 $0x8000;
	s13 =	simm.s32 $0x0;
	s3 =	sand.u32 $0xF80, s1  }
0x8: {  	s9 =	simm.s32 $0x0;
	s5 =	sshrl.u32 s1, $0xC;
	p0 =	sne.s32 s3, $0x0  }
.Ltmp0:
0x9: {  	s1 =	rddreg [dreg:$0x2];
	s4 =	simm.s32 @!p0 $0x0;
	(pc) =	sbr.rel .LBB1_1-.Ltmp0, $4  }
0xa: {  	s11 =	simm.s32 $0x0;
	s3 =	rddreg [dreg:$0x1];
	s5 =	sadd.s32 s4, s5  }
0xb: {  	_ =	strace $0x8000004A;
	s4 =	simm.s32 $0x1;
	s5 =	smul.u32 $0xC8, s5  }
0xc: {  	s6 =	sadd.s32 $0x800, s6;
	s10 =	smov.u32 s2;
	[sflag:s4] =	ssyncpa.u1 $0x0  }
0xd: {  	p0 =	por $0x0, $0x0;
	[sflag:s7] =	ssyncpa.u1 $0x0;
	s7 =	sor.u32 $0x1, s5  }
.LBB1_4:
0xe: {  	s16 =	sshll.u32 s13, $0x3;
	s17 =	sand.u32 $0x78, s13  }
0xf: {  	s30 =	sand.u32 $0x7E00, s13;
	s12 =	sshll.u32 s12, $0xF;
	s16 =	sand.u32 $0xC00, s16  }
0x10: {  	[tilespmem:s15+$0x810 ss:$0x81] =	vst.msk $0xffff, v2;
	s31 =	sand.u32 $0x7, s13;
	s16 =	sor.u32 s17, s16;
	s17 =	sadd.s32 s3, s30  }
0x11: {  	[tilespmem:s15+$0x1020 ss:$0x81] =	vst.msk $0xffff, v0;
	s13 =	sshll.u32 s31, $0x12;
	s12 =	sadd.s32 s12, s17;
	s16 =	sshrl.u32 s16, $0x3  }
0x12: {  	[tilespmem:s15+$0x0 ss:$0x81] =	vst.msk $0xffff, v1;
	s13 =	sor.u32 $0x400, s13;
	s12 =	sadd.s32 s16, s12  }
0x13: {  	[hbm4b:s12+s13] =	stream.strided.scatter [tilespmem:s14], [sflag:$0x2], $0x2000, s8, s13, $0x20;
	[tilespmem:$0x8080] =	vst v63  }
.LBB1_5:
0x14: {  	s14 =	sadd.s32 $0x1, s9  }
0x15: {  	s12 =	sadd.s32 $0x1000, s10;
	s16 =	smov.u32 s10;
	p2 =	sgt.s32 s14, $0xC7  }
0x16: {  	s16 =	smov.u32 @p2 s12  }
0x17: {  	s14 =	simm.s32 @p2 $0x0;
	p2 =	sgt.s32 s16, $0xFFF  }
0x18: {  	s16 =	smov.u32 @p2 s2;
	p2 =	sne.s32 s11, s7  }
.Ltmp1:
0x19: {  	p1 =	slt.u32 s11, $0x2;
	(pc) =	sbr.rel @!p2 .LBB1_6-.Ltmp1, $4  }
0x1a: {  	s15 =	simm.s32 @!p1 $0x2  }
0x1b: {  	s13 =	smov.u32 s10;
	p0 =	por !p0, !p0;
	_ =	swait.ge @!p1 [sflag:s15], $0x2000  }
0x1c: {  	s12 =	smov.u32 s9;
	[sflag:s15] =	ssyncset.done @!p1 $0x0;
	s9 =	smov.u32 s14  }
0x1d: {  	s11 =	sadd.s32 $0x1, s11;
	[sflag:s15] =	ssyncadd.s32 @!p1 $0xFFFFE000;
	s10 =	smov.u32 s16  }
.LBB1_1:
0x1e: {  	p1 =	sge.u32 s11, s5  }
0x1f: {  	s14 =	sand.u32 @!p1 $0x1FFFFFF, s9  }
0x20: {  	s15 =	smulhi.u32 @!p1 $0x147AE15, s14;
	_ =	sdelay $0x1  }
0x21: {  	s15 =	smul.u32 @!p1 $0xC8, s15  }
0x22: {  	s16 =	sxor.u32 @!p1 $0xFFFFFFFF, s11;
	s17 =	smul.u32 @!p1 $0xC80, s10  }
0x23: {  	s31 =	sadd.s32 $0xFFFFFFFF, s11;
	s16 =	sshll.u32 @!p1 s16, $0xD;
	s14 =	ssub.s32 @!p1 s14, s15  }
0x24: {  	s15 =	sand.u32 @!p1 $0x2000, s16;
	s16 =	sadd.s32 @!p1 s6, s17;
	s14 =	sshll.u32 @!p1 s14, $0x4  }
0x25: {  	s17 =	simm.s32 @!p1 $0x6400;
	s14 =	sadd.s32 @!p1 s14, s16;
	s16 =	simm.s32 @!p1 $0x40  }
0x26: {  	[tilespmem:s15], [sflag:$0x1] =	stream.strided.gather @!p1 [hbm4b:s14+s16], $0x2000, s17, s16, $0x38;
	[tilespmem:$0x8080] =	vst v63  }
0x27: {  	p1 =	sge.u32 s31, s5  }
.Ltmp2:
0x28: {  	_ = 	snop;
	(pc) =	sbr.rel @p1 .LBB1_5-.Ltmp2, $1  }
0x29: {  	_ =	sdelay $0x3  }
0x2a: {  	s14 =	simm.s32 $0x1  }
0x2b: {  	_ =	swait.ge [sflag:s4], $0x2000;
	s14 =	simm.s32 @!p0 $0x0  }
0x2c: {  	[sflag:s4] =	ssyncset.done $0x0;
	s15 =	sshll.u32 s14, $0xD  }
0x2d: {  	[sflag:s4] =	ssyncadd.s32 $0xFFFFE000;
	s18 =	sor.u32 $0x20, s15  }
0x2e: {  	s14 =	smul.u32 $0x8100, s14;
	v3 =	vld [tilespmem:s18+$0x10]  }
0x2f: {  	s30 =	sand.u32 $0x1, s11;
	v2 =	vld [tilespmem:s18+$0xFFFFFFF0]  }
0x30: {  	s15 =	smul.u32 $0x8100, s30;
	s14 =	sshrl.u32 s14, $0x2;
	v0 =	vld [tilespmem:s18+$0x0]  }
0x31: {  	v1 =	vld [tilespmem:s18+$0xFFFFFFE0];
	s16 =	sor.u32 $0x4000, s14  }
0x32: {  	s31 =	sshrl.u32 s15, $0x2;
	s15 =	sadd.s32 $0x0, s16  }
0x33: {  	s17 =	simm.s32 $0x4;
	s18 =	sadd.s32 $0x40, s18;
	s14 =	sor.u32 $0x4000, s31;
	[tilespmem:s15+$0x1830 ss:$0x81] =	vst.msk $0xffff, v3  }
.LBB1_3:
0x34: {  	v3 =	vld [tilespmem:s18+$0x10];
	p1 =	sne.s32 s17, $0x1FC;
	[tilespmem:s15+$0x810 ss:$0x81] =	vst.msk $0xffff, v2;
	s19 =	smov.u32 s17;
	s17 =	sadd.s32 $0x4, s17  }
.Ltmp3:
0x35: {  	v2 =	vld [tilespmem:s18+$0xFFFFFFF0];
	[tilespmem:s15+$0x1020 ss:$0x81] =	vst.msk $0xffff, v0;
	(pc) =	sbr.rel @p1 .LBB1_3-.Ltmp3, $4  }
0x36: {  	v0 =	vld [tilespmem:s18+$0x0];
	[tilespmem:s15+$0x0 ss:$0x81] =	vst.msk $0xffff, v1  }
0x37: {  	s15 =	sshra.s32 s19, $0x2;
	v1 =	vld [tilespmem:s18+$0xFFFFFFE0]  }
0x38: {  	s15 =	sadd.s32 s15, s16  }
0x39: {  	s18 =	sadd.s32 $0x40, s18;
	[tilespmem:s15+$0x1830 ss:$0x81] =	vst.msk $0xffff, v3  }
.Ltmp4:
0x3a: {  	_ = 	snop;
	(pc) =	sbr.rel .LBB1_4-.Ltmp4, $1  }
0x3b: {  	_ =	sdelay $0x3  }
.LBB1_6:
0x3c: {  	_ =	sfence.sel $0x180000  }
0x3d: {  	s2 =	simm.s32 $0x1;
	[bflag:$0x0] =	sbarrier.arrive $0xFFFF  }
0x3e: {  	s31 =	simm.s32 $0x2;
	[sflag:s2] =	ssyncpa.u1 $0x1  }
0x3f: {  	[sflag:s31] =	ssyncpa.u1 $0x1  }
0x40: {  	p0 =	sne.s32 s0, $0x0;
	_ =	strace $0x9000004A  }
0x41: {  	s0 =	sadd.s32 @!p0 $0x100000, s1;
	[bflag:$0x2] =	sbarrier.arrive $0xFFFF  }
0x42: {  	[sflag:s0] =	ssyncadd.tile.s32 @!p0 $0x1;
	_ =	shalt  }
.Lfunc_end1:
_tile_overlayer_lowered:
.L_overlay_start_2:
0x43: {  	(tag) =	ssettag $0x2  }
0x44: {  	s0 =	rddreg [dreg:$0x0];
	s2 =	stileid.u32  }
0x45: {  	s1 =	rddreg [dreg:$0x1];
	p0 =	sne.s32 s2, $0x0  }
0x46: {  	s3 =	rddreg [dreg:$0x2];
	[bflag:$0x3] =	sbarrier.arrive $0xFFFF;
	s2 =	simm.s32 @!p0 $0x1C01  }
0x47: {  	[timem:s3], [sflag:s2] =	dma.local @!p0 [hbm:s0], s1  }
0x48: {  	s0 =	simm.s32 @!p0 $0x1  }
0x49: {  	_ =	swait.ge @!p0 [sflag:s0], s1  }
0x4a: {  	s1 =	ssub.s32 @!p0 $0x0, s1;
	[sflag:s0] =	ssyncset.done @!p0 $0x0  }
0x4b: {  	[sflag:s0] =	ssyncadd.s32 @!p0 s1  }
0x4c: {  	[bflag:$0x3] =	sbarrier.arrive $0xFFFF  }
0x4d: {  	_ =	shalt  }

</sc_bundles>
